<compile_context>
chip_gen: v7x
topology: tpu7x:2x2x1
jax: 0.10.2.dev20260603
libtpu: 0.0.44.dev20260713+nightly
codegen_flags: <defaults>
</compile_context>

<pallas_src>
import functools

import jax
import jax.numpy as jnp
from jax import lax
from jax.experimental import pallas as pl
from jax.experimental.pallas import tpu as pltpu
from jax.experimental.pallas import tpu_sc as plsc

N = 10000
E = 320000
D = 128
NC, NS = 2, 16
C = 128
CH = 158
E_PAD = NS * CH * C
SPLIT = 5056
A_ROWS = 5120
RPT = A_ROWS // NS
NBUF = 2


def _make_agg(with_deg):
  mesh = plsc.VectorSubcoreMesh(core_axis_name="c", subcore_axis_name="s",
                                num_cores=NC)
  out_type = jax.ShapeDtypeStruct((NC, A_ROWS, D), jnp.float32)
  if with_deg:
    out_type = (out_type, jax.ShapeDtypeStruct((NC, NS, A_ROWS), jnp.float32))
  scratch = [
      pltpu.VMEM((CH, C), jnp.int32),
      pltpu.VMEM((CH, C), jnp.int32),
      pltpu.VMEM((NBUF, C, D), jnp.float32),
      pltpu.VMEM_SHARED((A_ROWS, D), jnp.float32),
      pltpu.SemaphoreType.DMA((NBUF,)),
      pltpu.SemaphoreType.DMA,
  ]
  if with_deg:
    scratch.append(pltpu.VMEM((A_ROWS,), jnp.float32))

  @functools.partial(
      pl.kernel, out_type=out_type, mesh=mesh, scratch_types=scratch,
      compiler_params=pltpu.CompilerParams(needs_layout_passes=False))
  def agg(h_hbm, src_hbm, dst_hbm, *rest):
    if with_deg:
      out_hbm, deg_hbm, src_v, dst_v, rows_v, acc, gsem, ssem, deg_v = rest
    else:
      out_hbm, src_v, dst_v, rows_v, acc, gsem, ssem = rest
    cid = lax.axis_index("c")
    sid = lax.axis_index("s")
    row0 = cid * SPLIT

    zero16 = jnp.zeros((16,), jnp.float32)
    nzv = D // 16

    def zrow(i, _):
      rows_v[0, i // nzv, pl.ds((i % nzv) * 16, 16)] = zero16
      return 0

    lax.fori_loop(0, C * nzv, zrow, 0)
    if with_deg:
      def zdeg(i, _):
        deg_v[pl.ds(i * 16, 16)] = zero16
        return 0
      lax.fori_loop(0, A_ROWS // 16, zdeg, 0)
    base = sid * RPT
    for k in range(RPT // C):
      pltpu.sync_copy(rows_v.at[0], acc.at[pl.ds(base + k * C, C)])
    rem = RPT - (RPT // C) * C
    if rem:
      pltpu.sync_copy(rows_v.at[0, pl.ds(0, rem)],
                      acc.at[pl.ds(base + (RPT // C) * C, rem)])

    pltpu.sync_copy(src_hbm.at[sid], src_v)
    pltpu.sync_copy(dst_hbm.at[sid], dst_v)

    trash16 = jnp.full((16,), SPLIT, jnp.int32)

    def remap(i, _):
      c = i // (C // 16)
      off = (i % (C // 16)) * 16
      v = dst_v[c, pl.ds(off, 16)] - row0
      oob = (v < 0) | (v >= SPLIT)
      dst_v[c, pl.ds(off, 16)] = jnp.where(oob, trash16, v)
      return 0

    lax.fori_loop(0, CH * (C // 16), remap, 0)
    plsc.subcore_barrier()

    for b in range(NBUF):
      pltpu.async_copy(h_hbm.at[src_v.at[b]], rows_v.at[b], gsem.at[b])

    ones16 = jnp.ones((16,), jnp.float32)

    def body(c, _):
      p = lax.rem(c, NBUF)
      pltpu.make_async_copy(h_hbm.at[src_v.at[c]], rows_v.at[p],
                            gsem.at[p]).wait()
      sc = pltpu.make_async_copy(rows_v.at[p], acc.at[dst_v.at[c]], ssem)
      sc.start(add=True)
      if with_deg:
        for j in range(C // 16):
          dvec = dst_v[c, pl.ds(j * 16, 16)]
          plsc.addupdate_scatter(deg_v, [dvec], ones16)
      sc.wait()

      @pl.when(c + NBUF < CH)
      def _():
        pltpu.async_copy(h_hbm.at[src_v.at[c + NBUF]], rows_v.at[p],
                         gsem.at[p])
      return 0

    lax.fori_loop(0, CH, body, 0)
    if with_deg:
      pltpu.sync_copy(deg_v, deg_hbm.at[cid, sid])
    plsc.subcore_barrier()

    pltpu.sync_copy(acc.at[pl.ds(base, RPT)],
                    out_hbm.at[cid, pl.ds(base, RPT)])

  return agg


_agg_l0 = _make_agg(True)
_agg = _make_agg(False)


def _assemble(p_ref):
  return jnp.concatenate([p_ref[0, :SPLIT, :], p_ref[1, :N - SPLIT, :]],
                         axis=0)


def _dense0_body(x_ref, p_ref, dh_ref, ws_ref, wn_ref, b_ref, g_ref, be_ref,
                 h_out, dinv_out):
  agg = _assemble(p_ref)
  ones = jnp.ones((NS, 1), jnp.float32)
  dn = (((0,), (0,)), ((), ()))
  d_lo = lax.dot_general(dh_ref[0], ones, dimension_numbers=dn,
                         preferred_element_type=jnp.float32)
  d_hi = lax.dot_general(dh_ref[1], ones, dimension_numbers=dn,
                         preferred_element_type=jnp.float32)
  deg = jnp.concatenate([d_lo[:SPLIT], d_hi[:N - SPLIT]], axis=0)
  dinv = 1.0 / jnp.maximum(deg, 1.0)
  hn = agg * dinv
  hpre = (jnp.dot(x_ref[...], ws_ref[...], preferred_element_type=jnp.float32)
          + jnp.dot(hn, wn_ref[...], preferred_element_type=jnp.float32)
          + b_ref[...])
  mu = jnp.mean(hpre, axis=0, keepdims=True)
  var = jnp.mean((hpre - mu) ** 2, axis=0, keepdims=True)
  y = (hpre - mu) * lax.rsqrt(var + 1e-5) * g_ref[...] + be_ref[...]
  h_out[...] = jnp.maximum(y, 0.0)
  dinv_out[...] = jnp.broadcast_to(dinv, (N, D))


def _dense1_body(h_ref, p_ref, dinv_ref, ws_ref, wn_ref, b_ref, g_ref, be_ref,
                 h_out):
  hn = _assemble(p_ref) * dinv_ref[...]
  hpre = (jnp.dot(h_ref[...], ws_ref[...], preferred_element_type=jnp.float32)
          + jnp.dot(hn, wn_ref[...], preferred_element_type=jnp.float32)
          + b_ref[...])
  mu = jnp.mean(hpre, axis=0, keepdims=True)
  var = jnp.mean((hpre - mu) ** 2, axis=0, keepdims=True)
  y = (hpre - mu) * lax.rsqrt(var + 1e-5) * g_ref[...] + be_ref[...]
  h_out[...] = jnp.maximum(y, 0.0)


def _dense2_body(h_ref, p_ref, dinv_ref, ws_ref, wn_ref, b_ref,
                 dw1_ref, db1_ref, dw2_ref, db2_ref, dw3_ref, db3_ref,
                 out_ref):
  hn = _assemble(p_ref) * dinv_ref[...]
  h = (jnp.dot(h_ref[...], ws_ref[...], preferred_element_type=jnp.float32)
       + jnp.dot(hn, wn_ref[...], preferred_element_type=jnp.float32)
       + b_ref[...])
  h = jnp.maximum(
      jnp.dot(h, dw1_ref[...], preferred_element_type=jnp.float32)
      + db1_ref[...], 0.0)
  h = jnp.maximum(
      jnp.dot(h, dw2_ref[...], preferred_element_type=jnp.float32)
      + db2_ref[...], 0.0)
  out_ref[...] = (jnp.dot(h, dw3_ref[...], preferred_element_type=jnp.float32)
                  + db3_ref[...])


def kernel(x, edge_index, Ws0, Wn0, b0, Ws1, Wn1, b1, Ws2, Wn2, b2,
           gamma, beta, Dw1, Db1, Dw2, Db2, Dw3, Db3):
  src = edge_index[0]
  dst = edge_index[1]
  pad = E_PAD - E
  src_p = jnp.concatenate([src, jnp.zeros((pad,), jnp.int32)]).reshape(NS, CH, C)
  dst_p = jnp.concatenate([dst, jnp.full((pad,), N, jnp.int32)]).reshape(NS, CH, C)

  b0_, b1_, b2_ = b0.reshape(1, D), b1.reshape(1, D), b2.reshape(1, D)
  g_, be_ = gamma.reshape(1, D), beta.reshape(1, D)
  Db1_, Db2_, Db3_ = Db1.reshape(1, D), Db2.reshape(1, D), Db3.reshape(1, 1)

  p0, dh = _agg_l0(x, src_p, dst_p)
  h1, dinv = pl.pallas_call(
      _dense0_body,
      out_shape=(jax.ShapeDtypeStruct((N, D), jnp.float32),
                 jax.ShapeDtypeStruct((N, D), jnp.float32)),
  )(x, p0, dh, Ws0, Wn0, b0_, g_, be_)

  p1 = _agg(h1, src_p, dst_p)
  h2 = pl.pallas_call(
      _dense1_body,
      out_shape=jax.ShapeDtypeStruct((N, D), jnp.float32),
  )(h1, p1, dinv, Ws1, Wn1, b1_, g_, be_)

  p2 = _agg(h2, src_p, dst_p)
  out = pl.pallas_call(
      _dense2_body,
      out_shape=jax.ShapeDtypeStruct((N, 1), jnp.float32),
  )(h2, p2, dinv, Ws2, Wn2, b2_, Dw1, Db1_, Dw2, Db2_, Dw3, Db3_)
  return out

# --- scband reference (transcript-rebuilt; emitter-appended) ---
"""Pipeline reference for scband-sage-79328045957726 (READ-ONLY COPY).

The authoritative reference and input builder live on the scoring server;
editing this copy changes nothing except your own understanding.
"""

import jax, jax.numpy as jnp
import numpy as np

N = 10000
E = 320000
D = 128
H = 128


def _glorot(key, shape):
    fan = shape[0]
    return jax.random.normal(key, shape, dtype=jnp.float32) / np.sqrt(fan)


def setup_inputs(seed: int = 0):
    key = jax.random.key(seed)
    ks = jax.random.split(key, 16)
    out = {}
    out["x"] = jax.random.normal(ks[0], (N, D), dtype=jnp.float32)
    out["edge_index"] = jax.random.randint(ks[1], (2, E), 0, N, dtype=jnp.int32)
    dims = [(D, H), (H, H), (H, H)]
    for i, (di, do) in enumerate(dims):
        out[f"Ws{i}"] = _glorot(ks[2 + 3 * i], (di, do))
        out[f"Wn{i}"] = _glorot(ks[3 + 3 * i], (di, do))
        out[f"b{i}"] = jnp.zeros((do,), dtype=jnp.float32)
    out["gamma"] = jnp.ones((H,), jnp.float32)
    out["beta"] = jnp.zeros((H,), jnp.float32)
    out["Dw1"] = _glorot(ks[11], (H, H))
    out["Db1"] = jnp.zeros((H,), jnp.float32)
    out["Dw2"] = _glorot(ks[12], (H, H))
    out["Db2"] = jnp.zeros((H,), jnp.float32)
    out["Dw3"] = _glorot(ks[13], (H, 1))
    out["Db3"] = jnp.zeros((1,), jnp.float32)
    return out


def _sage_layer(h, src, dst, Ws, Wn, b):
    # DGL SAGEConv with 'mean' aggregator:
    #   rst = fc_self(h_dst) + fc_neigh(mean_{src->dst}(h_src)) + bias
    msgs = h[src]
    agg = jax.ops.segment_sum(msgs, dst, num_segments=N)
    deg = jax.ops.segment_sum(jnp.ones((src.shape[0],), jnp.float32), dst, num_segments=N)
    h_neigh = agg / jnp.maximum(deg, 1.0)[:, None]
    return h @ Ws + h_neigh @ Wn + b


def _bn(h, gamma, beta):
    mu = h.mean(axis=0)
    var = h.var(axis=0)
    return (h - mu) / jnp.sqrt(var + 1e-5) * gamma + beta


def reference(x, edge_index, Ws0, Wn0, b0, Ws1, Wn1, b1, Ws2, Wn2, b2, gamma, beta, Dw1, Db1, Dw2, Db2, Dw3, Db3):
    src = edge_index[0]
    dst = edge_index[1]
    h = _sage_layer(x, src, dst, Ws0, Wn0, b0)
    h = jax.nn.relu(_bn(h, gamma, beta))  # dropout is identity in eval
    h = _sage_layer(h, src, dst, Ws1, Wn1, b1)
    h = jax.nn.relu(_bn(h, gamma, beta))
    h = _sage_layer(h, src, dst, Ws2, Wn2, b2)
    h = jax.nn.relu(h @ Dw1 + Db1)
    h = jax.nn.relu(h @ Dw2 + Db2)
    h = h @ Dw3 + Db3
    return h

if __name__ == "__main__":
    import jax
    _d = setup_inputs()
    print(jax.jit(kernel)(*tuple(_d.values())))

</pallas_src>

<mosaic_0001>
#map = affine_map<(d0, d1) -> (0, 0)>
#map1 = affine_map<(d0, d1) -> (0, 0, 0)>
module attributes {stable_mosaic.version = 14 : i64} {
  func.func @agg(%arg0: i32, %arg1: i32, %arg2: memref<10000x128xf32, #tpu.memory_space<hbm>>, %arg3: memref<16x158x128xi32, #tpu.memory_space<hbm>>, %arg4: memref<16x158x128xi32, #tpu.memory_space<hbm>>, %arg5: memref<2x5120x128xf32, #tpu.memory_space<hbm>>, %arg6: memref<158x128xi32, #tpu.memory_space<vmem>>, %arg7: memref<158x128xi32, #tpu.memory_space<vmem>>, %arg8: memref<2x128x128xf32, #tpu.memory_space<vmem>>, %arg9: memref<5120x128xf32, #tpu.memory_space<vmem_shared>>, %arg10: memref<2x!tpu.dma_semaphore, #tpu.memory_space<semaphore_mem>>, %arg11: memref<!tpu.dma_semaphore, #tpu.memory_space<semaphore_mem>>) attributes {dimension_semantics = [#tpu.dimension_semantics<core_parallel>, #tpu.dimension_semantics<subcore_parallel>], iteration_bounds = array<i64: 2, 16>, scalar_prefetch = 0 : i64, scratch_operands = 6 : i64, tpu.core_type = #tpu.core_type<sc_vector_subcore>, window_params = [{transform_indices = #map}, {transform_indices = #map1}, {transform_indices = #map1}, {transform_indices = #map1}]} {
    %mul3A = arith.constant 5056 : i32
    %mul3A_0 = arith.muli %arg0, %mul3A : i32
    %broadcast_in_dim3A = arith.constant 0.000000e+00 : f32
    %broadcast_in_dim3A_1 = vector.broadcast %broadcast_in_dim3A : f32 to vector<16xf32>
    %scan3A = arith.constant 0 : i32
    %scan3A_2 = arith.constant 0 : i32
    %scan3A_3 = arith.constant 1024 : i32
    %scan3A_4 = arith.addi %scan3A_2, %scan3A_3 : i32
    %scan3A_5 = arith.constant 1 : i32
    %scan3A_6 = scf.for %scan3A_65 = %scan3A_2 to %scan3A_4 step %scan3A_5 iter_args(%scan3A_66 = %scan3A) -> (i32)  : i32 {
      %jit3A = arith.constant 8 : i32
      %div3A = arith.divsi %scan3A_65, %jit3A : i32
      %sign3A = arith.constant 0 : i32
      %sign3A_67 = arith.cmpi sgt, %scan3A_65, %sign3A : i32
      %sign3A_68 = arith.extui %sign3A_67 : i1 to i32
      %sign3A_69 = arith.constant 0 : i32
      %sign3A_70 = arith.cmpi slt, %scan3A_65, %sign3A_69 : i32
      %sign3A_71 = arith.extui %sign3A_70 : i1 to i32
      %sign3A_72 = arith.subi %sign3A_68, %sign3A_71 : i32
      %sign3A_73 = arith.constant 0 : i32
      %sign3A_74 = arith.cmpi sgt, %jit3A, %sign3A_73 : i32
      %sign3A_75 = arith.extui %sign3A_74 : i1 to i32
      %sign3A_76 = arith.constant 0 : i32
      %sign3A_77 = arith.cmpi slt, %jit3A, %sign3A_76 : i32
      %sign3A_78 = arith.extui %sign3A_77 : i1 to i32
      %sign3A_79 = arith.subi %sign3A_75, %sign3A_78 : i32
      %ne3A = arith.cmpi ne, %sign3A_72, %sign3A_79 : i32
      %rem3A = arith.remsi %scan3A_65, %jit3A : i32
      %ne3A_80 = arith.constant 0 : i32
      %ne3A_81 = arith.cmpi ne, %rem3A, %ne3A_80 : i32
      %and3A = arith.andi %ne3A, %ne3A_81 : i1
      %sub3A = arith.constant 1 : i32
      %sub3A_82 = arith.subi %div3A, %sub3A : i32
      %select_n3A = arith.select %and3A, %sub3A_82, %div3A : i32
      %jit3A_83 = arith.constant 8 : i32
      %eq3A = arith.constant 0 : i32
      %eq3A_84 = arith.cmpi eq, %jit3A_83, %eq3A : i32
      %jit3A_85 = arith.constant 1 : i32
      %select_n3A_86 = arith.select %eq3A_84, %jit3A_85, %jit3A_83 : i32
      %rem3A_87 = arith.remsi %scan3A_65, %select_n3A_86 : i32
      %ne3A_88 = arith.constant 0 : i32
      %ne3A_89 = arith.cmpi ne, %rem3A_87, %ne3A_88 : i32
      %lt3A = arith.constant 0 : i32
      %lt3A_90 = arith.cmpi slt, %rem3A_87, %lt3A : i32
      %lt3A_91 = arith.constant 0 : i32
      %lt3A_92 = arith.cmpi slt, %select_n3A_86, %lt3A_91 : i32
      %ne3A_93 = arith.xori %lt3A_90, %lt3A_92 : i1
      %and3A_94 = arith.andi %ne3A_93, %ne3A_89 : i1
      %add3A_95 = arith.addi %rem3A_87, %select_n3A_86 : i32
      %select_n3A_96 = arith.select %and3A_94, %add3A_95, %rem3A_87 : i32
      %mul3A_97 = arith.constant 16 : i32
      %mul3A_98 = arith.muli %select_n3A_96, %mul3A_97 : i32
      %swap3A = arith.constant 0 : i32
      %swap3A_99 = arith.index_cast %swap3A : i32 to index
      %swap3A_100 = arith.index_cast %select_n3A : i32 to index
      %swap3A_101 = arith.index_cast %mul3A_98 : i32 to index
      %swap3A_102 = tpu.vector_load %arg8[%swap3A_99, %swap3A_100, %swap3A_101] {strides = array<i32>} : memref<2x128x128xf32, #tpu.memory_space<vmem>>, vector<16xf32>,
      tpu.vector_store %arg8[%swap3A_99, %swap3A_100, %swap3A_101], %broadcast_in_dim3A_1 {strides = array<i32>} : memref<2x128x128xf32, #tpu.memory_space<vmem>>, vector<16xf32>,
      %scan3A_103 = arith.constant 0 : i32
      scf.yield %scan3A_103 : i32
    }
    %scan3A_7 = arith.constant 1024 : i32
    %mul3A_8 = arith.constant 320 : i32
    %mul3A_9 = arith.muli %arg1, %mul3A_8 : i32
    %add3A = arith.constant 0 : i32
    %add3A_10 = arith.addi %mul3A_9, %add3A : i32
    %run_scoped3A = arith.constant 0 : i32
    "tpu.region"() ({
      %run_scoped3A_65 = tpu.sem_alloc : memref<!tpu.dma_semaphore, #tpu.memory_space<semaphore_mem>>
      %dma_start3A_66 = arith.constant 0 : i32
      %dma_start3A_67 = arith.constant 0 : i32
      %dma_start3A_68 = tpu.memref_slice %arg8[%run_scoped3A, %dma_start3A_66, %dma_start3A_67] : memref<2x128x128xf32, #tpu.memory_space<vmem>> -> memref<1x128x128xf32, #tpu.memory_space<vmem>>
      %dma_start3A_69 = tpu.memref_squeeze %dma_start3A_68 : memref<1x128x128xf32, #tpu.memory_space<vmem>> -> memref<128x128xf32, #tpu.memory_space<vmem>>
      %dma_start3A_70 = arith.constant 0 : i32
      %dma_start3A_71 = tpu.memref_slice %arg9[%add3A_10, %dma_start3A_70] : memref<5120x128xf32, #tpu.memory_space<vmem_shared>> -> memref<128x128xf32, #tpu.memory_space<vmem_shared>>
      %dma_start3A_72 = arith.constant 0 : i32
      %dma_start3A_73 = tpu.memref_slice %arg9[%add3A_10, %dma_start3A_72] : memref<5120x128xf32, #tpu.memory_space<vmem_shared>> -> memref<128x128xf32, #tpu.memory_space<vmem_shared>>
      %dma_start3A_74 = arith.constant 0 : i32
      %dma_start3A_75 = arith.constant 0 : i32
      %dma_start3A_76 = tpu.memref_slice %arg8[%run_scoped3A, %dma_start3A_74, %dma_start3A_75] : memref<2x128x128xf32, #tpu.memory_space<vmem>> -> memref<1x128x128xf32, #tpu.memory_space<vmem>>
      %dma_start3A_77 = tpu.memref_squeeze %dma_start3A_76 : memref<1x128x128xf32, #tpu.memory_space<vmem>> -> memref<128x128xf32, #tpu.memory_space<vmem>>
      tpu.enqueue_dma source(%dma_start3A_77 : memref<128x128xf32, #tpu.memory_space<vmem>>) target(%dma_start3A_73 : memref<128x128xf32, #tpu.memory_space<vmem_shared>>) target_semaphore(%run_scoped3A_65 : memref<!tpu.dma_semaphore, #tpu.memory_space<semaphore_mem>>)
      %dma_wait3A = arith.constant 0 : i32
      %dma_wait3A_78 = arith.constant 0 : i32
      %dma_wait3A_79 = tpu.memref_slice %arg8[%run_scoped3A, %dma_wait3A, %dma_wait3A_78] : memref<2x128x128xf32, #tpu.memory_space<vmem>> -> memref<1x128x128xf32, #tpu.memory_space<vmem>>
      %dma_wait3A_80 = tpu.memref_squeeze %dma_wait3A_79 : memref<1x128x128xf32, #tpu.memory_space<vmem>> -> memref<128x128xf32, #tpu.memory_space<vmem>>
      %dma_wait3A_81 = arith.constant 0 : i32
      %dma_wait3A_82 = tpu.memref_slice %arg9[%add3A_10, %dma_wait3A_81] : memref<5120x128xf32, #tpu.memory_space<vmem_shared>> -> memref<128x128xf32, #tpu.memory_space<vmem_shared>>
      %dma_wait3A_83 = arith.constant 0 : i32
      %dma_wait3A_84 = tpu.memref_slice %arg9[%add3A_10, %dma_wait3A_83] : memref<5120x128xf32, #tpu.memory_space<vmem_shared>> -> memref<128x128xf32, #tpu.memory_space<vmem_shared>>
      %dma_wait3A_85 = arith.constant 0 : i32
      %dma_wait3A_86 = arith.constant 0 : i32
      %dma_wait3A_87 = tpu.memref_slice %arg8[%run_scoped3A, %dma_wait3A_85, %dma_wait3A_86] : memref<2x128x128xf32, #tpu.memory_space<vmem>> -> memref<1x128x128xf32, #tpu.memory_space<vmem>>
      %dma_wait3A_88 = tpu.memref_squeeze %dma_wait3A_87 : memref<1x128x128xf32, #tpu.memory_space<vmem>> -> memref<128x128xf32, #tpu.memory_space<vmem>>
      tpu.wait_dma2 semaphore(%run_scoped3A_65 : memref<!tpu.dma_semaphore, #tpu.memory_space<semaphore_mem>>) src(%dma_wait3A_88 : memref<128x128xf32, #tpu.memory_space<vmem>>) dst(%dma_wait3A_84 : memref<128x128xf32, #tpu.memory_space<vmem_shared>>)
      tpu.yield
    }) : () -> ()
    %add3A_11 = arith.constant 128 : i32
    %add3A_12 = arith.addi %mul3A_9, %add3A_11 : i32
    %run_scoped3A_13 = arith.constant 0 : i32
    "tpu.region"() ({
      %run_scoped3A_65 = tpu.sem_alloc : memref<!tpu.dma_semaphore, #tpu.memory_space<semaphore_mem>>
      %dma_start3A_66 = arith.constant 0 : i32
      %dma_start3A_67 = arith.constant 0 : i32
      %dma_start3A_68 = tpu.memref_slice %arg8[%run_scoped3A_13, %dma_start3A_66, %dma_start3A_67] : memref<2x128x128xf32, #tpu.memory_space<vmem>> -> memref<1x128x128xf32, #tpu.memory_space<vmem>>
      %dma_start3A_69 = tpu.memref_squeeze %dma_start3A_68 : memref<1x128x128xf32, #tpu.memory_space<vmem>> -> memref<128x128xf32, #tpu.memory_space<vmem>>
      %dma_start3A_70 = arith.constant 0 : i32
      %dma_start3A_71 = tpu.memref_slice %arg9[%add3A_12, %dma_start3A_70] : memref<5120x128xf32, #tpu.memory_space<vmem_shared>> -> memref<128x128xf32, #tpu.memory_space<vmem_shared>>
      %dma_start3A_72 = arith.constant 0 : i32
      %dma_start3A_73 = tpu.memref_slice %arg9[%add3A_12, %dma_start3A_72] : memref<5120x128xf32, #tpu.memory_space<vmem_shared>> -> memref<128x128xf32, #tpu.memory_space<vmem_shared>>
      %dma_start3A_74 = arith.constant 0 : i32
      %dma_start3A_75 = arith.constant 0 : i32
      %dma_start3A_76 = tpu.memref_slice %arg8[%run_scoped3A_13, %dma_start3A_74, %dma_start3A_75] : memref<2x128x128xf32, #tpu.memory_space<vmem>> -> memref<1x128x128xf32, #tpu.memory_space<vmem>>
      %dma_start3A_77 = tpu.memref_squeeze %dma_start3A_76 : memref<1x128x128xf32, #tpu.memory_space<vmem>> -> memref<128x128xf32, #tpu.memory_space<vmem>>
      tpu.enqueue_dma source(%dma_start3A_77 : memref<128x128xf32, #tpu.memory_space<vmem>>) target(%dma_start3A_73 : memref<128x128xf32, #tpu.memory_space<vmem_shared>>) target_semaphore(%run_scoped3A_65 : memref<!tpu.dma_semaphore, #tpu.memory_space<semaphore_mem>>)
      %dma_wait3A = arith.constant 0 : i32
      %dma_wait3A_78 = arith.constant 0 : i32
      %dma_wait3A_79 = tpu.memref_slice %arg8[%run_scoped3A_13, %dma_wait3A, %dma_wait3A_78] : memref<2x128x128xf32, #tpu.memory_space<vmem>> -> memref<1x128x128xf32, #tpu.memory_space<vmem>>
      %dma_wait3A_80 = tpu.memref_squeeze %dma_wait3A_79 : memref<1x128x128xf32, #tpu.memory_space<vmem>> -> memref<128x128xf32, #tpu.memory_space<vmem>>
      %dma_wait3A_81 = arith.constant 0 : i32
      %dma_wait3A_82 = tpu.memref_slice %arg9[%add3A_12, %dma_wait3A_81] : memref<5120x128xf32, #tpu.memory_space<vmem_shared>> -> memref<128x128xf32, #tpu.memory_space<vmem_shared>>
      %dma_wait3A_83 = arith.constant 0 : i32
      %dma_wait3A_84 = tpu.memref_slice %arg9[%add3A_12, %dma_wait3A_83] : memref<5120x128xf32, #tpu.memory_space<vmem_shared>> -> memref<128x128xf32, #tpu.memory_space<vmem_shared>>
      %dma_wait3A_85 = arith.constant 0 : i32
      %dma_wait3A_86 = arith.constant 0 : i32
      %dma_wait3A_87 = tpu.memref_slice %arg8[%run_scoped3A_13, %dma_wait3A_85, %dma_wait3A_86] : memref<2x128x128xf32, #tpu.memory_space<vmem>> -> memref<1x128x128xf32, #tpu.memory_space<vmem>>
      %dma_wait3A_88 = tpu.memref_squeeze %dma_wait3A_87 : memref<1x128x128xf32, #tpu.memory_space<vmem>> -> memref<128x128xf32, #tpu.memory_space<vmem>>
      tpu.wait_dma2 semaphore(%run_scoped3A_65 : memref<!tpu.dma_semaphore, #tpu.memory_space<semaphore_mem>>) src(%dma_wait3A_88 : memref<128x128xf32, #tpu.memory_space<vmem>>) dst(%dma_wait3A_84 : memref<128x128xf32, #tpu.memory_space<vmem_shared>>)
      tpu.yield
    }) : () -> ()
    %add3A_14 = arith.constant 256 : i32
    %add3A_15 = arith.addi %mul3A_9, %add3A_14 : i32
    %run_scoped3A_16 = arith.constant 0 : i32
    "tpu.region"() ({
      %run_scoped3A_65 = tpu.sem_alloc : memref<!tpu.dma_semaphore, #tpu.memory_space<semaphore_mem>>
      %dma_start3A_66 = arith.constant 0 : i32
      %dma_start3A_67 = arith.constant 0 : i32
      %dma_start3A_68 = tpu.memref_slice %arg8[%run_scoped3A_16, %dma_start3A_66, %dma_start3A_67] : memref<2x128x128xf32, #tpu.memory_space<vmem>> -> memref<1x64x128xf32, #tpu.memory_space<vmem>>
      %dma_start3A_69 = tpu.memref_squeeze %dma_start3A_68 : memref<1x64x128xf32, #tpu.memory_space<vmem>> -> memref<64x128xf32, #tpu.memory_space<vmem>>
      %dma_start3A_70 = arith.constant 0 : i32
      %dma_start3A_71 = tpu.memref_slice %arg9[%add3A_15, %dma_start3A_70] : memref<5120x128xf32, #tpu.memory_space<vmem_shared>> -> memref<64x128xf32, #tpu.memory_space<vmem_shared>>
      %dma_start3A_72 = arith.constant 0 : i32
      %dma_start3A_73 = tpu.memref_slice %arg9[%add3A_15, %dma_start3A_72] : memref<5120x128xf32, #tpu.memory_space<vmem_shared>> -> memref<64x128xf32, #tpu.memory_space<vmem_shared>>
      %dma_start3A_74 = arith.constant 0 : i32
      %dma_start3A_75 = arith.constant 0 : i32
      %dma_start3A_76 = tpu.memref_slice %arg8[%run_scoped3A_16, %dma_start3A_74, %dma_start3A_75] : memref<2x128x128xf32, #tpu.memory_space<vmem>> -> memref<1x64x128xf32, #tpu.memory_space<vmem>>
      %dma_start3A_77 = tpu.memref_squeeze %dma_start3A_76 : memref<1x64x128xf32, #tpu.memory_space<vmem>> -> memref<64x128xf32, #tpu.memory_space<vmem>>
      tpu.enqueue_dma source(%dma_start3A_77 : memref<64x128xf32, #tpu.memory_space<vmem>>) target(%dma_start3A_73 : memref<64x128xf32, #tpu.memory_space<vmem_shared>>) target_semaphore(%run_scoped3A_65 : memref<!tpu.dma_semaphore, #tpu.memory_space<semaphore_mem>>)
      %dma_wait3A = arith.constant 0 : i32
      %dma_wait3A_78 = arith.constant 0 : i32
      %dma_wait3A_79 = tpu.memref_slice %arg8[%run_scoped3A_16, %dma_wait3A, %dma_wait3A_78] : memref<2x128x128xf32, #tpu.memory_space<vmem>> -> memref<1x64x128xf32, #tpu.memory_space<vmem>>
      %dma_wait3A_80 = tpu.memref_squeeze %dma_wait3A_79 : memref<1x64x128xf32, #tpu.memory_space<vmem>> -> memref<64x128xf32, #tpu.memory_space<vmem>>
      %dma_wait3A_81 = arith.constant 0 : i32
      %dma_wait3A_82 = tpu.memref_slice %arg9[%add3A_15, %dma_wait3A_81] : memref<5120x128xf32, #tpu.memory_space<vmem_shared>> -> memref<64x128xf32, #tpu.memory_space<vmem_shared>>
      %dma_wait3A_83 = arith.constant 0 : i32
      %dma_wait3A_84 = tpu.memref_slice %arg9[%add3A_15, %dma_wait3A_83] : memref<5120x128xf32, #tpu.memory_space<vmem_shared>> -> memref<64x128xf32, #tpu.memory_space<vmem_shared>>
      %dma_wait3A_85 = arith.constant 0 : i32
      %dma_wait3A_86 = arith.constant 0 : i32
      %dma_wait3A_87 = tpu.memref_slice %arg8[%run_scoped3A_16, %dma_wait3A_85, %dma_wait3A_86] : memref<2x128x128xf32, #tpu.memory_space<vmem>> -> memref<1x64x128xf32, #tpu.memory_space<vmem>>
      %dma_wait3A_88 = tpu.memref_squeeze %dma_wait3A_87 : memref<1x64x128xf32, #tpu.memory_space<vmem>> -> memref<64x128xf32, #tpu.memory_space<vmem>>
      tpu.wait_dma2 semaphore(%run_scoped3A_65 : memref<!tpu.dma_semaphore, #tpu.memory_space<semaphore_mem>>) src(%dma_wait3A_88 : memref<64x128xf32, #tpu.memory_space<vmem>>) dst(%dma_wait3A_84 : memref<64x128xf32, #tpu.memory_space<vmem_shared>>)
      tpu.yield
    }) : () -> ()
    "tpu.region"() ({
      %run_scoped3A_65 = tpu.sem_alloc : memref<!tpu.dma_semaphore, #tpu.memory_space<semaphore_mem>>
      %dma_start3A_66 = arith.constant 0 : i32
      %dma_start3A_67 = arith.constant 0 : i32
      %dma_start3A_68 = tpu.memref_slice %arg3[%arg1, %dma_start3A_66, %dma_start3A_67] : memref<16x158x128xi32, #tpu.memory_space<hbm>> -> memref<1x158x128xi32, #tpu.memory_space<hbm>>
      %dma_start3A_69 = tpu.memref_squeeze %dma_start3A_68 : memref<1x158x128xi32, #tpu.memory_space<hbm>> -> memref<158x128xi32, #tpu.memory_space<hbm>>
      %dma_start3A_70 = arith.constant 0 : i32
      %dma_start3A_71 = arith.constant 0 : i32
      %dma_start3A_72 = tpu.memref_slice %arg3[%arg1, %dma_start3A_70, %dma_start3A_71] : memref<16x158x128xi32, #tpu.memory_space<hbm>> -> memref<1x158x128xi32, #tpu.memory_space<hbm>>
      %dma_start3A_73 = tpu.memref_squeeze %dma_start3A_72 : memref<1x158x128xi32, #tpu.memory_space<hbm>> -> memref<158x128xi32, #tpu.memory_space<hbm>>
      tpu.enqueue_dma source(%dma_start3A_73 : memref<158x128xi32, #tpu.memory_space<hbm>>) target(%arg6 : memref<158x128xi32, #tpu.memory_space<vmem>>) target_semaphore(%run_scoped3A_65 : memref<!tpu.dma_semaphore, #tpu.memory_space<semaphore_mem>>)
      %dma_wait3A = arith.constant 0 : i32
      %dma_wait3A_74 = arith.constant 0 : i32
      %dma_wait3A_75 = tpu.memref_slice %arg3[%arg1, %dma_wait3A, %dma_wait3A_74] : memref<16x158x128xi32, #tpu.memory_space<hbm>> -> memref<1x158x128xi32, #tpu.memory_space<hbm>>
      %dma_wait3A_76 = tpu.memref_squeeze %dma_wait3A_75 : memref<1x158x128xi32, #tpu.memory_space<hbm>> -> memref<158x128xi32, #tpu.memory_space<hbm>>
      %dma_wait3A_77 = arith.constant 0 : i32
      %dma_wait3A_78 = arith.constant 0 : i32
      %dma_wait3A_79 = tpu.memref_slice %arg3[%arg1, %dma_wait3A_77, %dma_wait3A_78] : memref<16x158x128xi32, #tpu.memory_space<hbm>> -> memref<1x158x128xi32, #tpu.memory_space<hbm>>
      %dma_wait3A_80 = tpu.memref_squeeze %dma_wait3A_79 : memref<1x158x128xi32, #tpu.memory_space<hbm>> -> memref<158x128xi32, #tpu.memory_space<hbm>>
      tpu.wait_dma2 semaphore(%run_scoped3A_65 : memref<!tpu.dma_semaphore, #tpu.memory_space<semaphore_mem>>) src(%dma_wait3A_80 : memref<158x128xi32, #tpu.memory_space<hbm>>) dst(%arg6 : memref<158x128xi32, #tpu.memory_space<vmem>>)
      tpu.yield
    }) : () -> ()
    "tpu.region"() ({
      %run_scoped3A_65 = tpu.sem_alloc : memref<!tpu.dma_semaphore, #tpu.memory_space<semaphore_mem>>
      %dma_start3A_66 = arith.constant 0 : i32
      %dma_start3A_67 = arith.constant 0 : i32
      %dma_start3A_68 = tpu.memref_slice %arg4[%arg1, %dma_start3A_66, %dma_start3A_67] : memref<16x158x128xi32, #tpu.memory_space<hbm>> -> memref<1x158x128xi32, #tpu.memory_space<hbm>>
      %dma_start3A_69 = tpu.memref_squeeze %dma_start3A_68 : memref<1x158x128xi32, #tpu.memory_space<hbm>> -> memref<158x128xi32, #tpu.memory_space<hbm>>
      %dma_start3A_70 = arith.constant 0 : i32
      %dma_start3A_71 = arith.constant 0 : i32
      %dma_start3A_72 = tpu.memref_slice %arg4[%arg1, %dma_start3A_70, %dma_start3A_71] : memref<16x158x128xi32, #tpu.memory_space<hbm>> -> memref<1x158x128xi32, #tpu.memory_space<hbm>>
      %dma_start3A_73 = tpu.memref_squeeze %dma_start3A_72 : memref<1x158x128xi32, #tpu.memory_space<hbm>> -> memref<158x128xi32, #tpu.memory_space<hbm>>
      tpu.enqueue_dma source(%dma_start3A_73 : memref<158x128xi32, #tpu.memory_space<hbm>>) target(%arg7 : memref<158x128xi32, #tpu.memory_space<vmem>>) target_semaphore(%run_scoped3A_65 : memref<!tpu.dma_semaphore, #tpu.memory_space<semaphore_mem>>)
      %dma_wait3A = arith.constant 0 : i32
      %dma_wait3A_74 = arith.constant 0 : i32
      %dma_wait3A_75 = tpu.memref_slice %arg4[%arg1, %dma_wait3A, %dma_wait3A_74] : memref<16x158x128xi32, #tpu.memory_space<hbm>> -> memref<1x158x128xi32, #tpu.memory_space<hbm>>
      %dma_wait3A_76 = tpu.memref_squeeze %dma_wait3A_75 : memref<1x158x128xi32, #tpu.memory_space<hbm>> -> memref<158x128xi32, #tpu.memory_space<hbm>>
      %dma_wait3A_77 = arith.constant 0 : i32
      %dma_wait3A_78 = arith.constant 0 : i32
      %dma_wait3A_79 = tpu.memref_slice %arg4[%arg1, %dma_wait3A_77, %dma_wait3A_78] : memref<16x158x128xi32, #tpu.memory_space<hbm>> -> memref<1x158x128xi32, #tpu.memory_space<hbm>>
      %dma_wait3A_80 = tpu.memref_squeeze %dma_wait3A_79 : memref<1x158x128xi32, #tpu.memory_space<hbm>> -> memref<158x128xi32, #tpu.memory_space<hbm>>
      tpu.wait_dma2 semaphore(%run_scoped3A_65 : memref<!tpu.dma_semaphore, #tpu.memory_space<semaphore_mem>>) src(%dma_wait3A_80 : memref<158x128xi32, #tpu.memory_space<hbm>>) dst(%arg7 : memref<158x128xi32, #tpu.memory_space<vmem>>)
      tpu.yield
    }) : () -> ()
    %broadcast_in_dim3A_17 = arith.constant 5056 : i32
    %broadcast_in_dim3A_18 = vector.broadcast %broadcast_in_dim3A_17 : i32 to vector<16xi32>
    %scan3A_19 = arith.constant 0 : i32
    %scan3A_20 = arith.constant 0 : i32
    %scan3A_21 = arith.constant 1264 : i32
    %scan3A_22 = arith.addi %scan3A_20, %scan3A_21 : i32
    %scan3A_23 = arith.constant 1 : i32
    %scan3A_24 = scf.for %scan3A_65 = %scan3A_20 to %scan3A_22 step %scan3A_23 iter_args(%scan3A_66 = %scan3A_19) -> (i32)  : i32 {
      %jit3A = arith.constant 8 : i32
      %div3A = arith.divsi %scan3A_65, %jit3A : i32
      %sign3A = arith.constant 0 : i32
      %sign3A_67 = arith.cmpi sgt, %scan3A_65, %sign3A : i32
      %sign3A_68 = arith.extui %sign3A_67 : i1 to i32
      %sign3A_69 = arith.constant 0 : i32
      %sign3A_70 = arith.cmpi slt, %scan3A_65, %sign3A_69 : i32
      %sign3A_71 = arith.extui %sign3A_70 : i1 to i32
      %sign3A_72 = arith.subi %sign3A_68, %sign3A_71 : i32
      %sign3A_73 = arith.constant 0 : i32
      %sign3A_74 = arith.cmpi sgt, %jit3A, %sign3A_73 : i32
      %sign3A_75 = arith.extui %sign3A_74 : i1 to i32
      %sign3A_76 = arith.constant 0 : i32
      %sign3A_77 = arith.cmpi slt, %jit3A, %sign3A_76 : i32
      %sign3A_78 = arith.extui %sign3A_77 : i1 to i32
      %sign3A_79 = arith.subi %sign3A_75, %sign3A_78 : i32
      %ne3A = arith.cmpi ne, %sign3A_72, %sign3A_79 : i32
      %rem3A = arith.remsi %scan3A_65, %jit3A : i32
      %ne3A_80 = arith.constant 0 : i32
      %ne3A_81 = arith.cmpi ne, %rem3A, %ne3A_80 : i32
      %and3A = arith.andi %ne3A, %ne3A_81 : i1
      %sub3A = arith.constant 1 : i32
      %sub3A_82 = arith.subi %div3A, %sub3A : i32
      %select_n3A = arith.select %and3A, %sub3A_82, %div3A : i32
      %jit3A_83 = arith.constant 8 : i32
      %eq3A = arith.constant 0 : i32
      %eq3A_84 = arith.cmpi eq, %jit3A_83, %eq3A : i32
      %jit3A_85 = arith.constant 1 : i32
      %select_n3A_86 = arith.select %eq3A_84, %jit3A_85, %jit3A_83 : i32
      %rem3A_87 = arith.remsi %scan3A_65, %select_n3A_86 : i32
      %ne3A_88 = arith.constant 0 : i32
      %ne3A_89 = arith.cmpi ne, %rem3A_87, %ne3A_88 : i32
      %lt3A = arith.constant 0 : i32
      %lt3A_90 = arith.cmpi slt, %rem3A_87, %lt3A : i32
      %lt3A_91 = arith.constant 0 : i32
      %lt3A_92 = arith.cmpi slt, %select_n3A_86, %lt3A_91 : i32
      %ne3A_93 = arith.xori %lt3A_90, %lt3A_92 : i1
      %and3A_94 = arith.andi %ne3A_93, %ne3A_89 : i1
      %add3A_95 = arith.addi %rem3A_87, %select_n3A_86 : i32
      %select_n3A_96 = arith.select %and3A_94, %add3A_95, %rem3A_87 : i32
      %mul3A_97 = arith.constant 16 : i32
      %mul3A_98 = arith.muli %select_n3A_96, %mul3A_97 : i32
      %get3A = arith.index_cast %select_n3A : i32 to index
      %get3A_99 = arith.index_cast %mul3A_98 : i32 to index
      %get3A_100 = tpu.vector_load %arg7[%get3A, %get3A_99] {strides = array<i32>} : memref<158x128xi32, #tpu.memory_space<vmem>>, vector<16xi32>,
      %sub3A_101 = vector.broadcast %mul3A_0 : i32 to vector<16xi32>
      %sub3A_102 = arith.subi %get3A_100, %sub3A_101 : vector<16xi32>
      %lt3A_103 = arith.constant 0 : i32
      %lt3A_104 = vector.broadcast %lt3A_103 : i32 to vector<16xi32>
      %lt3A_105 = arith.cmpi slt, %sub3A_102, %lt3A_104 : vector<16xi32>
      %ge3A = arith.constant 5056 : i32
      %ge3A_106 = vector.broadcast %ge3A : i32 to vector<16xi32>
      %ge3A_107 = arith.cmpi sge, %sub3A_102, %ge3A_106 : vector<16xi32>
      %or3A = arith.ori %lt3A_105, %ge3A_107 : vector<16xi1>
      %select_n3A_108 = arith.select %or3A, %broadcast_in_dim3A_18, %sub3A_102 : vector<16xi1>, vector<16xi32>
      %swap3A = arith.index_cast %select_n3A : i32 to index
      %swap3A_109 = arith.index_cast %mul3A_98 : i32 to index
      %swap3A_110 = tpu.vector_load %arg7[%swap3A, %swap3A_109] {strides = array<i32>} : memref<158x128xi32, #tpu.memory_space<vmem>>, vector<16xi32>,
      tpu.vector_store %arg7[%swap3A, %swap3A_109], %select_n3A_108 {strides = array<i32>} : memref<158x128xi32, #tpu.memory_space<vmem>>, vector<16xi32>,
      %scan3A_111 = arith.constant 0 : i32
      scf.yield %scan3A_111 : i32
    }
    %scan3A_25 = arith.constant 1264 : i32
    %barrier3A = arith.constant 0 : index
    tpu.barrier barrier_id(%barrier3A)
    %dma_start3A = arith.constant 0 : i32
    %dma_start3A_26 = arith.constant 0 : i32
    %dma_start3A_27 = arith.constant 0 : i32
    %dma_start3A_28 = arith.constant 0 : i32
    %dma_start3A_29 = arith.constant 0 : i32
    %dma_start3A_30 = tpu.memref_slice %arg8[%dma_start3A_26, %dma_start3A_28, %dma_start3A_29] : memref<2x128x128xf32, #tpu.memory_space<vmem>> -> memref<1x128x128xf32, #tpu.memory_space<vmem>>
    %dma_start3A_31 = tpu.memref_squeeze %dma_start3A_30 : memref<1x128x128xf32, #tpu.memory_space<vmem>> -> memref<128x128xf32, #tpu.memory_space<vmem>>
    %dma_start3A_32 = arith.constant 0 : i32
    %dma_start3A_33 = tpu.memref_slice %arg6[%dma_start3A, %dma_start3A_32] : memref<158x128xi32, #tpu.memory_space<vmem>> -> memref<1x128xi32, #tpu.memory_space<vmem>>
    %dma_start3A_34 = tpu.memref_squeeze %dma_start3A_33 : memref<1x128xi32, #tpu.memory_space<vmem>> -> memref<128xi32, #tpu.memory_space<vmem>>
    %dma_start3A_35 = arith.constant 0 : i32
    %dma_start3A_36 = arith.constant 0 : i32
    %dma_start3A_37 = tpu.memref_slice %arg2[%dma_start3A_35, %dma_start3A_36] : memref<10000x128xf32, #tpu.memory_space<hbm>> -> memref<10000x128xf32, #tpu.memory_space<hbm>>
    %dma_start3A_38 = tpu.memref_slice %arg10[%dma_start3A_27] : memref<2x!tpu.dma_semaphore, #tpu.memory_space<semaphore_mem>> -> memref<1x!tpu.dma_semaphore, #tpu.memory_space<semaphore_mem>>
    %dma_start3A_39 = tpu.memref_squeeze %dma_start3A_38 : memref<1x!tpu.dma_semaphore, #tpu.memory_space<semaphore_mem>> -> memref<!tpu.dma_semaphore, #tpu.memory_space<semaphore_mem>>
    tpu.enqueue_indirect_dma source(%dma_start3A_37 : memref<10000x128xf32, #tpu.memory_space<hbm>>) target(%dma_start3A_31 : memref<128x128xf32, #tpu.memory_space<vmem>>) offsets(%dma_start3A_34 : memref<128xi32, #tpu.memory_space<vmem>>) semaphore(%dma_start3A_39 : memref<!tpu.dma_semaphore, #tpu.memory_space<semaphore_mem>>)
    %dma_start3A_40 = arith.constant 1 : i32
    %dma_start3A_41 = arith.constant 1 : i32
    %dma_start3A_42 = arith.constant 1 : i32
    %dma_start3A_43 = arith.constant 0 : i32
    %dma_start3A_44 = arith.constant 0 : i32
    %dma_start3A_45 = tpu.memref_slice %arg8[%dma_start3A_41, %dma_start3A_43, %dma_start3A_44] : memref<2x128x128xf32, #tpu.memory_space<vmem>> -> memref<1x128x128xf32, #tpu.memory_space<vmem>>
    %dma_start3A_46 = tpu.memref_squeeze %dma_start3A_45 : memref<1x128x128xf32, #tpu.memory_space<vmem>> -> memref<128x128xf32, #tpu.memory_space<vmem>>
    %dma_start3A_47 = arith.constant 0 : i32
    %dma_start3A_48 = tpu.memref_slice %arg6[%dma_start3A_40, %dma_start3A_47] : memref<158x128xi32, #tpu.memory_space<vmem>> -> memref<1x128xi32, #tpu.memory_space<vmem>>
    %dma_start3A_49 = tpu.memref_squeeze %dma_start3A_48 : memref<1x128xi32, #tpu.memory_space<vmem>> -> memref<128xi32, #tpu.memory_space<vmem>>
    %dma_start3A_50 = arith.constant 0 : i32
    %dma_start3A_51 = arith.constant 0 : i32
    %dma_start3A_52 = tpu.memref_slice %arg2[%dma_start3A_50, %dma_start3A_51] : memref<10000x128xf32, #tpu.memory_space<hbm>> -> memref<10000x128xf32, #tpu.memory_space<hbm>>
    %dma_start3A_53 = tpu.memref_slice %arg10[%dma_start3A_42] : memref<2x!tpu.dma_semaphore, #tpu.memory_space<semaphore_mem>> -> memref<1x!tpu.dma_semaphore, #tpu.memory_space<semaphore_mem>>
    %dma_start3A_54 = tpu.memref_squeeze %dma_start3A_53 : memref<1x!tpu.dma_semaphore, #tpu.memory_space<semaphore_mem>> -> memref<!tpu.dma_semaphore, #tpu.memory_space<semaphore_mem>>
    tpu.enqueue_indirect_dma source(%dma_start3A_52 : memref<10000x128xf32, #tpu.memory_space<hbm>>) target(%dma_start3A_46 : memref<128x128xf32, #tpu.memory_space<vmem>>) offsets(%dma_start3A_49 : memref<128xi32, #tpu.memory_space<vmem>>) semaphore(%dma_start3A_54 : memref<!tpu.dma_semaphore, #tpu.memory_space<semaphore_mem>>)
    %broadcast_in_dim3A_55 = arith.constant 1.000000e+00 : f32
    %broadcast_in_dim3A_56 = vector.broadcast %broadcast_in_dim3A_55 : f32 to vector<16xf32>
    %scan3A_57 = arith.constant 0 : i32
    %scan3A_58 = arith.constant 0 : i32
    %scan3A_59 = arith.constant 158 : i32
    %scan3A_60 = arith.addi %scan3A_58, %scan3A_59 : i32
    %scan3A_61 = arith.constant 1 : i32
    %scan3A_62 = scf.for %scan3A_65 = %scan3A_58 to %scan3A_60 step %scan3A_61 iter_args(%scan3A_66 = %scan3A_57) -> (i32)  : i32 {
      %rem3A = arith.constant 2 : i32
      %rem3A_67 = arith.remsi %scan3A_65, %rem3A : i32
      %dma_wait3A = arith.constant 0 : i32
      %dma_wait3A_68 = arith.constant 0 : i32
      %dma_wait3A_69 = tpu.memref_slice %arg8[%rem3A_67, %dma_wait3A, %dma_wait3A_68] : memref<2x128x128xf32, #tpu.memory_space<vmem>> -> memref<1x128x128xf32, #tpu.memory_space<vmem>>
      %dma_wait3A_70 = tpu.memref_squeeze %dma_wait3A_69 : memref<1x128x128xf32, #tpu.memory_space<vmem>> -> memref<128x128xf32, #tpu.memory_space<vmem>>
      %dma_wait3A_71 = arith.constant 0 : i32
      %dma_wait3A_72 = tpu.memref_slice %arg6[%scan3A_65, %dma_wait3A_71] : memref<158x128xi32, #tpu.memory_space<vmem>> -> memref<1x128xi32, #tpu.memory_space<vmem>>
      %dma_wait3A_73 = tpu.memref_squeeze %dma_wait3A_72 : memref<1x128xi32, #tpu.memory_space<vmem>> -> memref<128xi32, #tpu.memory_space<vmem>>
      %dma_wait3A_74 = arith.constant 0 : i32
      %dma_wait3A_75 = arith.constant 0 : i32
      %dma_wait3A_76 = tpu.memref_slice %arg2[%dma_wait3A_74, %dma_wait3A_75] : memref<10000x128xf32, #tpu.memory_space<hbm>> -> memref<10000x128xf32, #tpu.memory_space<hbm>>
      %dma_wait3A_77 = tpu.memref_slice %arg10[%rem3A_67] : memref<2x!tpu.dma_semaphore, #tpu.memory_space<semaphore_mem>> -> memref<1x!tpu.dma_semaphore, #tpu.memory_space<semaphore_mem>>
      %dma_wait3A_78 = tpu.memref_squeeze %dma_wait3A_77 : memref<1x!tpu.dma_semaphore, #tpu.memory_space<semaphore_mem>> -> memref<!tpu.dma_semaphore, #tpu.memory_space<semaphore_mem>>
      tpu.wait_indirect_dma semaphore(%dma_wait3A_78 : memref<!tpu.dma_semaphore, #tpu.memory_space<semaphore_mem>>) src(%dma_wait3A_76 : memref<10000x128xf32, #tpu.memory_space<hbm>>) dst(%dma_wait3A_70 : memref<128x128xf32, #tpu.memory_space<vmem>>)
      %dma_start3A_79 = arith.constant 0 : i32
      %dma_start3A_80 = arith.constant 0 : i32
      %dma_start3A_81 = tpu.memref_slice %arg8[%rem3A_67, %dma_start3A_79, %dma_start3A_80] : memref<2x128x128xf32, #tpu.memory_space<vmem>> -> memref<1x128x128xf32, #tpu.memory_space<vmem>>
      %dma_start3A_82 = tpu.memref_squeeze %dma_start3A_81 : memref<1x128x128xf32, #tpu.memory_space<vmem>> -> memref<128x128xf32, #tpu.memory_space<vmem>>
      %dma_start3A_83 = arith.constant 0 : i32
      %dma_start3A_84 = tpu.memref_slice %arg7[%scan3A_65, %dma_start3A_83] : memref<158x128xi32, #tpu.memory_space<vmem>> -> memref<1x128xi32, #tpu.memory_space<vmem>>
      %dma_start3A_85 = tpu.memref_squeeze %dma_start3A_84 : memref<1x128xi32, #tpu.memory_space<vmem>> -> memref<128xi32, #tpu.memory_space<vmem>>
      %dma_start3A_86 = arith.constant 0 : i32
      %dma_start3A_87 = arith.constant 0 : i32
      %dma_start3A_88 = tpu.memref_slice %arg9[%dma_start3A_86, %dma_start3A_87] : memref<5120x128xf32, #tpu.memory_space<vmem_shared>> -> memref<5120x128xf32, #tpu.memory_space<vmem_shared>>
      tpu.enqueue_indirect_dma source(%dma_start3A_82 : memref<128x128xf32, #tpu.memory_space<vmem>>) target(%dma_start3A_88 : memref<5120x128xf32, #tpu.memory_space<vmem_shared>>) offsets(%dma_start3A_85 : memref<128xi32, #tpu.memory_space<vmem>>) semaphore(%arg11 : memref<!tpu.dma_semaphore, #tpu.memory_space<semaphore_mem>>) {add = true}
      %dma_wait3A_89 = arith.constant 0 : i32
      %dma_wait3A_90 = arith.constant 0 : i32
      %dma_wait3A_91 = tpu.memref_slice %arg8[%rem3A_67, %dma_wait3A_89, %dma_wait3A_90] : memref<2x128x128xf32, #tpu.memory_space<vmem>> -> memref<1x128x128xf32, #tpu.memory_space<vmem>>
      %dma_wait3A_92 = tpu.memref_squeeze %dma_wait3A_91 : memref<1x128x128xf32, #tpu.memory_space<vmem>> -> memref<128x128xf32, #tpu.memory_space<vmem>>
      %dma_wait3A_93 = arith.constant 0 : i32
      %dma_wait3A_94 = tpu.memref_slice %arg7[%scan3A_65, %dma_wait3A_93] : memref<158x128xi32, #tpu.memory_space<vmem>> -> memref<1x128xi32, #tpu.memory_space<vmem>>
      %dma_wait3A_95 = tpu.memref_squeeze %dma_wait3A_94 : memref<1x128xi32, #tpu.memory_space<vmem>> -> memref<128xi32, #tpu.memory_space<vmem>>
      %dma_wait3A_96 = arith.constant 0 : i32
      %dma_wait3A_97 = arith.constant 0 : i32
      %dma_wait3A_98 = tpu.memref_slice %arg9[%dma_wait3A_96, %dma_wait3A_97] : memref<5120x128xf32, #tpu.memory_space<vmem_shared>> -> memref<5120x128xf32, #tpu.memory_space<vmem_shared>>
      tpu.wait_indirect_dma semaphore(%arg11 : memref<!tpu.dma_semaphore, #tpu.memory_space<semaphore_mem>>) src(%dma_wait3A_92 : memref<128x128xf32, #tpu.memory_space<vmem>>) dst(%dma_wait3A_98 : memref<5120x128xf32, #tpu.memory_space<vmem_shared>>)
      %add3A_99 = arith.constant 2 : i32
      %add3A_100 = arith.addi %scan3A_65, %add3A_99 : i32
      %lt3A = arith.constant 158 : i32
      %lt3A_101 = arith.cmpi slt, %add3A_100, %lt3A : i32
      %convert_element_type3A = arith.extui %lt3A_101 : i1 to i32
      %cond3A = arith.constant 0 : i32
      %cond3A_102 = arith.cmpi ne, %convert_element_type3A, %cond3A : i32
      scf.if %cond3A_102 {
        %add3A_104 = arith.constant 2 : i32
        %add3A_105 = arith.addi %scan3A_65, %add3A_104 : i32
        %dma_start3A_106 = arith.constant 0 : i32
        %dma_start3A_107 = arith.constant 0 : i32
        %dma_start3A_108 = tpu.memref_slice %arg8[%rem3A_67, %dma_start3A_106, %dma_start3A_107] : memref<2x128x128xf32, #tpu.memory_space<vmem>> -> memref<1x128x128xf32, #tpu.memory_space<vmem>>
        %dma_start3A_109 = tpu.memref_squeeze %dma_start3A_108 : memref<1x128x128xf32, #tpu.memory_space<vmem>> -> memref<128x128xf32, #tpu.memory_space<vmem>>
        %dma_start3A_110 = arith.constant 0 : i32
        %dma_start3A_111 = tpu.memref_slice %arg6[%add3A_105, %dma_start3A_110] : memref<158x128xi32, #tpu.memory_space<vmem>> -> memref<1x128xi32, #tpu.memory_space<vmem>>
        %dma_start3A_112 = tpu.memref_squeeze %dma_start3A_111 : memref<1x128xi32, #tpu.memory_space<vmem>> -> memref<128xi32, #tpu.memory_space<vmem>>
        %dma_start3A_113 = arith.constant 0 : i32
        %dma_start3A_114 = arith.constant 0 : i32
        %dma_start3A_115 = tpu.memref_slice %arg2[%dma_start3A_113, %dma_start3A_114] : memref<10000x128xf32, #tpu.memory_space<hbm>> -> memref<10000x128xf32, #tpu.memory_space<hbm>>
        %dma_start3A_116 = tpu.memref_slice %arg10[%rem3A_67] : memref<2x!tpu.dma_semaphore, #tpu.memory_space<semaphore_mem>> -> memref<1x!tpu.dma_semaphore, #tpu.memory_space<semaphore_mem>>
        %dma_start3A_117 = tpu.memref_squeeze %dma_start3A_116 : memref<1x!tpu.dma_semaphore, #tpu.memory_space<semaphore_mem>> -> memref<!tpu.dma_semaphore, #tpu.memory_space<semaphore_mem>>
        tpu.enqueue_indirect_dma source(%dma_start3A_115 : memref<10000x128xf32, #tpu.memory_space<hbm>>) target(%dma_start3A_109 : memref<128x128xf32, #tpu.memory_space<vmem>>) offsets(%dma_start3A_112 : memref<128xi32, #tpu.memory_space<vmem>>) semaphore(%dma_start3A_117 : memref<!tpu.dma_semaphore, #tpu.memory_space<semaphore_mem>>)
      } else {
      }
      %scan3A_103 = arith.constant 0 : i32
      scf.yield %scan3A_103 : i32
    }
    %scan3A_63 = arith.constant 158 : i32
    %barrier3A_64 = arith.constant 0 : index
    tpu.barrier barrier_id(%barrier3A_64)
    "tpu.region"() ({
      %run_scoped3A_65 = tpu.sem_alloc : memref<!tpu.dma_semaphore, #tpu.memory_space<semaphore_mem>>
      %dma_start3A_66 = arith.constant 0 : i32
      %dma_start3A_67 = tpu.memref_slice %arg5[%arg0, %mul3A_9, %dma_start3A_66] : memref<2x5120x128xf32, #tpu.memory_space<hbm>> -> memref<1x320x128xf32, #tpu.memory_space<hbm>>
      %dma_start3A_68 = tpu.memref_squeeze %dma_start3A_67 : memref<1x320x128xf32, #tpu.memory_space<hbm>> -> memref<320x128xf32, #tpu.memory_space<hbm>>
      %dma_start3A_69 = arith.constant 0 : i32
      %dma_start3A_70 = tpu.memref_slice %arg9[%mul3A_9, %dma_start3A_69] : memref<5120x128xf32, #tpu.memory_space<vmem_shared>> -> memref<320x128xf32, #tpu.memory_space<vmem_shared>>
      tpu.enqueue_dma source(%dma_start3A_70 : memref<320x128xf32, #tpu.memory_space<vmem_shared>>) target(%dma_start3A_68 : memref<320x128xf32, #tpu.memory_space<hbm>>) target_semaphore(%run_scoped3A_65 : memref<!tpu.dma_semaphore, #tpu.memory_space<semaphore_mem>>)
      %dma_wait3A = arith.constant 0 : i32
      %dma_wait3A_71 = tpu.memref_slice %arg5[%arg0, %mul3A_9, %dma_wait3A] : memref<2x5120x128xf32, #tpu.memory_space<hbm>> -> memref<1x320x128xf32, #tpu.memory_space<hbm>>
      %dma_wait3A_72 = tpu.memref_squeeze %dma_wait3A_71 : memref<1x320x128xf32, #tpu.memory_space<hbm>> -> memref<320x128xf32, #tpu.memory_space<hbm>>
      %dma_wait3A_73 = arith.constant 0 : i32
      %dma_wait3A_74 = tpu.memref_slice %arg9[%mul3A_9, %dma_wait3A_73] : memref<5120x128xf32, #tpu.memory_space<vmem_shared>> -> memref<320x128xf32, #tpu.memory_space<vmem_shared>>
      tpu.wait_dma2 semaphore(%run_scoped3A_65 : memref<!tpu.dma_semaphore, #tpu.memory_space<semaphore_mem>>) src(%dma_wait3A_74 : memref<320x128xf32, #tpu.memory_space<vmem_shared>>) dst(%dma_wait3A_72 : memref<320x128xf32, #tpu.memory_space<hbm>>)
      tpu.yield
    }) : () -> ()
    return
  }
}

#map = affine_map<(d0, d1) -> (0, 0)>
#map1 = affine_map<(d0, d1) -> (0, 0, 0)>
module attributes {stable_mosaic.version = 14 : i64} {
  func.func @agg(%arg0: i32, %arg1: i32, %arg2: memref<10000x128xf32, #tpu.memory_space<hbm>>, %arg3: memref<16x158x128xi32, #tpu.memory_space<hbm>>, %arg4: memref<16x158x128xi32, #tpu.memory_space<hbm>>, %arg5: memref<2x5120x128xf32, #tpu.memory_space<hbm>>, %arg6: memref<2x16x5120xf32, #tpu.memory_space<hbm>>, %arg7: memref<158x128xi32, #tpu.memory_space<vmem>>, %arg8: memref<158x128xi32, #tpu.memory_space<vmem>>, %arg9: memref<2x128x128xf32, #tpu.memory_space<vmem>>, %arg10: memref<5120x128xf32, #tpu.memory_space<vmem_shared>>, %arg11: memref<2x!tpu.dma_semaphore, #tpu.memory_space<semaphore_mem>>, %arg12: memref<!tpu.dma_semaphore, #tpu.memory_space<semaphore_mem>>, %arg13: memref<5120xf32, #tpu.memory_space<vmem>>) attributes {dimension_semantics = [#tpu.dimension_semantics<core_parallel>, #tpu.dimension_semantics<subcore_parallel>], iteration_bounds = array<i64: 2, 16>, scalar_prefetch = 0 : i64, scratch_operands = 7 : i64, tpu.core_type = #tpu.core_type<sc_vector_subcore>, window_params = [{transform_indices = #map}, {transform_indices = #map1}, {transform_indices = #map1}, {transform_indices = #map1}, {transform_indices = #map1}]} {
    %mul3A = arith.constant 5056 : i32
    %mul3A_0 = arith.muli %arg0, %mul3A : i32
    %broadcast_in_dim3A = arith.constant 0.000000e+00 : f32
    %broadcast_in_dim3A_1 = vector.broadcast %broadcast_in_dim3A : f32 to vector<16xf32>
    %scan3A = arith.constant 0 : i32
    %scan3A_2 = arith.constant 0 : i32
    %scan3A_3 = arith.constant 1024 : i32
    %scan3A_4 = arith.addi %scan3A_2, %scan3A_3 : i32
    %scan3A_5 = arith.constant 1 : i32
    %scan3A_6 = scf.for %scan3A_72 = %scan3A_2 to %scan3A_4 step %scan3A_5 iter_args(%scan3A_73 = %scan3A) -> (i32)  : i32 {
      %jit3A = arith.constant 8 : i32
      %div3A = arith.divsi %scan3A_72, %jit3A : i32
      %sign3A = arith.constant 0 : i32
      %sign3A_74 = arith.cmpi sgt, %scan3A_72, %sign3A : i32
      %sign3A_75 = arith.extui %sign3A_74 : i1 to i32
      %sign3A_76 = arith.constant 0 : i32
      %sign3A_77 = arith.cmpi slt, %scan3A_72, %sign3A_76 : i32
      %sign3A_78 = arith.extui %sign3A_77 : i1 to i32
      %sign3A_79 = arith.subi %sign3A_75, %sign3A_78 : i32
      %sign3A_80 = arith.constant 0 : i32
      %sign3A_81 = arith.cmpi sgt, %jit3A, %sign3A_80 : i32
      %sign3A_82 = arith.extui %sign3A_81 : i1 to i32
      %sign3A_83 = arith.constant 0 : i32
      %sign3A_84 = arith.cmpi slt, %jit3A, %sign3A_83 : i32
      %sign3A_85 = arith.extui %sign3A_84 : i1 to i32
      %sign3A_86 = arith.subi %sign3A_82, %sign3A_85 : i32
      %ne3A = arith.cmpi ne, %sign3A_79, %sign3A_86 : i32
      %rem3A = arith.remsi %scan3A_72, %jit3A : i32
      %ne3A_87 = arith.constant 0 : i32
      %ne3A_88 = arith.cmpi ne, %rem3A, %ne3A_87 : i32
      %and3A = arith.andi %ne3A, %ne3A_88 : i1
      %sub3A = arith.constant 1 : i32
      %sub3A_89 = arith.subi %div3A, %sub3A : i32
      %select_n3A = arith.select %and3A, %sub3A_89, %div3A : i32
      %jit3A_90 = arith.constant 8 : i32
      %eq3A = arith.constant 0 : i32
      %eq3A_91 = arith.cmpi eq, %jit3A_90, %eq3A : i32
      %jit3A_92 = arith.constant 1 : i32
      %select_n3A_93 = arith.select %eq3A_91, %jit3A_92, %jit3A_90 : i32
      %rem3A_94 = arith.remsi %scan3A_72, %select_n3A_93 : i32
      %ne3A_95 = arith.constant 0 : i32
      %ne3A_96 = arith.cmpi ne, %rem3A_94, %ne3A_95 : i32
      %lt3A = arith.constant 0 : i32
      %lt3A_97 = arith.cmpi slt, %rem3A_94, %lt3A : i32
      %lt3A_98 = arith.constant 0 : i32
      %lt3A_99 = arith.cmpi slt, %select_n3A_93, %lt3A_98 : i32
      %ne3A_100 = arith.xori %lt3A_97, %lt3A_99 : i1
      %and3A_101 = arith.andi %ne3A_100, %ne3A_96 : i1
      %add3A_102 = arith.addi %rem3A_94, %select_n3A_93 : i32
      %select_n3A_103 = arith.select %and3A_101, %add3A_102, %rem3A_94 : i32
      %mul3A_104 = arith.constant 16 : i32
      %mul3A_105 = arith.muli %select_n3A_103, %mul3A_104 : i32
      %swap3A = arith.constant 0 : i32
      %swap3A_106 = arith.index_cast %swap3A : i32 to index
      %swap3A_107 = arith.index_cast %select_n3A : i32 to index
      %swap3A_108 = arith.index_cast %mul3A_105 : i32 to index
      %swap3A_109 = tpu.vector_load %arg9[%swap3A_106, %swap3A_107, %swap3A_108] {strides = array<i32>} : memref<2x128x128xf32, #tpu.memory_space<vmem>>, vector<16xf32>,
      tpu.vector_store %arg9[%swap3A_106, %swap3A_107, %swap3A_108], %broadcast_in_dim3A_1 {strides = array<i32>} : memref<2x128x128xf32, #tpu.memory_space<vmem>>, vector<16xf32>,
      %scan3A_110 = arith.constant 0 : i32
      scf.yield %scan3A_110 : i32
    }
    %scan3A_7 = arith.constant 1024 : i32
    %scan3A_8 = arith.constant 0 : i32
    %scan3A_9 = arith.constant 0 : i32
    %scan3A_10 = arith.constant 320 : i32
    %scan3A_11 = arith.addi %scan3A_9, %scan3A_10 : i32
    %scan3A_12 = arith.constant 1 : i32
    %scan3A_13 = scf.for %scan3A_72 = %scan3A_9 to %scan3A_11 step %scan3A_12 iter_args(%scan3A_73 = %scan3A_8) -> (i32)  : i32 {
      %mul3A_74 = arith.constant 16 : i32
      %mul3A_75 = arith.muli %scan3A_72, %mul3A_74 : i32
      %swap3A = arith.index_cast %mul3A_75 : i32 to index
      %swap3A_76 = tpu.vector_load %arg13[%swap3A] {strides = array<i32>} : memref<5120xf32, #tpu.memory_space<vmem>>, vector<16xf32>,
      tpu.vector_store %arg13[%swap3A], %broadcast_in_dim3A_1 {strides = array<i32>} : memref<5120xf32, #tpu.memory_space<vmem>>, vector<16xf32>,
      %scan3A_77 = arith.constant 0 : i32
      scf.yield %scan3A_77 : i32
    }
    %scan3A_14 = arith.constant 320 : i32
    %mul3A_15 = arith.constant 320 : i32
    %mul3A_16 = arith.muli %arg1, %mul3A_15 : i32
    %add3A = arith.constant 0 : i32
    %add3A_17 = arith.addi %mul3A_16, %add3A : i32
    %run_scoped3A = arith.constant 0 : i32
    "tpu.region"() ({
      %run_scoped3A_72 = tpu.sem_alloc : memref<!tpu.dma_semaphore, #tpu.memory_space<semaphore_mem>>
      %dma_start3A_73 = arith.constant 0 : i32
      %dma_start3A_74 = arith.constant 0 : i32
      %dma_start3A_75 = tpu.memref_slice %arg9[%run_scoped3A, %dma_start3A_73, %dma_start3A_74] : memref<2x128x128xf32, #tpu.memory_space<vmem>> -> memref<1x128x128xf32, #tpu.memory_space<vmem>>
      %dma_start3A_76 = tpu.memref_squeeze %dma_start3A_75 : memref<1x128x128xf32, #tpu.memory_space<vmem>> -> memref<128x128xf32, #tpu.memory_space<vmem>>
      %dma_start3A_77 = arith.constant 0 : i32
      %dma_start3A_78 = tpu.memref_slice %arg10[%add3A_17, %dma_start3A_77] : memref<5120x128xf32, #tpu.memory_space<vmem_shared>> -> memref<128x128xf32, #tpu.memory_space<vmem_shared>>
      %dma_start3A_79 = arith.constant 0 : i32
      %dma_start3A_80 = tpu.memref_slice %arg10[%add3A_17, %dma_start3A_79] : memref<5120x128xf32, #tpu.memory_space<vmem_shared>> -> memref<128x128xf32, #tpu.memory_space<vmem_shared>>
      %dma_start3A_81 = arith.constant 0 : i32
      %dma_start3A_82 = arith.constant 0 : i32
      %dma_start3A_83 = tpu.memref_slice %arg9[%run_scoped3A, %dma_start3A_81, %dma_start3A_82] : memref<2x128x128xf32, #tpu.memory_space<vmem>> -> memref<1x128x128xf32, #tpu.memory_space<vmem>>
      %dma_start3A_84 = tpu.memref_squeeze %dma_start3A_83 : memref<1x128x128xf32, #tpu.memory_space<vmem>> -> memref<128x128xf32, #tpu.memory_space<vmem>>
      tpu.enqueue_dma source(%dma_start3A_84 : memref<128x128xf32, #tpu.memory_space<vmem>>) target(%dma_start3A_80 : memref<128x128xf32, #tpu.memory_space<vmem_shared>>) target_semaphore(%run_scoped3A_72 : memref<!tpu.dma_semaphore, #tpu.memory_space<semaphore_mem>>)
      %dma_wait3A = arith.constant 0 : i32
      %dma_wait3A_85 = arith.constant 0 : i32
      %dma_wait3A_86 = tpu.memref_slice %arg9[%run_scoped3A, %dma_wait3A, %dma_wait3A_85] : memref<2x128x128xf32, #tpu.memory_space<vmem>> -> memref<1x128x128xf32, #tpu.memory_space<vmem>>
      %dma_wait3A_87 = tpu.memref_squeeze %dma_wait3A_86 : memref<1x128x128xf32, #tpu.memory_space<vmem>> -> memref<128x128xf32, #tpu.memory_space<vmem>>
      %dma_wait3A_88 = arith.constant 0 : i32
      %dma_wait3A_89 = tpu.memref_slice %arg10[%add3A_17, %dma_wait3A_88] : memref<5120x128xf32, #tpu.memory_space<vmem_shared>> -> memref<128x128xf32, #tpu.memory_space<vmem_shared>>
      %dma_wait3A_90 = arith.constant 0 : i32
      %dma_wait3A_91 = tpu.memref_slice %arg10[%add3A_17, %dma_wait3A_90] : memref<5120x128xf32, #tpu.memory_space<vmem_shared>> -> memref<128x128xf32, #tpu.memory_space<vmem_shared>>
      %dma_wait3A_92 = arith.constant 0 : i32
      %dma_wait3A_93 = arith.constant 0 : i32
      %dma_wait3A_94 = tpu.memref_slice %arg9[%run_scoped3A, %dma_wait3A_92, %dma_wait3A_93] : memref<2x128x128xf32, #tpu.memory_space<vmem>> -> memref<1x128x128xf32, #tpu.memory_space<vmem>>
      %dma_wait3A_95 = tpu.memref_squeeze %dma_wait3A_94 : memref<1x128x128xf32, #tpu.memory_space<vmem>> -> memref<128x128xf32, #tpu.memory_space<vmem>>
      tpu.wait_dma2 semaphore(%run_scoped3A_72 : memref<!tpu.dma_semaphore, #tpu.memory_space<semaphore_mem>>) src(%dma_wait3A_95 : memref<128x128xf32, #tpu.memory_space<vmem>>) dst(%dma_wait3A_91 : memref<128x128xf32, #tpu.memory_space<vmem_shared>>)
      tpu.yield
    }) : () -> ()
    %add3A_18 = arith.constant 128 : i32
    %add3A_19 = arith.addi %mul3A_16, %add3A_18 : i32
    %run_scoped3A_20 = arith.constant 0 : i32
    "tpu.region"() ({
      %run_scoped3A_72 = tpu.sem_alloc : memref<!tpu.dma_semaphore, #tpu.memory_space<semaphore_mem>>
      %dma_start3A_73 = arith.constant 0 : i32
      %dma_start3A_74 = arith.constant 0 : i32
      %dma_start3A_75 = tpu.memref_slice %arg9[%run_scoped3A_20, %dma_start3A_73, %dma_start3A_74] : memref<2x128x128xf32, #tpu.memory_space<vmem>> -> memref<1x128x128xf32, #tpu.memory_space<vmem>>
      %dma_start3A_76 = tpu.memref_squeeze %dma_start3A_75 : memref<1x128x128xf32, #tpu.memory_space<vmem>> -> memref<128x128xf32, #tpu.memory_space<vmem>>
      %dma_start3A_77 = arith.constant 0 : i32
      %dma_start3A_78 = tpu.memref_slice %arg10[%add3A_19, %dma_start3A_77] : memref<5120x128xf32, #tpu.memory_space<vmem_shared>> -> memref<128x128xf32, #tpu.memory_space<vmem_shared>>
      %dma_start3A_79 = arith.constant 0 : i32
      %dma_start3A_80 = tpu.memref_slice %arg10[%add3A_19, %dma_start3A_79] : memref<5120x128xf32, #tpu.memory_space<vmem_shared>> -> memref<128x128xf32, #tpu.memory_space<vmem_shared>>
      %dma_start3A_81 = arith.constant 0 : i32
      %dma_start3A_82 = arith.constant 0 : i32
      %dma_start3A_83 = tpu.memref_slice %arg9[%run_scoped3A_20, %dma_start3A_81, %dma_start3A_82] : memref<2x128x128xf32, #tpu.memory_space<vmem>> -> memref<1x128x128xf32, #tpu.memory_space<vmem>>
      %dma_start3A_84 = tpu.memref_squeeze %dma_start3A_83 : memref<1x128x128xf32, #tpu.memory_space<vmem>> -> memref<128x128xf32, #tpu.memory_space<vmem>>
      tpu.enqueue_dma source(%dma_start3A_84 : memref<128x128xf32, #tpu.memory_space<vmem>>) target(%dma_start3A_80 : memref<128x128xf32, #tpu.memory_space<vmem_shared>>) target_semaphore(%run_scoped3A_72 : memref<!tpu.dma_semaphore, #tpu.memory_space<semaphore_mem>>)
      %dma_wait3A = arith.constant 0 : i32
      %dma_wait3A_85 = arith.constant 0 : i32
      %dma_wait3A_86 = tpu.memref_slice %arg9[%run_scoped3A_20, %dma_wait3A, %dma_wait3A_85] : memref<2x128x128xf32, #tpu.memory_space<vmem>> -> memref<1x128x128xf32, #tpu.memory_space<vmem>>
      %dma_wait3A_87 = tpu.memref_squeeze %dma_wait3A_86 : memref<1x128x128xf32, #tpu.memory_space<vmem>> -> memref<128x128xf32, #tpu.memory_space<vmem>>
      %dma_wait3A_88 = arith.constant 0 : i32
      %dma_wait3A_89 = tpu.memref_slice %arg10[%add3A_19, %dma_wait3A_88] : memref<5120x128xf32, #tpu.memory_space<vmem_shared>> -> memref<128x128xf32, #tpu.memory_space<vmem_shared>>
      %dma_wait3A_90 = arith.constant 0 : i32
      %dma_wait3A_91 = tpu.memref_slice %arg10[%add3A_19, %dma_wait3A_90] : memref<5120x128xf32, #tpu.memory_space<vmem_shared>> -> memref<128x128xf32, #tpu.memory_space<vmem_shared>>
      %dma_wait3A_92 = arith.constant 0 : i32
      %dma_wait3A_93 = arith.constant 0 : i32
      %dma_wait3A_94 = tpu.memref_slice %arg9[%run_scoped3A_20, %dma_wait3A_92, %dma_wait3A_93] : memref<2x128x128xf32, #tpu.memory_space<vmem>> -> memref<1x128x128xf32, #tpu.memory_space<vmem>>
      %dma_wait3A_95 = tpu.memref_squeeze %dma_wait3A_94 : memref<1x128x128xf32, #tpu.memory_space<vmem>> -> memref<128x128xf32, #tpu.memory_space<vmem>>
      tpu.wait_dma2 semaphore(%run_scoped3A_72 : memref<!tpu.dma_semaphore, #tpu.memory_space<semaphore_mem>>) src(%dma_wait3A_95 : memref<128x128xf32, #tpu.memory_space<vmem>>) dst(%dma_wait3A_91 : memref<128x128xf32, #tpu.memory_space<vmem_shared>>)
      tpu.yield
    }) : () -> ()
    %add3A_21 = arith.constant 256 : i32
    %add3A_22 = arith.addi %mul3A_16, %add3A_21 : i32
    %run_scoped3A_23 = arith.constant 0 : i32
    "tpu.region"() ({
      %run_scoped3A_72 = tpu.sem_alloc : memref<!tpu.dma_semaphore, #tpu.memory_space<semaphore_mem>>
      %dma_start3A_73 = arith.constant 0 : i32
      %dma_start3A_74 = arith.constant 0 : i32
      %dma_start3A_75 = tpu.memref_slice %arg9[%run_scoped3A_23, %dma_start3A_73, %dma_start3A_74] : memref<2x128x128xf32, #tpu.memory_space<vmem>> -> memref<1x64x128xf32, #tpu.memory_space<vmem>>
      %dma_start3A_76 = tpu.memref_squeeze %dma_start3A_75 : memref<1x64x128xf32, #tpu.memory_space<vmem>> -> memref<64x128xf32, #tpu.memory_space<vmem>>
      %dma_start3A_77 = arith.constant 0 : i32
      %dma_start3A_78 = tpu.memref_slice %arg10[%add3A_22, %dma_start3A_77] : memref<5120x128xf32, #tpu.memory_space<vmem_shared>> -> memref<64x128xf32, #tpu.memory_space<vmem_shared>>
      %dma_start3A_79 = arith.constant 0 : i32
      %dma_start3A_80 = tpu.memref_slice %arg10[%add3A_22, %dma_start3A_79] : memref<5120x128xf32, #tpu.memory_space<vmem_shared>> -> memref<64x128xf32, #tpu.memory_space<vmem_shared>>
      %dma_start3A_81 = arith.constant 0 : i32
      %dma_start3A_82 = arith.constant 0 : i32
      %dma_start3A_83 = tpu.memref_slice %arg9[%run_scoped3A_23, %dma_start3A_81, %dma_start3A_82] : memref<2x128x128xf32, #tpu.memory_space<vmem>> -> memref<1x64x128xf32, #tpu.memory_space<vmem>>
      %dma_start3A_84 = tpu.memref_squeeze %dma_start3A_83 : memref<1x64x128xf32, #tpu.memory_space<vmem>> -> memref<64x128xf32, #tpu.memory_space<vmem>>
      tpu.enqueue_dma source(%dma_start3A_84 : memref<64x128xf32, #tpu.memory_space<vmem>>) target(%dma_start3A_80 : memref<64x128xf32, #tpu.memory_space<vmem_shared>>) target_semaphore(%run_scoped3A_72 : memref<!tpu.dma_semaphore, #tpu.memory_space<semaphore_mem>>)
      %dma_wait3A = arith.constant 0 : i32
      %dma_wait3A_85 = arith.constant 0 : i32
      %dma_wait3A_86 = tpu.memref_slice %arg9[%run_scoped3A_23, %dma_wait3A, %dma_wait3A_85] : memref<2x128x128xf32, #tpu.memory_space<vmem>> -> memref<1x64x128xf32, #tpu.memory_space<vmem>>
      %dma_wait3A_87 = tpu.memref_squeeze %dma_wait3A_86 : memref<1x64x128xf32, #tpu.memory_space<vmem>> -> memref<64x128xf32, #tpu.memory_space<vmem>>
      %dma_wait3A_88 = arith.constant 0 : i32
      %dma_wait3A_89 = tpu.memref_slice %arg10[%add3A_22, %dma_wait3A_88] : memref<5120x128xf32, #tpu.memory_space<vmem_shared>> -> memref<64x128xf32, #tpu.memory_space<vmem_shared>>
      %dma_wait3A_90 = arith.constant 0 : i32
      %dma_wait3A_91 = tpu.memref_slice %arg10[%add3A_22, %dma_wait3A_90] : memref<5120x128xf32, #tpu.memory_space<vmem_shared>> -> memref<64x128xf32, #tpu.memory_space<vmem_shared>>
      %dma_wait3A_92 = arith.constant 0 : i32
      %dma_wait3A_93 = arith.constant 0 : i32
      %dma_wait3A_94 = tpu.memref_slice %arg9[%run_scoped3A_23, %dma_wait3A_92, %dma_wait3A_93] : memref<2x128x128xf32, #tpu.memory_space<vmem>> -> memref<1x64x128xf32, #tpu.memory_space<vmem>>
      %dma_wait3A_95 = tpu.memref_squeeze %dma_wait3A_94 : memref<1x64x128xf32, #tpu.memory_space<vmem>> -> memref<64x128xf32, #tpu.memory_space<vmem>>
      tpu.wait_dma2 semaphore(%run_scoped3A_72 : memref<!tpu.dma_semaphore, #tpu.memory_space<semaphore_mem>>) src(%dma_wait3A_95 : memref<64x128xf32, #tpu.memory_space<vmem>>) dst(%dma_wait3A_91 : memref<64x128xf32, #tpu.memory_space<vmem_shared>>)
      tpu.yield
    }) : () -> ()
    "tpu.region"() ({
      %run_scoped3A_72 = tpu.sem_alloc : memref<!tpu.dma_semaphore, #tpu.memory_space<semaphore_mem>>
      %dma_start3A_73 = arith.constant 0 : i32
      %dma_start3A_74 = arith.constant 0 : i32
      %dma_start3A_75 = tpu.memref_slice %arg3[%arg1, %dma_start3A_73, %dma_start3A_74] : memref<16x158x128xi32, #tpu.memory_space<hbm>> -> memref<1x158x128xi32, #tpu.memory_space<hbm>>
      %dma_start3A_76 = tpu.memref_squeeze %dma_start3A_75 : memref<1x158x128xi32, #tpu.memory_space<hbm>> -> memref<158x128xi32, #tpu.memory_space<hbm>>
      %dma_start3A_77 = arith.constant 0 : i32
      %dma_start3A_78 = arith.constant 0 : i32
      %dma_start3A_79 = tpu.memref_slice %arg3[%arg1, %dma_start3A_77, %dma_start3A_78] : memref<16x158x128xi32, #tpu.memory_space<hbm>> -> memref<1x158x128xi32, #tpu.memory_space<hbm>>
      %dma_start3A_80 = tpu.memref_squeeze %dma_start3A_79 : memref<1x158x128xi32, #tpu.memory_space<hbm>> -> memref<158x128xi32, #tpu.memory_space<hbm>>
      tpu.enqueue_dma source(%dma_start3A_80 : memref<158x128xi32, #tpu.memory_space<hbm>>) target(%arg7 : memref<158x128xi32, #tpu.memory_space<vmem>>) target_semaphore(%run_scoped3A_72 : memref<!tpu.dma_semaphore, #tpu.memory_space<semaphore_mem>>)
      %dma_wait3A = arith.constant 0 : i32
      %dma_wait3A_81 = arith.constant 0 : i32
      %dma_wait3A_82 = tpu.memref_slice %arg3[%arg1, %dma_wait3A, %dma_wait3A_81] : memref<16x158x128xi32, #tpu.memory_space<hbm>> -> memref<1x158x128xi32, #tpu.memory_space<hbm>>
      %dma_wait3A_83 = tpu.memref_squeeze %dma_wait3A_82 : memref<1x158x128xi32, #tpu.memory_space<hbm>> -> memref<158x128xi32, #tpu.memory_space<hbm>>
      %dma_wait3A_84 = arith.constant 0 : i32
      %dma_wait3A_85 = arith.constant 0 : i32
      %dma_wait3A_86 = tpu.memref_slice %arg3[%arg1, %dma_wait3A_84, %dma_wait3A_85] : memref<16x158x128xi32, #tpu.memory_space<hbm>> -> memref<1x158x128xi32, #tpu.memory_space<hbm>>
      %dma_wait3A_87 = tpu.memref_squeeze %dma_wait3A_86 : memref<1x158x128xi32, #tpu.memory_space<hbm>> -> memref<158x128xi32, #tpu.memory_space<hbm>>
      tpu.wait_dma2 semaphore(%run_scoped3A_72 : memref<!tpu.dma_semaphore, #tpu.memory_space<semaphore_mem>>) src(%dma_wait3A_87 : memref<158x128xi32, #tpu.memory_space<hbm>>) dst(%arg7 : memref<158x128xi32, #tpu.memory_space<vmem>>)
      tpu.yield
    }) : () -> ()
    "tpu.region"() ({
      %run_scoped3A_72 = tpu.sem_alloc : memref<!tpu.dma_semaphore, #tpu.memory_space<semaphore_mem>>
      %dma_start3A_73 = arith.constant 0 : i32
      %dma_start3A_74 = arith.constant 0 : i32
      %dma_start3A_75 = tpu.memref_slice %arg4[%arg1, %dma_start3A_73, %dma_start3A_74] : memref<16x158x128xi32, #tpu.memory_space<hbm>> -> memref<1x158x128xi32, #tpu.memory_space<hbm>>
      %dma_start3A_76 = tpu.memref_squeeze %dma_start3A_75 : memref<1x158x128xi32, #tpu.memory_space<hbm>> -> memref<158x128xi32, #tpu.memory_space<hbm>>
      %dma_start3A_77 = arith.constant 0 : i32
      %dma_start3A_78 = arith.constant 0 : i32
      %dma_start3A_79 = tpu.memref_slice %arg4[%arg1, %dma_start3A_77, %dma_start3A_78] : memref<16x158x128xi32, #tpu.memory_space<hbm>> -> memref<1x158x128xi32, #tpu.memory_space<hbm>>
      %dma_start3A_80 = tpu.memref_squeeze %dma_start3A_79 : memref<1x158x128xi32, #tpu.memory_space<hbm>> -> memref<158x128xi32, #tpu.memory_space<hbm>>
      tpu.enqueue_dma source(%dma_start3A_80 : memref<158x128xi32, #tpu.memory_space<hbm>>) target(%arg8 : memref<158x128xi32, #tpu.memory_space<vmem>>) target_semaphore(%run_scoped3A_72 : memref<!tpu.dma_semaphore, #tpu.memory_space<semaphore_mem>>)
      %dma_wait3A = arith.constant 0 : i32
      %dma_wait3A_81 = arith.constant 0 : i32
      %dma_wait3A_82 = tpu.memref_slice %arg4[%arg1, %dma_wait3A, %dma_wait3A_81] : memref<16x158x128xi32, #tpu.memory_space<hbm>> -> memref<1x158x128xi32, #tpu.memory_space<hbm>>
      %dma_wait3A_83 = tpu.memref_squeeze %dma_wait3A_82 : memref<1x158x128xi32, #tpu.memory_space<hbm>> -> memref<158x128xi32, #tpu.memory_space<hbm>>
      %dma_wait3A_84 = arith.constant 0 : i32
      %dma_wait3A_85 = arith.constant 0 : i32
      %dma_wait3A_86 = tpu.memref_slice %arg4[%arg1, %dma_wait3A_84, %dma_wait3A_85] : memref<16x158x128xi32, #tpu.memory_space<hbm>> -> memref<1x158x128xi32, #tpu.memory_space<hbm>>
      %dma_wait3A_87 = tpu.memref_squeeze %dma_wait3A_86 : memref<1x158x128xi32, #tpu.memory_space<hbm>> -> memref<158x128xi32, #tpu.memory_space<hbm>>
      tpu.wait_dma2 semaphore(%run_scoped3A_72 : memref<!tpu.dma_semaphore, #tpu.memory_space<semaphore_mem>>) src(%dma_wait3A_87 : memref<158x128xi32, #tpu.memory_space<hbm>>) dst(%arg8 : memref<158x128xi32, #tpu.memory_space<vmem>>)
      tpu.yield
    }) : () -> ()
    %broadcast_in_dim3A_24 = arith.constant 5056 : i32
    %broadcast_in_dim3A_25 = vector.broadcast %broadcast_in_dim3A_24 : i32 to vector<16xi32>
    %scan3A_26 = arith.constant 0 : i32
    %scan3A_27 = arith.constant 0 : i32
    %scan3A_28 = arith.constant 1264 : i32
    %scan3A_29 = arith.addi %scan3A_27, %scan3A_28 : i32
    %scan3A_30 = arith.constant 1 : i32
    %scan3A_31 = scf.for %scan3A_72 = %scan3A_27 to %scan3A_29 step %scan3A_30 iter_args(%scan3A_73 = %scan3A_26) -> (i32)  : i32 {
      %jit3A = arith.constant 8 : i32
      %div3A = arith.divsi %scan3A_72, %jit3A : i32
      %sign3A = arith.constant 0 : i32
      %sign3A_74 = arith.cmpi sgt, %scan3A_72, %sign3A : i32
      %sign3A_75 = arith.extui %sign3A_74 : i1 to i32
      %sign3A_76 = arith.constant 0 : i32
      %sign3A_77 = arith.cmpi slt, %scan3A_72, %sign3A_76 : i32
      %sign3A_78 = arith.extui %sign3A_77 : i1 to i32
      %sign3A_79 = arith.subi %sign3A_75, %sign3A_78 : i32
      %sign3A_80 = arith.constant 0 : i32
      %sign3A_81 = arith.cmpi sgt, %jit3A, %sign3A_80 : i32
      %sign3A_82 = arith.extui %sign3A_81 : i1 to i32
      %sign3A_83 = arith.constant 0 : i32
      %sign3A_84 = arith.cmpi slt, %jit3A, %sign3A_83 : i32
      %sign3A_85 = arith.extui %sign3A_84 : i1 to i32
      %sign3A_86 = arith.subi %sign3A_82, %sign3A_85 : i32
      %ne3A = arith.cmpi ne, %sign3A_79, %sign3A_86 : i32
      %rem3A = arith.remsi %scan3A_72, %jit3A : i32
      %ne3A_87 = arith.constant 0 : i32
      %ne3A_88 = arith.cmpi ne, %rem3A, %ne3A_87 : i32
      %and3A = arith.andi %ne3A, %ne3A_88 : i1
      %sub3A = arith.constant 1 : i32
      %sub3A_89 = arith.subi %div3A, %sub3A : i32
      %select_n3A = arith.select %and3A, %sub3A_89, %div3A : i32
      %jit3A_90 = arith.constant 8 : i32
      %eq3A = arith.constant 0 : i32
      %eq3A_91 = arith.cmpi eq, %jit3A_90, %eq3A : i32
      %jit3A_92 = arith.constant 1 : i32
      %select_n3A_93 = arith.select %eq3A_91, %jit3A_92, %jit3A_90 : i32
      %rem3A_94 = arith.remsi %scan3A_72, %select_n3A_93 : i32
      %ne3A_95 = arith.constant 0 : i32
      %ne3A_96 = arith.cmpi ne, %rem3A_94, %ne3A_95 : i32
      %lt3A = arith.constant 0 : i32
      %lt3A_97 = arith.cmpi slt, %rem3A_94, %lt3A : i32
      %lt3A_98 = arith.constant 0 : i32
      %lt3A_99 = arith.cmpi slt, %select_n3A_93, %lt3A_98 : i32
      %ne3A_100 = arith.xori %lt3A_97, %lt3A_99 : i1
      %and3A_101 = arith.andi %ne3A_100, %ne3A_96 : i1
      %add3A_102 = arith.addi %rem3A_94, %select_n3A_93 : i32
      %select_n3A_103 = arith.select %and3A_101, %add3A_102, %rem3A_94 : i32
      %mul3A_104 = arith.constant 16 : i32
      %mul3A_105 = arith.muli %select_n3A_103, %mul3A_104 : i32
      %get3A = arith.index_cast %select_n3A : i32 to index
      %get3A_106 = arith.index_cast %mul3A_105 : i32 to index
      %get3A_107 = tpu.vector_load %arg8[%get3A, %get3A_106] {strides = array<i32>} : memref<158x128xi32, #tpu.memory_space<vmem>>, vector<16xi32>,
      %sub3A_108 = vector.broadcast %mul3A_0 : i32 to vector<16xi32>
      %sub3A_109 = arith.subi %get3A_107, %sub3A_108 : vector<16xi32>
      %lt3A_110 = arith.constant 0 : i32
      %lt3A_111 = vector.broadcast %lt3A_110 : i32 to vector<16xi32>
      %lt3A_112 = arith.cmpi slt, %sub3A_109, %lt3A_111 : vector<16xi32>
      %ge3A = arith.constant 5056 : i32
      %ge3A_113 = vector.broadcast %ge3A : i32 to vector<16xi32>
      %ge3A_114 = arith.cmpi sge, %sub3A_109, %ge3A_113 : vector<16xi32>
      %or3A = arith.ori %lt3A_112, %ge3A_114 : vector<16xi1>
      %select_n3A_115 = arith.select %or3A, %broadcast_in_dim3A_25, %sub3A_109 : vector<16xi1>, vector<16xi32>
      %swap3A = arith.index_cast %select_n3A : i32 to index
      %swap3A_116 = arith.index_cast %mul3A_105 : i32 to index
      %swap3A_117 = tpu.vector_load %arg8[%swap3A, %swap3A_116] {strides = array<i32>} : memref<158x128xi32, #tpu.memory_space<vmem>>, vector<16xi32>,
      tpu.vector_store %arg8[%swap3A, %swap3A_116], %select_n3A_115 {strides = array<i32>} : memref<158x128xi32, #tpu.memory_space<vmem>>, vector<16xi32>,
      %scan3A_118 = arith.constant 0 : i32
      scf.yield %scan3A_118 : i32
    }
    %scan3A_32 = arith.constant 1264 : i32
    %barrier3A = arith.constant 0 : index
    tpu.barrier barrier_id(%barrier3A)
    %dma_start3A = arith.constant 0 : i32
    %dma_start3A_33 = arith.constant 0 : i32
    %dma_start3A_34 = arith.constant 0 : i32
    %dma_start3A_35 = arith.constant 0 : i32
    %dma_start3A_36 = arith.constant 0 : i32
    %dma_start3A_37 = tpu.memref_slice %arg9[%dma_start3A_33, %dma_start3A_35, %dma_start3A_36] : memref<2x128x128xf32, #tpu.memory_space<vmem>> -> memref<1x128x128xf32, #tpu.memory_space<vmem>>
    %dma_start3A_38 = tpu.memref_squeeze %dma_start3A_37 : memref<1x128x128xf32, #tpu.memory_space<vmem>> -> memref<128x128xf32, #tpu.memory_space<vmem>>
    %dma_start3A_39 = arith.constant 0 : i32
    %dma_start3A_40 = tpu.memref_slice %arg7[%dma_start3A, %dma_start3A_39] : memref<158x128xi32, #tpu.memory_space<vmem>> -> memref<1x128xi32, #tpu.memory_space<vmem>>
    %dma_start3A_41 = tpu.memref_squeeze %dma_start3A_40 : memref<1x128xi32, #tpu.memory_space<vmem>> -> memref<128xi32, #tpu.memory_space<vmem>>
    %dma_start3A_42 = arith.constant 0 : i32
    %dma_start3A_43 = arith.constant 0 : i32
    %dma_start3A_44 = tpu.memref_slice %arg2[%dma_start3A_42, %dma_start3A_43] : memref<10000x128xf32, #tpu.memory_space<hbm>> -> memref<10000x128xf32, #tpu.memory_space<hbm>>
    %dma_start3A_45 = tpu.memref_slice %arg11[%dma_start3A_34] : memref<2x!tpu.dma_semaphore, #tpu.memory_space<semaphore_mem>> -> memref<1x!tpu.dma_semaphore, #tpu.memory_space<semaphore_mem>>
    %dma_start3A_46 = tpu.memref_squeeze %dma_start3A_45 : memref<1x!tpu.dma_semaphore, #tpu.memory_space<semaphore_mem>> -> memref<!tpu.dma_semaphore, #tpu.memory_space<semaphore_mem>>
    tpu.enqueue_indirect_dma source(%dma_start3A_44 : memref<10000x128xf32, #tpu.memory_space<hbm>>) target(%dma_start3A_38 : memref<128x128xf32, #tpu.memory_space<vmem>>) offsets(%dma_start3A_41 : memref<128xi32, #tpu.memory_space<vmem>>) semaphore(%dma_start3A_46 : memref<!tpu.dma_semaphore, #tpu.memory_space<semaphore_mem>>)
    %dma_start3A_47 = arith.constant 1 : i32
    %dma_start3A_48 = arith.constant 1 : i32
    %dma_start3A_49 = arith.constant 1 : i32
    %dma_start3A_50 = arith.constant 0 : i32
    %dma_start3A_51 = arith.constant 0 : i32
    %dma_start3A_52 = tpu.memref_slice %arg9[%dma_start3A_48, %dma_start3A_50, %dma_start3A_51] : memref<2x128x128xf32, #tpu.memory_space<vmem>> -> memref<1x128x128xf32, #tpu.memory_space<vmem>>
    %dma_start3A_53 = tpu.memref_squeeze %dma_start3A_52 : memref<1x128x128xf32, #tpu.memory_space<vmem>> -> memref<128x128xf32, #tpu.memory_space<vmem>>
    %dma_start3A_54 = arith.constant 0 : i32
    %dma_start3A_55 = tpu.memref_slice %arg7[%dma_start3A_47, %dma_start3A_54] : memref<158x128xi32, #tpu.memory_space<vmem>> -> memref<1x128xi32, #tpu.memory_space<vmem>>
    %dma_start3A_56 = tpu.memref_squeeze %dma_start3A_55 : memref<1x128xi32, #tpu.memory_space<vmem>> -> memref<128xi32, #tpu.memory_space<vmem>>
    %dma_start3A_57 = arith.constant 0 : i32
    %dma_start3A_58 = arith.constant 0 : i32
    %dma_start3A_59 = tpu.memref_slice %arg2[%dma_start3A_57, %dma_start3A_58] : memref<10000x128xf32, #tpu.memory_space<hbm>> -> memref<10000x128xf32, #tpu.memory_space<hbm>>
    %dma_start3A_60 = tpu.memref_slice %arg11[%dma_start3A_49] : memref<2x!tpu.dma_semaphore, #tpu.memory_space<semaphore_mem>> -> memref<1x!tpu.dma_semaphore, #tpu.memory_space<semaphore_mem>>
    %dma_start3A_61 = tpu.memref_squeeze %dma_start3A_60 : memref<1x!tpu.dma_semaphore, #tpu.memory_space<semaphore_mem>> -> memref<!tpu.dma_semaphore, #tpu.memory_space<semaphore_mem>>
    tpu.enqueue_indirect_dma source(%dma_start3A_59 : memref<10000x128xf32, #tpu.memory_space<hbm>>) target(%dma_start3A_53 : memref<128x128xf32, #tpu.memory_space<vmem>>) offsets(%dma_start3A_56 : memref<128xi32, #tpu.memory_space<vmem>>) semaphore(%dma_start3A_61 : memref<!tpu.dma_semaphore, #tpu.memory_space<semaphore_mem>>)
    %broadcast_in_dim3A_62 = arith.constant 1.000000e+00 : f32
    %broadcast_in_dim3A_63 = vector.broadcast %broadcast_in_dim3A_62 : f32 to vector<16xf32>
    %scan3A_64 = arith.constant 0 : i32
    %scan3A_65 = arith.constant 0 : i32
    %scan3A_66 = arith.constant 158 : i32
    %scan3A_67 = arith.addi %scan3A_65, %scan3A_66 : i32
    %scan3A_68 = arith.constant 1 : i32
    %scan3A_69 = scf.for %scan3A_72 = %scan3A_65 to %scan3A_67 step %scan3A_68 iter_args(%scan3A_73 = %scan3A_64) -> (i32)  : i32 {
      %rem3A = arith.constant 2 : i32
      %rem3A_74 = arith.remsi %scan3A_72, %rem3A : i32
      %dma_wait3A = arith.constant 0 : i32
      %dma_wait3A_75 = arith.constant 0 : i32
      %dma_wait3A_76 = tpu.memref_slice %arg9[%rem3A_74, %dma_wait3A, %dma_wait3A_75] : memref<2x128x128xf32, #tpu.memory_space<vmem>> -> memref<1x128x128xf32, #tpu.memory_space<vmem>>
      %dma_wait3A_77 = tpu.memref_squeeze %dma_wait3A_76 : memref<1x128x128xf32, #tpu.memory_space<vmem>> -> memref<128x128xf32, #tpu.memory_space<vmem>>
      %dma_wait3A_78 = arith.constant 0 : i32
      %dma_wait3A_79 = tpu.memref_slice %arg7[%scan3A_72, %dma_wait3A_78] : memref<158x128xi32, #tpu.memory_space<vmem>> -> memref<1x128xi32, #tpu.memory_space<vmem>>
      %dma_wait3A_80 = tpu.memref_squeeze %dma_wait3A_79 : memref<1x128xi32, #tpu.memory_space<vmem>> -> memref<128xi32, #tpu.memory_space<vmem>>
      %dma_wait3A_81 = arith.constant 0 : i32
      %dma_wait3A_82 = arith.constant 0 : i32
      %dma_wait3A_83 = tpu.memref_slice %arg2[%dma_wait3A_81, %dma_wait3A_82] : memref<10000x128xf32, #tpu.memory_space<hbm>> -> memref<10000x128xf32, #tpu.memory_space<hbm>>
      %dma_wait3A_84 = tpu.memref_slice %arg11[%rem3A_74] : memref<2x!tpu.dma_semaphore, #tpu.memory_space<semaphore_mem>> -> memref<1x!tpu.dma_semaphore, #tpu.memory_space<semaphore_mem>>
      %dma_wait3A_85 = tpu.memref_squeeze %dma_wait3A_84 : memref<1x!tpu.dma_semaphore, #tpu.memory_space<semaphore_mem>> -> memref<!tpu.dma_semaphore, #tpu.memory_space<semaphore_mem>>
      tpu.wait_indirect_dma semaphore(%dma_wait3A_85 : memref<!tpu.dma_semaphore, #tpu.memory_space<semaphore_mem>>) src(%dma_wait3A_83 : memref<10000x128xf32, #tpu.memory_space<hbm>>) dst(%dma_wait3A_77 : memref<128x128xf32, #tpu.memory_space<vmem>>)
      %dma_start3A_86 = arith.constant 0 : i32
      %dma_start3A_87 = arith.constant 0 : i32
      %dma_start3A_88 = tpu.memref_slice %arg9[%rem3A_74, %dma_start3A_86, %dma_start3A_87] : memref<2x128x128xf32, #tpu.memory_space<vmem>> -> memref<1x128x128xf32, #tpu.memory_space<vmem>>
      %dma_start3A_89 = tpu.memref_squeeze %dma_start3A_88 : memref<1x128x128xf32, #tpu.memory_space<vmem>> -> memref<128x128xf32, #tpu.memory_space<vmem>>
      %dma_start3A_90 = arith.constant 0 : i32
      %dma_start3A_91 = tpu.memref_slice %arg8[%scan3A_72, %dma_start3A_90] : memref<158x128xi32, #tpu.memory_space<vmem>> -> memref<1x128xi32, #tpu.memory_space<vmem>>
      %dma_start3A_92 = tpu.memref_squeeze %dma_start3A_91 : memref<1x128xi32, #tpu.memory_space<vmem>> -> memref<128xi32, #tpu.memory_space<vmem>>
      %dma_start3A_93 = arith.constant 0 : i32
      %dma_start3A_94 = arith.constant 0 : i32
      %dma_start3A_95 = tpu.memref_slice %arg10[%dma_start3A_93, %dma_start3A_94] : memref<5120x128xf32, #tpu.memory_space<vmem_shared>> -> memref<5120x128xf32, #tpu.memory_space<vmem_shared>>
      tpu.enqueue_indirect_dma source(%dma_start3A_89 : memref<128x128xf32, #tpu.memory_space<vmem>>) target(%dma_start3A_95 : memref<5120x128xf32, #tpu.memory_space<vmem_shared>>) offsets(%dma_start3A_92 : memref<128xi32, #tpu.memory_space<vmem>>) semaphore(%arg12 : memref<!tpu.dma_semaphore, #tpu.memory_space<semaphore_mem>>) {add = true}
      %get3A = arith.index_cast %scan3A_72 : i32 to index
      %get3A_96 = arith.constant 0 : index
      %get3A_97 = tpu.vector_load %arg8[%get3A, %get3A_96] {strides = array<i32>} : memref<158x128xi32, #tpu.memory_space<vmem>>, vector<16xi32>,
      tpu.vector_store_idx %arg13[%get3A_97], %broadcast_in_dim3A_63 {add = true} : memref<5120xf32, #tpu.memory_space<vmem>>[vector<16xi32>], vector<16xf32>,
      %get3A_98 = arith.index_cast %scan3A_72 : i32 to index
      %get3A_99 = arith.constant 16 : index
      %get3A_100 = tpu.vector_load %arg8[%get3A_98, %get3A_99] {strides = array<i32>} : memref<158x128xi32, #tpu.memory_space<vmem>>, vector<16xi32>,
      tpu.vector_store_idx %arg13[%get3A_100], %broadcast_in_dim3A_63 {add = true} : memref<5120xf32, #tpu.memory_space<vmem>>[vector<16xi32>], vector<16xf32>,
      %get3A_101 = arith.index_cast %scan3A_72 : i32 to index
      %get3A_102 = arith.constant 32 : index
      %get3A_103 = tpu.vector_load %arg8[%get3A_101, %get3A_102] {strides = array<i32>} : memref<158x128xi32, #tpu.memory_space<vmem>>, vector<16xi32>,
      tpu.vector_store_idx %arg13[%get3A_103], %broadcast_in_dim3A_63 {add = true} : memref<5120xf32, #tpu.memory_space<vmem>>[vector<16xi32>], vector<16xf32>,
      %get3A_104 = arith.index_cast %scan3A_72 : i32 to index
      %get3A_105 = arith.constant 48 : index
      %get3A_106 = tpu.vector_load %arg8[%get3A_104, %get3A_105] {strides = array<i32>} : memref<158x128xi32, #tpu.memory_space<vmem>>, vector<16xi32>,
      tpu.vector_store_idx %arg13[%get3A_106], %broadcast_in_dim3A_63 {add = true} : memref<5120xf32, #tpu.memory_space<vmem>>[vector<16xi32>], vector<16xf32>,
      %get3A_107 = arith.index_cast %scan3A_72 : i32 to index
      %get3A_108 = arith.constant 64 : index
      %get3A_109 = tpu.vector_load %arg8[%get3A_107, %get3A_108] {strides = array<i32>} : memref<158x128xi32, #tpu.memory_space<vmem>>, vector<16xi32>,
      tpu.vector_store_idx %arg13[%get3A_109], %broadcast_in_dim3A_63 {add = true} : memref<5120xf32, #tpu.memory_space<vmem>>[vector<16xi32>], vector<16xf32>,
      %get3A_110 = arith.index_cast %scan3A_72 : i32 to index
      %get3A_111 = arith.constant 80 : index
      %get3A_112 = tpu.vector_load %arg8[%get3A_110, %get3A_111] {strides = array<i32>} : memref<158x128xi32, #tpu.memory_space<vmem>>, vector<16xi32>,
      tpu.vector_store_idx %arg13[%get3A_112], %broadcast_in_dim3A_63 {add = true} : memref<5120xf32, #tpu.memory_space<vmem>>[vector<16xi32>], vector<16xf32>,
      %get3A_113 = arith.index_cast %scan3A_72 : i32 to index
      %get3A_114 = arith.constant 96 : index
      %get3A_115 = tpu.vector_load %arg8[%get3A_113, %get3A_114] {strides = array<i32>} : memref<158x128xi32, #tpu.memory_space<vmem>>, vector<16xi32>,
      tpu.vector_store_idx %arg13[%get3A_115], %broadcast_in_dim3A_63 {add = true} : memref<5120xf32, #tpu.memory_space<vmem>>[vector<16xi32>], vector<16xf32>,
      %get3A_116 = arith.index_cast %scan3A_72 : i32 to index
      %get3A_117 = arith.constant 112 : index
      %get3A_118 = tpu.vector_load %arg8[%get3A_116, %get3A_117] {strides = array<i32>} : memref<158x128xi32, #tpu.memory_space<vmem>>, vector<16xi32>,
      tpu.vector_store_idx %arg13[%get3A_118], %broadcast_in_dim3A_63 {add = true} : memref<5120xf32, #tpu.memory_space<vmem>>[vector<16xi32>], vector<16xf32>,
      %dma_wait3A_119 = arith.constant 0 : i32
      %dma_wait3A_120 = arith.constant 0 : i32
      %dma_wait3A_121 = tpu.memref_slice %arg9[%rem3A_74, %dma_wait3A_119, %dma_wait3A_120] : memref<2x128x128xf32, #tpu.memory_space<vmem>> -> memref<1x128x128xf32, #tpu.memory_space<vmem>>
      %dma_wait3A_122 = tpu.memref_squeeze %dma_wait3A_121 : memref<1x128x128xf32, #tpu.memory_space<vmem>> -> memref<128x128xf32, #tpu.memory_space<vmem>>
      %dma_wait3A_123 = arith.constant 0 : i32
      %dma_wait3A_124 = tpu.memref_slice %arg8[%scan3A_72, %dma_wait3A_123] : memref<158x128xi32, #tpu.memory_space<vmem>> -> memref<1x128xi32, #tpu.memory_space<vmem>>
      %dma_wait3A_125 = tpu.memref_squeeze %dma_wait3A_124 : memref<1x128xi32, #tpu.memory_space<vmem>> -> memref<128xi32, #tpu.memory_space<vmem>>
      %dma_wait3A_126 = arith.constant 0 : i32
      %dma_wait3A_127 = arith.constant 0 : i32
      %dma_wait3A_128 = tpu.memref_slice %arg10[%dma_wait3A_126, %dma_wait3A_127] : memref<5120x128xf32, #tpu.memory_space<vmem_shared>> -> memref<5120x128xf32, #tpu.memory_space<vmem_shared>>
      tpu.wait_indirect_dma semaphore(%arg12 : memref<!tpu.dma_semaphore, #tpu.memory_space<semaphore_mem>>) src(%dma_wait3A_122 : memref<128x128xf32, #tpu.memory_space<vmem>>) dst(%dma_wait3A_128 : memref<5120x128xf32, #tpu.memory_space<vmem_shared>>)
      %add3A_129 = arith.constant 2 : i32
      %add3A_130 = arith.addi %scan3A_72, %add3A_129 : i32
      %lt3A = arith.constant 158 : i32
      %lt3A_131 = arith.cmpi slt, %add3A_130, %lt3A : i32
      %convert_element_type3A = arith.extui %lt3A_131 : i1 to i32
      %cond3A = arith.constant 0 : i32
      %cond3A_132 = arith.cmpi ne, %convert_element_type3A, %cond3A : i32
      scf.if %cond3A_132 {
        %add3A_134 = arith.constant 2 : i32
        %add3A_135 = arith.addi %scan3A_72, %add3A_134 : i32
        %dma_start3A_136 = arith.constant 0 : i32
        %dma_start3A_137 = arith.constant 0 : i32
        %dma_start3A_138 = tpu.memref_slice %arg9[%rem3A_74, %dma_start3A_136, %dma_start3A_137] : memref<2x128x128xf32, #tpu.memory_space<vmem>> -> memref<1x128x128xf32, #tpu.memory_space<vmem>>
        %dma_start3A_139 = tpu.memref_squeeze %dma_start3A_138 : memref<1x128x128xf32, #tpu.memory_space<vmem>> -> memref<128x128xf32, #tpu.memory_space<vmem>>
        %dma_start3A_140 = arith.constant 0 : i32
        %dma_start3A_141 = tpu.memref_slice %arg7[%add3A_135, %dma_start3A_140] : memref<158x128xi32, #tpu.memory_space<vmem>> -> memref<1x128xi32, #tpu.memory_space<vmem>>
        %dma_start3A_142 = tpu.memref_squeeze %dma_start3A_141 : memref<1x128xi32, #tpu.memory_space<vmem>> -> memref<128xi32, #tpu.memory_space<vmem>>
        %dma_start3A_143 = arith.constant 0 : i32
        %dma_start3A_144 = arith.constant 0 : i32
        %dma_start3A_145 = tpu.memref_slice %arg2[%dma_start3A_143, %dma_start3A_144] : memref<10000x128xf32, #tpu.memory_space<hbm>> -> memref<10000x128xf32, #tpu.memory_space<hbm>>
        %dma_start3A_146 = tpu.memref_slice %arg11[%rem3A_74] : memref<2x!tpu.dma_semaphore, #tpu.memory_space<semaphore_mem>> -> memref<1x!tpu.dma_semaphore, #tpu.memory_space<semaphore_mem>>
        %dma_start3A_147 = tpu.memref_squeeze %dma_start3A_146 : memref<1x!tpu.dma_semaphore, #tpu.memory_space<semaphore_mem>> -> memref<!tpu.dma_semaphore, #tpu.memory_space<semaphore_mem>>
        tpu.enqueue_indirect_dma source(%dma_start3A_145 : memref<10000x128xf32, #tpu.memory_space<hbm>>) target(%dma_start3A_139 : memref<128x128xf32, #tpu.memory_space<vmem>>) offsets(%dma_start3A_142 : memref<128xi32, #tpu.memory_space<vmem>>) semaphore(%dma_start3A_147 : memref<!tpu.dma_semaphore, #tpu.memory_space<semaphore_mem>>)
      } else {
      }
      %scan3A_133 = arith.constant 0 : i32
      scf.yield %scan3A_133 : i32
    }
    %scan3A_70 = arith.constant 158 : i32
    "tpu.region"() ({
      %run_scoped3A_72 = tpu.sem_alloc : memref<!tpu.dma_semaphore, #tpu.memory_space<semaphore_mem>>
      %dma_start3A_73 = arith.constant 0 : i32
      %dma_start3A_74 = tpu.memref_slice %arg6[%arg0, %arg1, %dma_start3A_73] : memref<2x16x5120xf32, #tpu.memory_space<hbm>> -> memref<1x1x5120xf32, #tpu.memory_space<hbm>>
      %dma_start3A_75 = tpu.memref_squeeze %dma_start3A_74 : memref<1x1x5120xf32, #tpu.memory_space<hbm>> -> memref<5120xf32, #tpu.memory_space<hbm>>
      %dma_start3A_76 = arith.constant 0 : i32
      %dma_start3A_77 = tpu.memref_slice %arg6[%arg0, %arg1, %dma_start3A_76] : memref<2x16x5120xf32, #tpu.memory_space<hbm>> -> memref<1x1x5120xf32, #tpu.memory_space<hbm>>
      %dma_start3A_78 = tpu.memref_squeeze %dma_start3A_77 : memref<1x1x5120xf32, #tpu.memory_space<hbm>> -> memref<5120xf32, #tpu.memory_space<hbm>>
      tpu.enqueue_dma source(%arg13 : memref<5120xf32, #tpu.memory_space<vmem>>) target(%dma_start3A_78 : memref<5120xf32, #tpu.memory_space<hbm>>) target_semaphore(%run_scoped3A_72 : memref<!tpu.dma_semaphore, #tpu.memory_space<semaphore_mem>>)
      %dma_wait3A = arith.constant 0 : i32
      %dma_wait3A_79 = tpu.memref_slice %arg6[%arg0, %arg1, %dma_wait3A] : memref<2x16x5120xf32, #tpu.memory_space<hbm>> -> memref<1x1x5120xf32, #tpu.memory_space<hbm>>
      %dma_wait3A_80 = tpu.memref_squeeze %dma_wait3A_79 : memref<1x1x5120xf32, #tpu.memory_space<hbm>> -> memref<5120xf32, #tpu.memory_space<hbm>>
      %dma_wait3A_81 = arith.constant 0 : i32
      %dma_wait3A_82 = tpu.memref_slice %arg6[%arg0, %arg1, %dma_wait3A_81] : memref<2x16x5120xf32, #tpu.memory_space<hbm>> -> memref<1x1x5120xf32, #tpu.memory_space<hbm>>
      %dma_wait3A_83 = tpu.memref_squeeze %dma_wait3A_82 : memref<1x1x5120xf32, #tpu.memory_space<hbm>> -> memref<5120xf32, #tpu.memory_space<hbm>>
      tpu.wait_dma2 semaphore(%run_scoped3A_72 : memref<!tpu.dma_semaphore, #tpu.memory_space<semaphore_mem>>) src(%arg13 : memref<5120xf32, #tpu.memory_space<vmem>>) dst(%dma_wait3A_83 : memref<5120xf32, #tpu.memory_space<hbm>>)
      tpu.yield
    }) : () -> ()
    %barrier3A_71 = arith.constant 0 : index
    tpu.barrier barrier_id(%barrier3A_71)
    "tpu.region"() ({
      %run_scoped3A_72 = tpu.sem_alloc : memref<!tpu.dma_semaphore, #tpu.memory_space<semaphore_mem>>
      %dma_start3A_73 = arith.constant 0 : i32
      %dma_start3A_74 = tpu.memref_slice %arg5[%arg0, %mul3A_16, %dma_start3A_73] : memref<2x5120x128xf32, #tpu.memory_space<hbm>> -> memref<1x320x128xf32, #tpu.memory_space<hbm>>
      %dma_start3A_75 = tpu.memref_squeeze %dma_start3A_74 : memref<1x320x128xf32, #tpu.memory_space<hbm>> -> memref<320x128xf32, #tpu.memory_space<hbm>>
      %dma_start3A_76 = arith.constant 0 : i32
      %dma_start3A_77 = tpu.memref_slice %arg10[%mul3A_16, %dma_start3A_76] : memref<5120x128xf32, #tpu.memory_space<vmem_shared>> -> memref<320x128xf32, #tpu.memory_space<vmem_shared>>
      tpu.enqueue_dma source(%dma_start3A_77 : memref<320x128xf32, #tpu.memory_space<vmem_shared>>) target(%dma_start3A_75 : memref<320x128xf32, #tpu.memory_space<hbm>>) target_semaphore(%run_scoped3A_72 : memref<!tpu.dma_semaphore, #tpu.memory_space<semaphore_mem>>)
      %dma_wait3A = arith.constant 0 : i32
      %dma_wait3A_78 = tpu.memref_slice %arg5[%arg0, %mul3A_16, %dma_wait3A] : memref<2x5120x128xf32, #tpu.memory_space<hbm>> -> memref<1x320x128xf32, #tpu.memory_space<hbm>>
      %dma_wait3A_79 = tpu.memref_squeeze %dma_wait3A_78 : memref<1x320x128xf32, #tpu.memory_space<hbm>> -> memref<320x128xf32, #tpu.memory_space<hbm>>
      %dma_wait3A_80 = arith.constant 0 : i32
      %dma_wait3A_81 = tpu.memref_slice %arg10[%mul3A_16, %dma_wait3A_80] : memref<5120x128xf32, #tpu.memory_space<vmem_shared>> -> memref<320x128xf32, #tpu.memory_space<vmem_shared>>
      tpu.wait_dma2 semaphore(%run_scoped3A_72 : memref<!tpu.dma_semaphore, #tpu.memory_space<semaphore_mem>>) src(%dma_wait3A_81 : memref<320x128xf32, #tpu.memory_space<vmem_shared>>) dst(%dma_wait3A_79 : memref<320x128xf32, #tpu.memory_space<hbm>>)
      tpu.yield
    }) : () -> ()
    return
  }
}

#map = affine_map<(d0, d1) -> (0, 0)>
#map1 = affine_map<(d0, d1) -> (0, 0, 0)>
module attributes {stable_mosaic.version = 14 : i64} {
  func.func @agg(%arg0: i32, %arg1: i32, %arg2: memref<10000x128xf32, #tpu.memory_space<hbm>>, %arg3: memref<16x158x128xi32, #tpu.memory_space<hbm>>, %arg4: memref<16x158x128xi32, #tpu.memory_space<hbm>>, %arg5: memref<2x5120x128xf32, #tpu.memory_space<hbm>>, %arg6: memref<158x128xi32, #tpu.memory_space<vmem>>, %arg7: memref<158x128xi32, #tpu.memory_space<vmem>>, %arg8: memref<2x128x128xf32, #tpu.memory_space<vmem>>, %arg9: memref<5120x128xf32, #tpu.memory_space<vmem_shared>>, %arg10: memref<2x!tpu.dma_semaphore, #tpu.memory_space<semaphore_mem>>, %arg11: memref<!tpu.dma_semaphore, #tpu.memory_space<semaphore_mem>>) attributes {dimension_semantics = [#tpu.dimension_semantics<core_parallel>, #tpu.dimension_semantics<subcore_parallel>], iteration_bounds = array<i64: 2, 16>, scalar_prefetch = 0 : i64, scratch_operands = 6 : i64, tpu.core_type = #tpu.core_type<sc_vector_subcore>, window_params = [{transform_indices = #map}, {transform_indices = #map1}, {transform_indices = #map1}, {transform_indices = #map1}]} {
    %mul3A = arith.constant 5056 : i32
    %mul3A_0 = arith.muli %arg0, %mul3A : i32
    %broadcast_in_dim3A = arith.constant 0.000000e+00 : f32
    %broadcast_in_dim3A_1 = vector.broadcast %broadcast_in_dim3A : f32 to vector<16xf32>
    %scan3A = arith.constant 0 : i32
    %scan3A_2 = arith.constant 0 : i32
    %scan3A_3 = arith.constant 1024 : i32
    %scan3A_4 = arith.addi %scan3A_2, %scan3A_3 : i32
    %scan3A_5 = arith.constant 1 : i32
    %scan3A_6 = scf.for %scan3A_65 = %scan3A_2 to %scan3A_4 step %scan3A_5 iter_args(%scan3A_66 = %scan3A) -> (i32)  : i32 {
      %jit3A = arith.constant 8 : i32
      %div3A = arith.divsi %scan3A_65, %jit3A : i32
      %sign3A = arith.constant 0 : i32
      %sign3A_67 = arith.cmpi sgt, %scan3A_65, %sign3A : i32
      %sign3A_68 = arith.extui %sign3A_67 : i1 to i32
      %sign3A_69 = arith.constant 0 : i32
      %sign3A_70 = arith.cmpi slt, %scan3A_65, %sign3A_69 : i32
      %sign3A_71 = arith.extui %sign3A_70 : i1 to i32
      %sign3A_72 = arith.subi %sign3A_68, %sign3A_71 : i32
      %sign3A_73 = arith.constant 0 : i32
      %sign3A_74 = arith.cmpi sgt, %jit3A, %sign3A_73 : i32
      %sign3A_75 = arith.extui %sign3A_74 : i1 to i32
      %sign3A_76 = arith.constant 0 : i32
      %sign3A_77 = arith.cmpi slt, %jit3A, %sign3A_76 : i32
      %sign3A_78 = arith.extui %sign3A_77 : i1 to i32
      %sign3A_79 = arith.subi %sign3A_75, %sign3A_78 : i32
      %ne3A = arith.cmpi ne, %sign3A_72, %sign3A_79 : i32
      %rem3A = arith.remsi %scan3A_65, %jit3A : i32
      %ne3A_80 = arith.constant 0 : i32
      %ne3A_81 = arith.cmpi ne, %rem3A, %ne3A_80 : i32
      %and3A = arith.andi %ne3A, %ne3A_81 : i1
      %sub3A = arith.constant 1 : i32
      %sub3A_82 = arith.subi %div3A, %sub3A : i32
      %select_n3A = arith.select %and3A, %sub3A_82, %div3A : i32
      %jit3A_83 = arith.constant 8 : i32
      %eq3A = arith.constant 0 : i32
      %eq3A_84 = arith.cmpi eq, %jit3A_83, %eq3A : i32
      %jit3A_85 = arith.constant 1 : i32
      %select_n3A_86 = arith.select %eq3A_84, %jit3A_85, %jit3A_83 : i32
      %rem3A_87 = arith.remsi %scan3A_65, %select_n3A_86 : i32
      %ne3A_88 = arith.constant 0 : i32
      %ne3A_89 = arith.cmpi ne, %rem3A_87, %ne3A_88 : i32
      %lt3A = arith.constant 0 : i32
      %lt3A_90 = arith.cmpi slt, %rem3A_87, %lt3A : i32
      %lt3A_91 = arith.constant 0 : i32
      %lt3A_92 = arith.cmpi slt, %select_n3A_86, %lt3A_91 : i32
      %ne3A_93 = arith.xori %lt3A_90, %lt3A_92 : i1
      %and3A_94 = arith.andi %ne3A_93, %ne3A_89 : i1
      %add3A_95 = arith.addi %rem3A_87, %select_n3A_86 : i32
      %select_n3A_96 = arith.select %and3A_94, %add3A_95, %rem3A_87 : i32
      %mul3A_97 = arith.constant 16 : i32
      %mul3A_98 = arith.muli %select_n3A_96, %mul3A_97 : i32
      %swap3A = arith.constant 0 : i32
      %swap3A_99 = arith.index_cast %swap3A : i32 to index
      %swap3A_100 = arith.index_cast %select_n3A : i32 to index
      %swap3A_101 = arith.index_cast %mul3A_98 : i32 to index
      %swap3A_102 = tpu.vector_load %arg8[%swap3A_99, %swap3A_100, %swap3A_101] {strides = array<i32>} : memref<2x128x128xf32, #tpu.memory_space<vmem>>, vector<16xf32>,
      tpu.vector_store %arg8[%swap3A_99, %swap3A_100, %swap3A_101], %broadcast_in_dim3A_1 {strides = array<i32>} : memref<2x128x128xf32, #tpu.memory_space<vmem>>, vector<16xf32>,
      %scan3A_103 = arith.constant 0 : i32
      scf.yield %scan3A_103 : i32
    }
    %scan3A_7 = arith.constant 1024 : i32
    %mul3A_8 = arith.constant 320 : i32
    %mul3A_9 = arith.muli %arg1, %mul3A_8 : i32
    %add3A = arith.constant 0 : i32
    %add3A_10 = arith.addi %mul3A_9, %add3A : i32
    %run_scoped3A = arith.constant 0 : i32
    "tpu.region"() ({
      %run_scoped3A_65 = tpu.sem_alloc : memref<!tpu.dma_semaphore, #tpu.memory_space<semaphore_mem>>
      %dma_start3A_66 = arith.constant 0 : i32
      %dma_start3A_67 = arith.constant 0 : i32
      %dma_start3A_68 = tpu.memref_slice %arg8[%run_scoped3A, %dma_start3A_66, %dma_start3A_67] : memref<2x128x128xf32, #tpu.memory_space<vmem>> -> memref<1x128x128xf32, #tpu.memory_space<vmem>>
      %dma_start3A_69 = tpu.memref_squeeze %dma_start3A_68 : memref<1x128x128xf32, #tpu.memory_space<vmem>> -> memref<128x128xf32, #tpu.memory_space<vmem>>
      %dma_start3A_70 = arith.constant 0 : i32
      %dma_start3A_71 = tpu.memref_slice %arg9[%add3A_10, %dma_start3A_70] : memref<5120x128xf32, #tpu.memory_space<vmem_shared>> -> memref<128x128xf32, #tpu.memory_space<vmem_shared>>
      %dma_start3A_72 = arith.constant 0 : i32
      %dma_start3A_73 = tpu.memref_slice %arg9[%add3A_10, %dma_start3A_72] : memref<5120x128xf32, #tpu.memory_space<vmem_shared>> -> memref<128x128xf32, #tpu.memory_space<vmem_shared>>
      %dma_start3A_74 = arith.constant 0 : i32
      %dma_start3A_75 = arith.constant 0 : i32
      %dma_start3A_76 = tpu.memref_slice %arg8[%run_scoped3A, %dma_start3A_74, %dma_start3A_75] : memref<2x128x128xf32, #tpu.memory_space<vmem>> -> memref<1x128x128xf32, #tpu.memory_space<vmem>>
      %dma_start3A_77 = tpu.memref_squeeze %dma_start3A_76 : memref<1x128x128xf32, #tpu.memory_space<vmem>> -> memref<128x128xf32, #tpu.memory_space<vmem>>
      tpu.enqueue_dma source(%dma_start3A_77 : memref<128x128xf32, #tpu.memory_space<vmem>>) target(%dma_start3A_73 : memref<128x128xf32, #tpu.memory_space<vmem_shared>>) target_semaphore(%run_scoped3A_65 : memref<!tpu.dma_semaphore, #tpu.memory_space<semaphore_mem>>)
      %dma_wait3A = arith.constant 0 : i32
      %dma_wait3A_78 = arith.constant 0 : i32
      %dma_wait3A_79 = tpu.memref_slice %arg8[%run_scoped3A, %dma_wait3A, %dma_wait3A_78] : memref<2x128x128xf32, #tpu.memory_space<vmem>> -> memref<1x128x128xf32, #tpu.memory_space<vmem>>
      %dma_wait3A_80 = tpu.memref_squeeze %dma_wait3A_79 : memref<1x128x128xf32, #tpu.memory_space<vmem>> -> memref<128x128xf32, #tpu.memory_space<vmem>>
      %dma_wait3A_81 = arith.constant 0 : i32
      %dma_wait3A_82 = tpu.memref_slice %arg9[%add3A_10, %dma_wait3A_81] : memref<5120x128xf32, #tpu.memory_space<vmem_shared>> -> memref<128x128xf32, #tpu.memory_space<vmem_shared>>
      %dma_wait3A_83 = arith.constant 0 : i32
      %dma_wait3A_84 = tpu.memref_slice %arg9[%add3A_10, %dma_wait3A_83] : memref<5120x128xf32, #tpu.memory_space<vmem_shared>> -> memref<128x128xf32, #tpu.memory_space<vmem_shared>>
      %dma_wait3A_85 = arith.constant 0 : i32
      %dma_wait3A_86 = arith.constant 0 : i32
      %dma_wait3A_87 = tpu.memref_slice %arg8[%run_scoped3A, %dma_wait3A_85, %dma_wait3A_86] : memref<2x128x128xf32, #tpu.memory_space<vmem>> -> memref<1x128x128xf32, #tpu.memory_space<vmem>>
      %dma_wait3A_88 = tpu.memref_squeeze %dma_wait3A_87 : memref<1x128x128xf32, #tpu.memory_space<vmem>> -> memref<128x128xf32, #tpu.memory_space<vmem>>
      tpu.wait_dma2 semaphore(%run_scoped3A_65 : memref<!tpu.dma_semaphore, #tpu.memory_space<semaphore_mem>>) src(%dma_wait3A_88 : memref<128x128xf32, #tpu.memory_space<vmem>>) dst(%dma_wait3A_84 : memref<128x128xf32, #tpu.memory_space<vmem_shared>>)
      tpu.yield
    }) : () -> ()
    %add3A_11 = arith.constant 128 : i32
    %add3A_12 = arith.addi %mul3A_9, %add3A_11 : i32
    %run_scoped3A_13 = arith.constant 0 : i32
    "tpu.region"() ({
      %run_scoped3A_65 = tpu.sem_alloc : memref<!tpu.dma_semaphore, #tpu.memory_space<semaphore_mem>>
      %dma_start3A_66 = arith.constant 0 : i32
      %dma_start3A_67 = arith.constant 0 : i32
      %dma_start3A_68 = tpu.memref_slice %arg8[%run_scoped3A_13, %dma_start3A_66, %dma_start3A_67] : memref<2x128x128xf32, #tpu.memory_space<vmem>> -> memref<1x128x128xf32, #tpu.memory_space<vmem>>
      %dma_start3A_69 = tpu.memref_squeeze %dma_start3A_68 : memref<1x128x128xf32, #tpu.memory_space<vmem>> -> memref<128x128xf32, #tpu.memory_space<vmem>>
      %dma_start3A_70 = arith.constant 0 : i32
      %dma_start3A_71 = tpu.memref_slice %arg9[%add3A_12, %dma_start3A_70] : memref<5120x128xf32, #tpu.memory_space<vmem_shared>> -> memref<128x128xf32, #tpu.memory_space<vmem_shared>>
      %dma_start3A_72 = arith.constant 0 : i32
      %dma_start3A_73 = tpu.memref_slice %arg9[%add3A_12, %dma_start3A_72] : memref<5120x128xf32, #tpu.memory_space<vmem_shared>> -> memref<128x128xf32, #tpu.memory_space<vmem_shared>>
      %dma_start3A_74 = arith.constant 0 : i32
      %dma_start3A_75 = arith.constant 0 : i32
      %dma_start3A_76 = tpu.memref_slice %arg8[%run_scoped3A_13, %dma_start3A_74, %dma_start3A_75] : memref<2x128x128xf32, #tpu.memory_space<vmem>> -> memref<1x128x128xf32, #tpu.memory_space<vmem>>
      %dma_start3A_77 = tpu.memref_squeeze %dma_start3A_76 : memref<1x128x128xf32, #tpu.memory_space<vmem>> -> memref<128x128xf32, #tpu.memory_space<vmem>>
      tpu.enqueue_dma source(%dma_start3A_77 : memref<128x128xf32, #tpu.memory_space<vmem>>) target(%dma_start3A_73 : memref<128x128xf32, #tpu.memory_space<vmem_shared>>) target_semaphore(%run_scoped3A_65 : memref<!tpu.dma_semaphore, #tpu.memory_space<semaphore_mem>>)
      %dma_wait3A = arith.constant 0 : i32
      %dma_wait3A_78 = arith.constant 0 : i32
      %dma_wait3A_79 = tpu.memref_slice %arg8[%run_scoped3A_13, %dma_wait3A, %dma_wait3A_78] : memref<2x128x128xf32, #tpu.memory_space<vmem>> -> memref<1x128x128xf32, #tpu.memory_space<vmem>>
      %dma_wait3A_80 = tpu.memref_squeeze %dma_wait3A_79 : memref<1x128x128xf32, #tpu.memory_space<vmem>> -> memref<128x128xf32, #tpu.memory_space<vmem>>
      %dma_wait3A_81 = arith.constant 0 : i32
      %dma_wait3A_82 = tpu.memref_slice %arg9[%add3A_12, %dma_wait3A_81] : memref<5120x128xf32, #tpu.memory_space<vmem_shared>> -> memref<128x128xf32, #tpu.memory_space<vmem_shared>>
      %dma_wait3A_83 = arith.constant 0 : i32
      %dma_wait3A_84 = tpu.memref_slice %arg9[%add3A_12, %dma_wait3A_83] : memref<5120x128xf32, #tpu.memory_space<vmem_shared>> -> memref<128x128xf32, #tpu.memory_space<vmem_shared>>
      %dma_wait3A_85 = arith.constant 0 : i32
      %dma_wait3A_86 = arith.constant 0 : i32
      %dma_wait3A_87 = tpu.memref_slice %arg8[%run_scoped3A_13, %dma_wait3A_85, %dma_wait3A_86] : memref<2x128x128xf32, #tpu.memory_space<vmem>> -> memref<1x128x128xf32, #tpu.memory_space<vmem>>
      %dma_wait3A_88 = tpu.memref_squeeze %dma_wait3A_87 : memref<1x128x128xf32, #tpu.memory_space<vmem>> -> memref<128x128xf32, #tpu.memory_space<vmem>>
      tpu.wait_dma2 semaphore(%run_scoped3A_65 : memref<!tpu.dma_semaphore, #tpu.memory_space<semaphore_mem>>) src(%dma_wait3A_88 : memref<128x128xf32, #tpu.memory_space<vmem>>) dst(%dma_wait3A_84 : memref<128x128xf32, #tpu.memory_space<vmem_shared>>)
      tpu.yield
    }) : () -> ()
    %add3A_14 = arith.constant 256 : i32
    %add3A_15 = arith.addi %mul3A_9, %add3A_14 : i32
    %run_scoped3A_16 = arith.constant 0 : i32
    "tpu.region"() ({
      %run_scoped3A_65 = tpu.sem_alloc : memref<!tpu.dma_semaphore, #tpu.memory_space<semaphore_mem>>
      %dma_start3A_66 = arith.constant 0 : i32
      %dma_start3A_67 = arith.constant 0 : i32
      %dma_start3A_68 = tpu.memref_slice %arg8[%run_scoped3A_16, %dma_start3A_66, %dma_start3A_67] : memref<2x128x128xf32, #tpu.memory_space<vmem>> -> memref<1x64x128xf32, #tpu.memory_space<vmem>>
      %dma_start3A_69 = tpu.memref_squeeze %dma_start3A_68 : memref<1x64x128xf32, #tpu.memory_space<vmem>> -> memref<64x128xf32, #tpu.memory_space<vmem>>
      %dma_start3A_70 = arith.constant 0 : i32
      %dma_start3A_71 = tpu.memref_slice %arg9[%add3A_15, %dma_start3A_70] : memref<5120x128xf32, #tpu.memory_space<vmem_shared>> -> memref<64x128xf32, #tpu.memory_space<vmem_shared>>
      %dma_start3A_72 = arith.constant 0 : i32
      %dma_start3A_73 = tpu.memref_slice %arg9[%add3A_15, %dma_start3A_72] : memref<5120x128xf32, #tpu.memory_space<vmem_shared>> -> memref<64x128xf32, #tpu.memory_space<vmem_shared>>
      %dma_start3A_74 = arith.constant 0 : i32
      %dma_start3A_75 = arith.constant 0 : i32
      %dma_start3A_76 = tpu.memref_slice %arg8[%run_scoped3A_16, %dma_start3A_74, %dma_start3A_75] : memref<2x128x128xf32, #tpu.memory_space<vmem>> -> memref<1x64x128xf32, #tpu.memory_space<vmem>>
      %dma_start3A_77 = tpu.memref_squeeze %dma_start3A_76 : memref<1x64x128xf32, #tpu.memory_space<vmem>> -> memref<64x128xf32, #tpu.memory_space<vmem>>
      tpu.enqueue_dma source(%dma_start3A_77 : memref<64x128xf32, #tpu.memory_space<vmem>>) target(%dma_start3A_73 : memref<64x128xf32, #tpu.memory_space<vmem_shared>>) target_semaphore(%run_scoped3A_65 : memref<!tpu.dma_semaphore, #tpu.memory_space<semaphore_mem>>)
      %dma_wait3A = arith.constant 0 : i32
      %dma_wait3A_78 = arith.constant 0 : i32
      %dma_wait3A_79 = tpu.memref_slice %arg8[%run_scoped3A_16, %dma_wait3A, %dma_wait3A_78] : memref<2x128x128xf32, #tpu.memory_space<vmem>> -> memref<1x64x128xf32, #tpu.memory_space<vmem>>
      %dma_wait3A_80 = tpu.memref_squeeze %dma_wait3A_79 : memref<1x64x128xf32, #tpu.memory_space<vmem>> -> memref<64x128xf32, #tpu.memory_space<vmem>>
      %dma_wait3A_81 = arith.constant 0 : i32
      %dma_wait3A_82 = tpu.memref_slice %arg9[%add3A_15, %dma_wait3A_81] : memref<5120x128xf32, #tpu.memory_space<vmem_shared>> -> memref<64x128xf32, #tpu.memory_space<vmem_shared>>
      %dma_wait3A_83 = arith.constant 0 : i32
      %dma_wait3A_84 = tpu.memref_slice %arg9[%add3A_15, %dma_wait3A_83] : memref<5120x128xf32, #tpu.memory_space<vmem_shared>> -> memref<64x128xf32, #tpu.memory_space<vmem_shared>>
      %dma_wait3A_85 = arith.constant 0 : i32
      %dma_wait3A_86 = arith.constant 0 : i32
      %dma_wait3A_87 = tpu.memref_slice %arg8[%run_scoped3A_16, %dma_wait3A_85, %dma_wait3A_86] : memref<2x128x128xf32, #tpu.memory_space<vmem>> -> memref<1x64x128xf32, #tpu.memory_space<vmem>>
      %dma_wait3A_88 = tpu.memref_squeeze %dma_wait3A_87 : memref<1x64x128xf32, #tpu.memory_space<vmem>> -> memref<64x128xf32, #tpu.memory_space<vmem>>
      tpu.wait_dma2 semaphore(%run_scoped3A_65 : memref<!tpu.dma_semaphore, #tpu.memory_space<semaphore_mem>>) src(%dma_wait3A_88 : memref<64x128xf32, #tpu.memory_space<vmem>>) dst(%dma_wait3A_84 : memref<64x128xf32, #tpu.memory_space<vmem_shared>>)
      tpu.yield
    }) : () -> ()
    "tpu.region"() ({
      %run_scoped3A_65 = tpu.sem_alloc : memref<!tpu.dma_semaphore, #tpu.memory_space<semaphore_mem>>
      %dma_start3A_66 = arith.constant 0 : i32
      %dma_start3A_67 = arith.constant 0 : i32
      %dma_start3A_68 = tpu.memref_slice %arg3[%arg1, %dma_start3A_66, %dma_start3A_67] : memref<16x158x128xi32, #tpu.memory_space<hbm>> -> memref<1x158x128xi32, #tpu.memory_space<hbm>>
      %dma_start3A_69 = tpu.memref_squeeze %dma_start3A_68 : memref<1x158x128xi32, #tpu.memory_space<hbm>> -> memref<158x128xi32, #tpu.memory_space<hbm>>
      %dma_start3A_70 = arith.constant 0 : i32
      %dma_start3A_71 = arith.constant 0 : i32
      %dma_start3A_72 = tpu.memref_slice %arg3[%arg1, %dma_start3A_70, %dma_start3A_71] : memref<16x158x128xi32, #tpu.memory_space<hbm>> -> memref<1x158x128xi32, #tpu.memory_space<hbm>>
      %dma_start3A_73 = tpu.memref_squeeze %dma_start3A_72 : memref<1x158x128xi32, #tpu.memory_space<hbm>> -> memref<158x128xi32, #tpu.memory_space<hbm>>
      tpu.enqueue_dma source(%dma_start3A_73 : memref<158x128xi32, #tpu.memory_space<hbm>>) target(%arg6 : memref<158x128xi32, #tpu.memory_space<vmem>>) target_semaphore(%run_scoped3A_65 : memref<!tpu.dma_semaphore, #tpu.memory_space<semaphore_mem>>)
      %dma_wait3A = arith.constant 0 : i32
      %dma_wait3A_74 = arith.constant 0 : i32
      %dma_wait3A_75 = tpu.memref_slice %arg3[%arg1, %dma_wait3A, %dma_wait3A_74] : memref<16x158x128xi32, #tpu.memory_space<hbm>> -> memref<1x158x128xi32, #tpu.memory_space<hbm>>
      %dma_wait3A_76 = tpu.memref_squeeze %dma_wait3A_75 : memref<1x158x128xi32, #tpu.memory_space<hbm>> -> memref<158x128xi32, #tpu.memory_space<hbm>>
      %dma_wait3A_77 = arith.constant 0 : i32
      %dma_wait3A_78 = arith.constant 0 : i32
      %dma_wait3A_79 = tpu.memref_slice %arg3[%arg1, %dma_wait3A_77, %dma_wait3A_78] : memref<16x158x128xi32, #tpu.memory_space<hbm>> -> memref<1x158x128xi32, #tpu.memory_space<hbm>>
      %dma_wait3A_80 = tpu.memref_squeeze %dma_wait3A_79 : memref<1x158x128xi32, #tpu.memory_space<hbm>> -> memref<158x128xi32, #tpu.memory_space<hbm>>
      tpu.wait_dma2 semaphore(%run_scoped3A_65 : memref<!tpu.dma_semaphore, #tpu.memory_space<semaphore_mem>>) src(%dma_wait3A_80 : memref<158x128xi32, #tpu.memory_space<hbm>>) dst(%arg6 : memref<158x128xi32, #tpu.memory_space<vmem>>)
      tpu.yield
    }) : () -> ()
    "tpu.region"() ({
      %run_scoped3A_65 = tpu.sem_alloc : memref<!tpu.dma_semaphore, #tpu.memory_space<semaphore_mem>>
      %dma_start3A_66 = arith.constant 0 : i32
      %dma_start3A_67 = arith.constant 0 : i32
      %dma_start3A_68 = tpu.memref_slice %arg4[%arg1, %dma_start3A_66, %dma_start3A_67] : memref<16x158x128xi32, #tpu.memory_space<hbm>> -> memref<1x158x128xi32, #tpu.memory_space<hbm>>
      %dma_start3A_69 = tpu.memref_squeeze %dma_start3A_68 : memref<1x158x128xi32, #tpu.memory_space<hbm>> -> memref<158x128xi32, #tpu.memory_space<hbm>>
      %dma_start3A_70 = arith.constant 0 : i32
      %dma_start3A_71 = arith.constant 0 : i32
      %dma_start3A_72 = tpu.memref_slice %arg4[%arg1, %dma_start3A_70, %dma_start3A_71] : memref<16x158x128xi32, #tpu.memory_space<hbm>> -> memref<1x158x128xi32, #tpu.memory_space<hbm>>
      %dma_start3A_73 = tpu.memref_squeeze %dma_start3A_72 : memref<1x158x128xi32, #tpu.memory_space<hbm>> -> memref<158x128xi32, #tpu.memory_space<hbm>>
      tpu.enqueue_dma source(%dma_start3A_73 : memref<158x128xi32, #tpu.memory_space<hbm>>) target(%arg7 : memref<158x128xi32, #tpu.memory_space<vmem>>) target_semaphore(%run_scoped3A_65 : memref<!tpu.dma_semaphore, #tpu.memory_space<semaphore_mem>>)
      %dma_wait3A = arith.constant 0 : i32
      %dma_wait3A_74 = arith.constant 0 : i32
      %dma_wait3A_75 = tpu.memref_slice %arg4[%arg1, %dma_wait3A, %dma_wait3A_74] : memref<16x158x128xi32, #tpu.memory_space<hbm>> -> memref<1x158x128xi32, #tpu.memory_space<hbm>>
      %dma_wait3A_76 = tpu.memref_squeeze %dma_wait3A_75 : memref<1x158x128xi32, #tpu.memory_space<hbm>> -> memref<158x128xi32, #tpu.memory_space<hbm>>
      %dma_wait3A_77 = arith.constant 0 : i32
      %dma_wait3A_78 = arith.constant 0 : i32
      %dma_wait3A_79 = tpu.memref_slice %arg4[%arg1, %dma_wait3A_77, %dma_wait3A_78] : memref<16x158x128xi32, #tpu.memory_space<hbm>> -> memref<1x158x128xi32, #tpu.memory_space<hbm>>
      %dma_wait3A_80 = tpu.memref_squeeze %dma_wait3A_79 : memref<1x158x128xi32, #tpu.memory_space<hbm>> -> memref<158x128xi32, #tpu.memory_space<hbm>>
      tpu.wait_dma2 semaphore(%run_scoped3A_65 : memref<!tpu.dma_semaphore, #tpu.memory_space<semaphore_mem>>) src(%dma_wait3A_80 : memref<158x128xi32, #tpu.memory_space<hbm>>) dst(%arg7 : memref<158x128xi32, #tpu.memory_space<vmem>>)
      tpu.yield
    }) : () -> ()
    %broadcast_in_dim3A_17 = arith.constant 5056 : i32
    %broadcast_in_dim3A_18 = vector.broadcast %broadcast_in_dim3A_17 : i32 to vector<16xi32>
    %scan3A_19 = arith.constant 0 : i32
    %scan3A_20 = arith.constant 0 : i32
    %scan3A_21 = arith.constant 1264 : i32
    %scan3A_22 = arith.addi %scan3A_20, %scan3A_21 : i32
    %scan3A_23 = arith.constant 1 : i32
    %scan3A_24 = scf.for %scan3A_65 = %scan3A_20 to %scan3A_22 step %scan3A_23 iter_args(%scan3A_66 = %scan3A_19) -> (i32)  : i32 {
      %jit3A = arith.constant 8 : i32
      %div3A = arith.divsi %scan3A_65, %jit3A : i32
      %sign3A = arith.constant 0 : i32
      %sign3A_67 = arith.cmpi sgt, %scan3A_65, %sign3A : i32
      %sign3A_68 = arith.extui %sign3A_67 : i1 to i32
      %sign3A_69 = arith.constant 0 : i32
      %sign3A_70 = arith.cmpi slt, %scan3A_65, %sign3A_69 : i32
      %sign3A_71 = arith.extui %sign3A_70 : i1 to i32
      %sign3A_72 = arith.subi %sign3A_68, %sign3A_71 : i32
      %sign3A_73 = arith.constant 0 : i32
      %sign3A_74 = arith.cmpi sgt, %jit3A, %sign3A_73 : i32
      %sign3A_75 = arith.extui %sign3A_74 : i1 to i32
      %sign3A_76 = arith.constant 0 : i32
      %sign3A_77 = arith.cmpi slt, %jit3A, %sign3A_76 : i32
      %sign3A_78 = arith.extui %sign3A_77 : i1 to i32
      %sign3A_79 = arith.subi %sign3A_75, %sign3A_78 : i32
      %ne3A = arith.cmpi ne, %sign3A_72, %sign3A_79 : i32
      %rem3A = arith.remsi %scan3A_65, %jit3A : i32
      %ne3A_80 = arith.constant 0 : i32
      %ne3A_81 = arith.cmpi ne, %rem3A, %ne3A_80 : i32
      %and3A = arith.andi %ne3A, %ne3A_81 : i1
      %sub3A = arith.constant 1 : i32
      %sub3A_82 = arith.subi %div3A, %sub3A : i32
      %select_n3A = arith.select %and3A, %sub3A_82, %div3A : i32
      %jit3A_83 = arith.constant 8 : i32
      %eq3A = arith.constant 0 : i32
      %eq3A_84 = arith.cmpi eq, %jit3A_83, %eq3A : i32
      %jit3A_85 = arith.constant 1 : i32
      %select_n3A_86 = arith.select %eq3A_84, %jit3A_85, %jit3A_83 : i32
      %rem3A_87 = arith.remsi %scan3A_65, %select_n3A_86 : i32
      %ne3A_88 = arith.constant 0 : i32
      %ne3A_89 = arith.cmpi ne, %rem3A_87, %ne3A_88 : i32
      %lt3A = arith.constant 0 : i32
      %lt3A_90 = arith.cmpi slt, %rem3A_87, %lt3A : i32
      %lt3A_91 = arith.constant 0 : i32
      %lt3A_92 = arith.cmpi slt, %select_n3A_86, %lt3A_91 : i32
      %ne3A_93 = arith.xori %lt3A_90, %lt3A_92 : i1
      %and3A_94 = arith.andi %ne3A_93, %ne3A_89 : i1
      %add3A_95 = arith.addi %rem3A_87, %select_n3A_86 : i32
      %select_n3A_96 = arith.select %and3A_94, %add3A_95, %rem3A_87 : i32
      %mul3A_97 = arith.constant 16 : i32
      %mul3A_98 = arith.muli %select_n3A_96, %mul3A_97 : i32
      %get3A = arith.index_cast %select_n3A : i32 to index
      %get3A_99 = arith.index_cast %mul3A_98 : i32 to index
      %get3A_100 = tpu.vector_load %arg7[%get3A, %get3A_99] {strides = array<i32>} : memref<158x128xi32, #tpu.memory_space<vmem>>, vector<16xi32>,
      %sub3A_101 = vector.broadcast %mul3A_0 : i32 to vector<16xi32>
      %sub3A_102 = arith.subi %get3A_100, %sub3A_101 : vector<16xi32>
      %lt3A_103 = arith.constant 0 : i32
      %lt3A_104 = vector.broadcast %lt3A_103 : i32 to vector<16xi32>
      %lt3A_105 = arith.cmpi slt, %sub3A_102, %lt3A_104 : vector<16xi32>
      %ge3A = arith.constant 5056 : i32
      %ge3A_106 = vector.broadcast %ge3A : i32 to vector<16xi32>
      %ge3A_107 = arith.cmpi sge, %sub3A_102, %ge3A_106 : vector<16xi32>
      %or3A = arith.ori %lt3A_105, %ge3A_107 : vector<16xi1>
      %select_n3A_108 = arith.select %or3A, %broadcast_in_dim3A_18, %sub3A_102 : vector<16xi1>, vector<16xi32>
      %swap3A = arith.index_cast %select_n3A : i32 to index
      %swap3A_109 = arith.index_cast %mul3A_98 : i32 to index
      %swap3A_110 = tpu.vector_load %arg7[%swap3A, %swap3A_109] {strides = array<i32>} : memref<158x128xi32, #tpu.memory_space<vmem>>, vector<16xi32>,
      tpu.vector_store %arg7[%swap3A, %swap3A_109], %select_n3A_108 {strides = array<i32>} : memref<158x128xi32, #tpu.memory_space<vmem>>, vector<16xi32>,
      %scan3A_111 = arith.constant 0 : i32
      scf.yield %scan3A_111 : i32
    }
    %scan3A_25 = arith.constant 1264 : i32
    %barrier3A = arith.constant 0 : index
    tpu.barrier barrier_id(%barrier3A)
    %dma_start3A = arith.constant 0 : i32
    %dma_start3A_26 = arith.constant 0 : i32
    %dma_start3A_27 = arith.constant 0 : i32
    %dma_start3A_28 = arith.constant 0 : i32
    %dma_start3A_29 = arith.constant 0 : i32
    %dma_start3A_30 = tpu.memref_slice %arg8[%dma_start3A_26, %dma_start3A_28, %dma_start3A_29] : memref<2x128x128xf32, #tpu.memory_space<vmem>> -> memref<1x128x128xf32, #tpu.memory_space<vmem>>
    %dma_start3A_31 = tpu.memref_squeeze %dma_start3A_30 : memref<1x128x128xf32, #tpu.memory_space<vmem>> -> memref<128x128xf32, #tpu.memory_space<vmem>>
    %dma_start3A_32 = arith.constant 0 : i32
    %dma_start3A_33 = tpu.memref_slice %arg6[%dma_start3A, %dma_start3A_32] : memref<158x128xi32, #tpu.memory_space<vmem>> -> memref<1x128xi32, #tpu.memory_space<vmem>>
    %dma_start3A_34 = tpu.memref_squeeze %dma_start3A_33 : memref<1x128xi32, #tpu.memory_space<vmem>> -> memref<128xi32, #tpu.memory_space<vmem>>
    %dma_start3A_35 = arith.constant 0 : i32
    %dma_start3A_36 = arith.constant 0 : i32
    %dma_start3A_37 = tpu.memref_slice %arg2[%dma_start3A_35, %dma_start3A_36] : memref<10000x128xf32, #tpu.memory_space<hbm>> -> memref<10000x128xf32, #tpu.memory_space<hbm>>
    %dma_start3A_38 = tpu.memref_slice %arg10[%dma_start3A_27] : memref<2x!tpu.dma_semaphore, #tpu.memory_space<semaphore_mem>> -> memref<1x!tpu.dma_semaphore, #tpu.memory_space<semaphore_mem>>
    %dma_start3A_39 = tpu.memref_squeeze %dma_start3A_38 : memref<1x!tpu.dma_semaphore, #tpu.memory_space<semaphore_mem>> -> memref<!tpu.dma_semaphore, #tpu.memory_space<semaphore_mem>>
    tpu.enqueue_indirect_dma source(%dma_start3A_37 : memref<10000x128xf32, #tpu.memory_space<hbm>>) target(%dma_start3A_31 : memref<128x128xf32, #tpu.memory_space<vmem>>) offsets(%dma_start3A_34 : memref<128xi32, #tpu.memory_space<vmem>>) semaphore(%dma_start3A_39 : memref<!tpu.dma_semaphore, #tpu.memory_space<semaphore_mem>>)
    %dma_start3A_40 = arith.constant 1 : i32
    %dma_start3A_41 = arith.constant 1 : i32
    %dma_start3A_42 = arith.constant 1 : i32
    %dma_start3A_43 = arith.constant 0 : i32
    %dma_start3A_44 = arith.constant 0 : i32
    %dma_start3A_45 = tpu.memref_slice %arg8[%dma_start3A_41, %dma_start3A_43, %dma_start3A_44] : memref<2x128x128xf32, #tpu.memory_space<vmem>> -> memref<1x128x128xf32, #tpu.memory_space<vmem>>
    %dma_start3A_46 = tpu.memref_squeeze %dma_start3A_45 : memref<1x128x128xf32, #tpu.memory_space<vmem>> -> memref<128x128xf32, #tpu.memory_space<vmem>>
    %dma_start3A_47 = arith.constant 0 : i32
    %dma_start3A_48 = tpu.memref_slice %arg6[%dma_start3A_40, %dma_start3A_47] : memref<158x128xi32, #tpu.memory_space<vmem>> -> memref<1x128xi32, #tpu.memory_space<vmem>>
    %dma_start3A_49 = tpu.memref_squeeze %dma_start3A_48 : memref<1x128xi32, #tpu.memory_space<vmem>> -> memref<128xi32, #tpu.memory_space<vmem>>
    %dma_start3A_50 = arith.constant 0 : i32
    %dma_start3A_51 = arith.constant 0 : i32
    %dma_start3A_52 = tpu.memref_slice %arg2[%dma_start3A_50, %dma_start3A_51] : memref<10000x128xf32, #tpu.memory_space<hbm>> -> memref<10000x128xf32, #tpu.memory_space<hbm>>
    %dma_start3A_53 = tpu.memref_slice %arg10[%dma_start3A_42] : memref<2x!tpu.dma_semaphore, #tpu.memory_space<semaphore_mem>> -> memref<1x!tpu.dma_semaphore, #tpu.memory_space<semaphore_mem>>
    %dma_start3A_54 = tpu.memref_squeeze %dma_start3A_53 : memref<1x!tpu.dma_semaphore, #tpu.memory_space<semaphore_mem>> -> memref<!tpu.dma_semaphore, #tpu.memory_space<semaphore_mem>>
    tpu.enqueue_indirect_dma source(%dma_start3A_52 : memref<10000x128xf32, #tpu.memory_space<hbm>>) target(%dma_start3A_46 : memref<128x128xf32, #tpu.memory_space<vmem>>) offsets(%dma_start3A_49 : memref<128xi32, #tpu.memory_space<vmem>>) semaphore(%dma_start3A_54 : memref<!tpu.dma_semaphore, #tpu.memory_space<semaphore_mem>>)
    %broadcast_in_dim3A_55 = arith.constant 1.000000e+00 : f32
    %broadcast_in_dim3A_56 = vector.broadcast %broadcast_in_dim3A_55 : f32 to vector<16xf32>
    %scan3A_57 = arith.constant 0 : i32
    %scan3A_58 = arith.constant 0 : i32
    %scan3A_59 = arith.constant 158 : i32
    %scan3A_60 = arith.addi %scan3A_58, %scan3A_59 : i32
    %scan3A_61 = arith.constant 1 : i32
    %scan3A_62 = scf.for %scan3A_65 = %scan3A_58 to %scan3A_60 step %scan3A_61 iter_args(%scan3A_66 = %scan3A_57) -> (i32)  : i32 {
      %rem3A = arith.constant 2 : i32
      %rem3A_67 = arith.remsi %scan3A_65, %rem3A : i32
      %dma_wait3A = arith.constant 0 : i32
      %dma_wait3A_68 = arith.constant 0 : i32
      %dma_wait3A_69 = tpu.memref_slice %arg8[%rem3A_67, %dma_wait3A, %dma_wait3A_68] : memref<2x128x128xf32, #tpu.memory_space<vmem>> -> memref<1x128x128xf32, #tpu.memory_space<vmem>>
      %dma_wait3A_70 = tpu.memref_squeeze %dma_wait3A_69 : memref<1x128x128xf32, #tpu.memory_space<vmem>> -> memref<128x128xf32, #tpu.memory_space<vmem>>
      %dma_wait3A_71 = arith.constant 0 : i32
      %dma_wait3A_72 = tpu.memref_slice %arg6[%scan3A_65, %dma_wait3A_71] : memref<158x128xi32, #tpu.memory_space<vmem>> -> memref<1x128xi32, #tpu.memory_space<vmem>>
      %dma_wait3A_73 = tpu.memref_squeeze %dma_wait3A_72 : memref<1x128xi32, #tpu.memory_space<vmem>> -> memref<128xi32, #tpu.memory_space<vmem>>
      %dma_wait3A_74 = arith.constant 0 : i32
      %dma_wait3A_75 = arith.constant 0 : i32
      %dma_wait3A_76 = tpu.memref_slice %arg2[%dma_wait3A_74, %dma_wait3A_75] : memref<10000x128xf32, #tpu.memory_space<hbm>> -> memref<10000x128xf32, #tpu.memory_space<hbm>>
      %dma_wait3A_77 = tpu.memref_slice %arg10[%rem3A_67] : memref<2x!tpu.dma_semaphore, #tpu.memory_space<semaphore_mem>> -> memref<1x!tpu.dma_semaphore, #tpu.memory_space<semaphore_mem>>
      %dma_wait3A_78 = tpu.memref_squeeze %dma_wait3A_77 : memref<1x!tpu.dma_semaphore, #tpu.memory_space<semaphore_mem>> -> memref<!tpu.dma_semaphore, #tpu.memory_space<semaphore_mem>>
      tpu.wait_indirect_dma semaphore(%dma_wait3A_78 : memref<!tpu.dma_semaphore, #tpu.memory_space<semaphore_mem>>) src(%dma_wait3A_76 : memref<10000x128xf32, #tpu.memory_space<hbm>>) dst(%dma_wait3A_70 : memref<128x128xf32, #tpu.memory_space<vmem>>)
      %dma_start3A_79 = arith.constant 0 : i32
      %dma_start3A_80 = arith.constant 0 : i32
      %dma_start3A_81 = tpu.memref_slice %arg8[%rem3A_67, %dma_start3A_79, %dma_start3A_80] : memref<2x128x128xf32, #tpu.memory_space<vmem>> -> memref<1x128x128xf32, #tpu.memory_space<vmem>>
      %dma_start3A_82 = tpu.memref_squeeze %dma_start3A_81 : memref<1x128x128xf32, #tpu.memory_space<vmem>> -> memref<128x128xf32, #tpu.memory_space<vmem>>
      %dma_start3A_83 = arith.constant 0 : i32
      %dma_start3A_84 = tpu.memref_slice %arg7[%scan3A_65, %dma_start3A_83] : memref<158x128xi32, #tpu.memory_space<vmem>> -> memref<1x128xi32, #tpu.memory_space<vmem>>
      %dma_start3A_85 = tpu.memref_squeeze %dma_start3A_84 : memref<1x128xi32, #tpu.memory_space<vmem>> -> memref<128xi32, #tpu.memory_space<vmem>>
      %dma_start3A_86 = arith.constant 0 : i32
      %dma_start3A_87 = arith.constant 0 : i32
      %dma_start3A_88 = tpu.memref_slice %arg9[%dma_start3A_86, %dma_start3A_87] : memref<5120x128xf32, #tpu.memory_space<vmem_shared>> -> memref<5120x128xf32, #tpu.memory_space<vmem_shared>>
      tpu.enqueue_indirect_dma source(%dma_start3A_82 : memref<128x128xf32, #tpu.memory_space<vmem>>) target(%dma_start3A_88 : memref<5120x128xf32, #tpu.memory_space<vmem_shared>>) offsets(%dma_start3A_85 : memref<128xi32, #tpu.memory_space<vmem>>) semaphore(%arg11 : memref<!tpu.dma_semaphore, #tpu.memory_space<semaphore_mem>>) {add = true}
      %dma_wait3A_89 = arith.constant 0 : i32
      %dma_wait3A_90 = arith.constant 0 : i32
      %dma_wait3A_91 = tpu.memref_slice %arg8[%rem3A_67, %dma_wait3A_89, %dma_wait3A_90] : memref<2x128x128xf32, #tpu.memory_space<vmem>> -> memref<1x128x128xf32, #tpu.memory_space<vmem>>
      %dma_wait3A_92 = tpu.memref_squeeze %dma_wait3A_91 : memref<1x128x128xf32, #tpu.memory_space<vmem>> -> memref<128x128xf32, #tpu.memory_space<vmem>>
      %dma_wait3A_93 = arith.constant 0 : i32
      %dma_wait3A_94 = tpu.memref_slice %arg7[%scan3A_65, %dma_wait3A_93] : memref<158x128xi32, #tpu.memory_space<vmem>> -> memref<1x128xi32, #tpu.memory_space<vmem>>
      %dma_wait3A_95 = tpu.memref_squeeze %dma_wait3A_94 : memref<1x128xi32, #tpu.memory_space<vmem>> -> memref<128xi32, #tpu.memory_space<vmem>>
      %dma_wait3A_96 = arith.constant 0 : i32
      %dma_wait3A_97 = arith.constant 0 : i32
      %dma_wait3A_98 = tpu.memref_slice %arg9[%dma_wait3A_96, %dma_wait3A_97] : memref<5120x128xf32, #tpu.memory_space<vmem_shared>> -> memref<5120x128xf32, #tpu.memory_space<vmem_shared>>
      tpu.wait_indirect_dma semaphore(%arg11 : memref<!tpu.dma_semaphore, #tpu.memory_space<semaphore_mem>>) src(%dma_wait3A_92 : memref<128x128xf32, #tpu.memory_space<vmem>>) dst(%dma_wait3A_98 : memref<5120x128xf32, #tpu.memory_space<vmem_shared>>)
      %add3A_99 = arith.constant 2 : i32
      %add3A_100 = arith.addi %scan3A_65, %add3A_99 : i32
      %lt3A = arith.constant 158 : i32
      %lt3A_101 = arith.cmpi slt, %add3A_100, %lt3A : i32
      %convert_element_type3A = arith.extui %lt3A_101 : i1 to i32
      %cond3A = arith.constant 0 : i32
      %cond3A_102 = arith.cmpi ne, %convert_element_type3A, %cond3A : i32
      scf.if %cond3A_102 {
        %add3A_104 = arith.constant 2 : i32
        %add3A_105 = arith.addi %scan3A_65, %add3A_104 : i32
        %dma_start3A_106 = arith.constant 0 : i32
        %dma_start3A_107 = arith.constant 0 : i32
        %dma_start3A_108 = tpu.memref_slice %arg8[%rem3A_67, %dma_start3A_106, %dma_start3A_107] : memref<2x128x128xf32, #tpu.memory_space<vmem>> -> memref<1x128x128xf32, #tpu.memory_space<vmem>>
        %dma_start3A_109 = tpu.memref_squeeze %dma_start3A_108 : memref<1x128x128xf32, #tpu.memory_space<vmem>> -> memref<128x128xf32, #tpu.memory_space<vmem>>
        %dma_start3A_110 = arith.constant 0 : i32
        %dma_start3A_111 = tpu.memref_slice %arg6[%add3A_105, %dma_start3A_110] : memref<158x128xi32, #tpu.memory_space<vmem>> -> memref<1x128xi32, #tpu.memory_space<vmem>>
        %dma_start3A_112 = tpu.memref_squeeze %dma_start3A_111 : memref<1x128xi32, #tpu.memory_space<vmem>> -> memref<128xi32, #tpu.memory_space<vmem>>
        %dma_start3A_113 = arith.constant 0 : i32
        %dma_start3A_114 = arith.constant 0 : i32
        %dma_start3A_115 = tpu.memref_slice %arg2[%dma_start3A_113, %dma_start3A_114] : memref<10000x128xf32, #tpu.memory_space<hbm>> -> memref<10000x128xf32, #tpu.memory_space<hbm>>
        %dma_start3A_116 = tpu.memref_slice %arg10[%rem3A_67] : memref<2x!tpu.dma_semaphore, #tpu.memory_space<semaphore_mem>> -> memref<1x!tpu.dma_semaphore, #tpu.memory_space<semaphore_mem>>
        %dma_start3A_117 = tpu.memref_squeeze %dma_start3A_116 : memref<1x!tpu.dma_semaphore, #tpu.memory_space<semaphore_mem>> -> memref<!tpu.dma_semaphore, #tpu.memory_space<semaphore_mem>>
        tpu.enqueue_indirect_dma source(%dma_start3A_115 : memref<10000x128xf32, #tpu.memory_space<hbm>>) target(%dma_start3A_109 : memref<128x128xf32, #tpu.memory_space<vmem>>) offsets(%dma_start3A_112 : memref<128xi32, #tpu.memory_space<vmem>>) semaphore(%dma_start3A_117 : memref<!tpu.dma_semaphore, #tpu.memory_space<semaphore_mem>>)
      } else {
      }
      %scan3A_103 = arith.constant 0 : i32
      scf.yield %scan3A_103 : i32
    }
    %scan3A_63 = arith.constant 158 : i32
    %barrier3A_64 = arith.constant 0 : index
    tpu.barrier barrier_id(%barrier3A_64)
    "tpu.region"() ({
      %run_scoped3A_65 = tpu.sem_alloc : memref<!tpu.dma_semaphore, #tpu.memory_space<semaphore_mem>>
      %dma_start3A_66 = arith.constant 0 : i32
      %dma_start3A_67 = tpu.memref_slice %arg5[%arg0, %mul3A_9, %dma_start3A_66] : memref<2x5120x128xf32, #tpu.memory_space<hbm>> -> memref<1x320x128xf32, #tpu.memory_space<hbm>>
      %dma_start3A_68 = tpu.memref_squeeze %dma_start3A_67 : memref<1x320x128xf32, #tpu.memory_space<hbm>> -> memref<320x128xf32, #tpu.memory_space<hbm>>
      %dma_start3A_69 = arith.constant 0 : i32
      %dma_start3A_70 = tpu.memref_slice %arg9[%mul3A_9, %dma_start3A_69] : memref<5120x128xf32, #tpu.memory_space<vmem_shared>> -> memref<320x128xf32, #tpu.memory_space<vmem_shared>>
      tpu.enqueue_dma source(%dma_start3A_70 : memref<320x128xf32, #tpu.memory_space<vmem_shared>>) target(%dma_start3A_68 : memref<320x128xf32, #tpu.memory_space<hbm>>) target_semaphore(%run_scoped3A_65 : memref<!tpu.dma_semaphore, #tpu.memory_space<semaphore_mem>>)
      %dma_wait3A = arith.constant 0 : i32
      %dma_wait3A_71 = tpu.memref_slice %arg5[%arg0, %mul3A_9, %dma_wait3A] : memref<2x5120x128xf32, #tpu.memory_space<hbm>> -> memref<1x320x128xf32, #tpu.memory_space<hbm>>
      %dma_wait3A_72 = tpu.memref_squeeze %dma_wait3A_71 : memref<1x320x128xf32, #tpu.memory_space<hbm>> -> memref<320x128xf32, #tpu.memory_space<hbm>>
      %dma_wait3A_73 = arith.constant 0 : i32
      %dma_wait3A_74 = tpu.memref_slice %arg9[%mul3A_9, %dma_wait3A_73] : memref<5120x128xf32, #tpu.memory_space<vmem_shared>> -> memref<320x128xf32, #tpu.memory_space<vmem_shared>>
      tpu.wait_dma2 semaphore(%run_scoped3A_65 : memref<!tpu.dma_semaphore, #tpu.memory_space<semaphore_mem>>) src(%dma_wait3A_74 : memref<320x128xf32, #tpu.memory_space<vmem_shared>>) dst(%dma_wait3A_72 : memref<320x128xf32, #tpu.memory_space<hbm>>)
      tpu.yield
    }) : () -> ()
    return
  }
}

module attributes {stable_mosaic.version = 14 : i64} {
  func.func @_dense0_body(%arg0: memref<10000x128xf32, #tpu.memory_space<vmem>>, %arg1: memref<2x5120x128xf32, #tpu.memory_space<vmem>>, %arg2: memref<2x16x5120xf32, #tpu.memory_space<vmem>>, %arg3: memref<128x128xf32, #tpu.memory_space<vmem>>, %arg4: memref<128x128xf32, #tpu.memory_space<vmem>>, %arg5: memref<1x128xf32, #tpu.memory_space<vmem>>, %arg6: memref<1x128xf32, #tpu.memory_space<vmem>>, %arg7: memref<1x128xf32, #tpu.memory_space<vmem>>, %arg8: memref<10000x128xf32, #tpu.memory_space<vmem>>, %arg9: memref<10000x128xf32, #tpu.memory_space<vmem>>) attributes {dimension_semantics = [], scalar_prefetch = 0 : i64, scratch_operands = 0 : i64, tpu.core_type = #tpu.core_type<tc>} {
    %get3A = arith.constant 0 : index
    %get3A_0 = arith.constant 0 : index
    %get3A_1 = arith.constant 0 : index
    %get3A_2 = vector.load %arg1[%get3A, %get3A_0, %get3A_1] : memref<2x5120x128xf32, #tpu.memory_space<vmem>>, vector<1x5056x128xf32>
    %get3A_3 = vector.shape_cast %get3A_2 : vector<1x5056x128xf32> to vector<5056x128xf32>
    %get3A_4 = arith.constant 1 : index
    %get3A_5 = arith.constant 0 : index
    %get3A_6 = arith.constant 0 : index
    %get3A_7 = vector.load %arg1[%get3A_4, %get3A_5, %get3A_6] : memref<2x5120x128xf32, #tpu.memory_space<vmem>>, vector<1x4944x128xf32>
    %get3A_8 = vector.shape_cast %get3A_7 : vector<1x4944x128xf32> to vector<4944x128xf32>
    %concatenate3A = tpu.concatenate %get3A_3, %get3A_8 in 0 : vector<5056x128xf32>, vector<4944x128xf32> -> vector<10000x128xf32>
    %broadcast_in_dim3A = arith.constant 1.000000e+00 : f32
    %broadcast_in_dim3A_9 = vector.broadcast %broadcast_in_dim3A : f32 to vector<16x1xf32>
    %get3A_10 = arith.constant 0 : index
    %get3A_11 = arith.constant 0 : index
    %get3A_12 = arith.constant 0 : index
    %get3A_13 = vector.load %arg2[%get3A_10, %get3A_11, %get3A_12] : memref<2x16x5120xf32, #tpu.memory_space<vmem>>, vector<1x16x5120xf32>
    %get3A_14 = vector.shape_cast %get3A_13 : vector<1x16x5120xf32> to vector<16x5120xf32>
    %dot_general3A = arith.constant dense<0.000000e+00> : vector<5120x1xf32>
    %dot_general3A_15 = tpu.matmul %get3A_14, %broadcast_in_dim3A_9, %dot_general3A {dimension_numbers = #tpu.dot_dimension_numbers<[0], [0], [1], [1], [0, 1, 1, 1], [], []>, transpose_lhs_hint = false} : vector<16x5120xf32>, vector<16x1xf32>, vector<5120x1xf32> -> vector<5120x1xf32>
    %get3A_16 = arith.constant 1 : index
    %get3A_17 = arith.constant 0 : index
    %get3A_18 = arith.constant 0 : index
    %get3A_19 = vector.load %arg2[%get3A_16, %get3A_17, %get3A_18] : memref<2x16x5120xf32, #tpu.memory_space<vmem>>, vector<1x16x5120xf32>
    %get3A_20 = vector.shape_cast %get3A_19 : vector<1x16x5120xf32> to vector<16x5120xf32>
    %dot_general3A_21 = arith.constant dense<0.000000e+00> : vector<5120x1xf32>
    %dot_general3A_22 = tpu.matmul %get3A_20, %broadcast_in_dim3A_9, %dot_general3A_21 {dimension_numbers = #tpu.dot_dimension_numbers<[0], [0], [1], [1], [0, 1, 1, 1], [], []>, transpose_lhs_hint = false} : vector<16x5120xf32>, vector<16x1xf32>, vector<5120x1xf32> -> vector<5120x1xf32>
    %slice3A = vector.extract_strided_slice %dot_general3A_15 {offsets = [0, 0], sizes = [5056, 1], strides = [1, 1]} : vector<5120x1xf32> to vector<5056x1xf32>
    %slice3A_23 = vector.extract_strided_slice %dot_general3A_22 {offsets = [0, 0], sizes = [4944, 1], strides = [1, 1]} : vector<5120x1xf32> to vector<4944x1xf32>
    %concatenate3A_24 = tpu.concatenate %slice3A, %slice3A_23 in 0 : vector<5056x1xf32>, vector<4944x1xf32> -> vector<10000x1xf32>
    %max3A = arith.constant 1.000000e+00 : f32
    %max3A_25 = vector.broadcast %max3A : f32 to vector<10000x1xf32>
    %max3A_26 = arith.maximumf %concatenate3A_24, %max3A_25 : vector<10000x1xf32>
    %div3A = arith.constant 1.000000e+00 : f32
    %div3A_27 = vector.broadcast %div3A : f32 to vector<10000x1xf32>
    %div3A_28 = arith.divf %div3A_27, %max3A_26 : vector<10000x1xf32>
    %mul3A = vector.broadcast %div3A_28 : vector<10000x1xf32> to vector<10000x128xf32>
    %mul3A_29 = arith.mulf %concatenate3A, %mul3A : vector<10000x128xf32>
    %get3A_30 = arith.constant 0 : index
    %get3A_31 = arith.constant 0 : index
    %get3A_32 = vector.load %arg0[%get3A_30, %get3A_31] : memref<10000x128xf32, #tpu.memory_space<vmem>>, vector<10000x128xf32>
    %get3A_33 = arith.constant 0 : index
    %get3A_34 = arith.constant 0 : index
    %get3A_35 = vector.load %arg3[%get3A_33, %get3A_34] : memref<128x128xf32, #tpu.memory_space<vmem>>, vector<128x128xf32>
    %dot_general3A_36 = arith.constant dense<0.000000e+00> : vector<10000x128xf32>
    %dot_general3A_37 = tpu.matmul %get3A_32, %get3A_35, %dot_general3A_36 {dimension_numbers = #tpu.dot_dimension_numbers<[1], [0], [0], [1], [0, 0, 1, 1], [], []>, transpose_lhs_hint = false} : vector<10000x128xf32>, vector<128x128xf32>, vector<10000x128xf32> -> vector<10000x128xf32>
    %get3A_38 = arith.constant 0 : index
    %get3A_39 = arith.constant 0 : index
    %get3A_40 = vector.load %arg4[%get3A_38, %get3A_39] : memref<128x128xf32, #tpu.memory_space<vmem>>, vector<128x128xf32>
    %dot_general3A_41 = arith.constant dense<0.000000e+00> : vector<10000x128xf32>
    %dot_general3A_42 = tpu.matmul %mul3A_29, %get3A_40, %dot_general3A_41 {dimension_numbers = #tpu.dot_dimension_numbers<[1], [0], [0], [1], [0, 0, 1, 1], [], []>, transpose_lhs_hint = false} : vector<10000x128xf32>, vector<128x128xf32>, vector<10000x128xf32> -> vector<10000x128xf32>
    %add3A = arith.addf %dot_general3A_37, %dot_general3A_42 : vector<10000x128xf32>
    %get3A_43 = arith.constant 0 : index
    %get3A_44 = arith.constant 0 : index
    %get3A_45 = vector.load %arg5[%get3A_43, %get3A_44] : memref<1x128xf32, #tpu.memory_space<vmem>>, vector<1x128xf32>
    %add3A_46 = vector.broadcast %get3A_45 : vector<1x128xf32> to vector<10000x128xf32>
    %add3A_47 = arith.addf %add3A, %add3A_46 : vector<10000x128xf32>
    %reduce_sum3A = arith.constant dense<0.000000e+00> : vector<128xf32>
    %reduce_sum3A_48 = vector.multi_reduction <add>, %add3A_47, %reduce_sum3A [0] : vector<10000x128xf32> to vector<128xf32>
    %broadcast_in_dim3A_49 = vector.shape_cast %reduce_sum3A_48 : vector<128xf32> to vector<1x128xf32>
    %div3A_50 = arith.constant 1.000000e+04 : f32
    %div3A_51 = vector.broadcast %div3A_50 : f32 to vector<1x128xf32>
    %div3A_52 = arith.divf %broadcast_in_dim3A_49, %div3A_51 : vector<1x128xf32>
    %sub3A = vector.broadcast %div3A_52 : vector<1x128xf32> to vector<10000x128xf32>
    %sub3A_53 = arith.subf %add3A_47, %sub3A : vector<10000x128xf32>
    %integer_pow3A = arith.mulf %sub3A_53, %sub3A_53 : vector<10000x128xf32>
    %reduce_sum3A_54 = arith.constant dense<0.000000e+00> : vector<128xf32>
    %reduce_sum3A_55 = vector.multi_reduction <add>, %integer_pow3A, %reduce_sum3A_54 [0] : vector<10000x128xf32> to vector<128xf32>
    %broadcast_in_dim3A_56 = vector.shape_cast %reduce_sum3A_55 : vector<128xf32> to vector<1x128xf32>
    %div3A_57 = arith.constant 1.000000e+04 : f32
    %div3A_58 = vector.broadcast %div3A_57 : f32 to vector<1x128xf32>
    %div3A_59 = arith.divf %broadcast_in_dim3A_56, %div3A_58 : vector<1x128xf32>
    %sub3A_60 = vector.broadcast %div3A_52 : vector<1x128xf32> to vector<10000x128xf32>
    %sub3A_61 = arith.subf %add3A_47, %sub3A_60 : vector<10000x128xf32>
    %add3A_62 = arith.constant 9.99999974E-6 : f32
    %add3A_63 = vector.broadcast %add3A_62 : f32 to vector<1x128xf32>
    %add3A_64 = arith.addf %div3A_59, %add3A_63 : vector<1x128xf32>
    %rsqrt3A = math.rsqrt %add3A_64 : vector<1x128xf32>
    %mul3A_65 = vector.broadcast %rsqrt3A : vector<1x128xf32> to vector<10000x128xf32>
    %mul3A_66 = arith.mulf %sub3A_61, %mul3A_65 : vector<10000x128xf32>
    %get3A_67 = arith.constant 0 : index
    %get3A_68 = arith.constant 0 : index
    %get3A_69 = vector.load %arg6[%get3A_67, %get3A_68] : memref<1x128xf32, #tpu.memory_space<vmem>>, vector<1x128xf32>
    %mul3A_70 = vector.broadcast %get3A_69 : vector<1x128xf32> to vector<10000x128xf32>
    %mul3A_71 = arith.mulf %mul3A_66, %mul3A_70 : vector<10000x128xf32>
    %get3A_72 = arith.constant 0 : index
    %get3A_73 = arith.constant 0 : index
    %get3A_74 = vector.load %arg7[%get3A_72, %get3A_73] : memref<1x128xf32, #tpu.memory_space<vmem>>, vector<1x128xf32>
    %add3A_75 = vector.broadcast %get3A_74 : vector<1x128xf32> to vector<10000x128xf32>
    %add3A_76 = arith.addf %mul3A_71, %add3A_75 : vector<10000x128xf32>
    %max3A_77 = arith.constant 0.000000e+00 : f32
    %max3A_78 = vector.broadcast %max3A_77 : f32 to vector<10000x128xf32>
    %max3A_79 = arith.maximumf %add3A_76, %max3A_78 : vector<10000x128xf32>
    %swap3A = arith.constant 0 : index
    %swap3A_80 = arith.constant 0 : index
    %swap3A_81 = vector.load %arg8[%swap3A, %swap3A_80] : memref<10000x128xf32, #tpu.memory_space<vmem>>, vector<10000x128xf32>
    tpu.vector_store %arg8[%swap3A, %swap3A_80], %max3A_79 {strides = array<i32>} : memref<10000x128xf32, #tpu.memory_space<vmem>>, vector<10000x128xf32>,
    %broadcast_in_dim3A_82 = vector.shape_cast %div3A_28 : vector<10000x1xf32> to vector<10000x1xf32>
    %broadcast_in_dim3A_83 = vector.broadcast %broadcast_in_dim3A_82 : vector<10000x1xf32> to vector<10000x128xf32>
    %swap3A_84 = arith.constant 0 : index
    %swap3A_85 = arith.constant 0 : index
    %swap3A_86 = vector.load %arg9[%swap3A_84, %swap3A_85] : memref<10000x128xf32, #tpu.memory_space<vmem>>, vector<10000x128xf32>
    tpu.vector_store %arg9[%swap3A_84, %swap3A_85], %broadcast_in_dim3A_83 {strides = array<i32>} : memref<10000x128xf32, #tpu.memory_space<vmem>>, vector<10000x128xf32>,
    return
  }
}

module attributes {stable_mosaic.version = 14 : i64} {
  func.func @_dense1_body(%arg0: memref<10000x128xf32, #tpu.memory_space<vmem>>, %arg1: memref<2x5120x128xf32, #tpu.memory_space<vmem>>, %arg2: memref<10000x128xf32, #tpu.memory_space<vmem>>, %arg3: memref<128x128xf32, #tpu.memory_space<vmem>>, %arg4: memref<128x128xf32, #tpu.memory_space<vmem>>, %arg5: memref<1x128xf32, #tpu.memory_space<vmem>>, %arg6: memref<1x128xf32, #tpu.memory_space<vmem>>, %arg7: memref<1x128xf32, #tpu.memory_space<vmem>>, %arg8: memref<10000x128xf32, #tpu.memory_space<vmem>>) attributes {dimension_semantics = [], scalar_prefetch = 0 : i64, scratch_operands = 0 : i64, tpu.core_type = #tpu.core_type<tc>} {
    %get3A = arith.constant 0 : index
    %get3A_0 = arith.constant 0 : index
    %get3A_1 = arith.constant 0 : index
    %get3A_2 = vector.load %arg1[%get3A, %get3A_0, %get3A_1] : memref<2x5120x128xf32, #tpu.memory_space<vmem>>, vector<1x5056x128xf32>
    %get3A_3 = vector.shape_cast %get3A_2 : vector<1x5056x128xf32> to vector<5056x128xf32>
    %get3A_4 = arith.constant 1 : index
    %get3A_5 = arith.constant 0 : index
    %get3A_6 = arith.constant 0 : index
    %get3A_7 = vector.load %arg1[%get3A_4, %get3A_5, %get3A_6] : memref<2x5120x128xf32, #tpu.memory_space<vmem>>, vector<1x4944x128xf32>
    %get3A_8 = vector.shape_cast %get3A_7 : vector<1x4944x128xf32> to vector<4944x128xf32>
    %concatenate3A = tpu.concatenate %get3A_3, %get3A_8 in 0 : vector<5056x128xf32>, vector<4944x128xf32> -> vector<10000x128xf32>
    %get3A_9 = arith.constant 0 : index
    %get3A_10 = arith.constant 0 : index
    %get3A_11 = vector.load %arg2[%get3A_9, %get3A_10] : memref<10000x128xf32, #tpu.memory_space<vmem>>, vector<10000x128xf32>
    %mul3A = arith.mulf %concatenate3A, %get3A_11 : vector<10000x128xf32>
    %get3A_12 = arith.constant 0 : index
    %get3A_13 = arith.constant 0 : index
    %get3A_14 = vector.load %arg0[%get3A_12, %get3A_13] : memref<10000x128xf32, #tpu.memory_space<vmem>>, vector<10000x128xf32>
    %get3A_15 = arith.constant 0 : index
    %get3A_16 = arith.constant 0 : index
    %get3A_17 = vector.load %arg3[%get3A_15, %get3A_16] : memref<128x128xf32, #tpu.memory_space<vmem>>, vector<128x128xf32>
    %dot_general3A = arith.constant dense<0.000000e+00> : vector<10000x128xf32>
    %dot_general3A_18 = tpu.matmul %get3A_14, %get3A_17, %dot_general3A {dimension_numbers = #tpu.dot_dimension_numbers<[1], [0], [0], [1], [0, 0, 1, 1], [], []>, transpose_lhs_hint = false} : vector<10000x128xf32>, vector<128x128xf32>, vector<10000x128xf32> -> vector<10000x128xf32>
    %get3A_19 = arith.constant 0 : index
    %get3A_20 = arith.constant 0 : index
    %get3A_21 = vector.load %arg4[%get3A_19, %get3A_20] : memref<128x128xf32, #tpu.memory_space<vmem>>, vector<128x128xf32>
    %dot_general3A_22 = arith.constant dense<0.000000e+00> : vector<10000x128xf32>
    %dot_general3A_23 = tpu.matmul %mul3A, %get3A_21, %dot_general3A_22 {dimension_numbers = #tpu.dot_dimension_numbers<[1], [0], [0], [1], [0, 0, 1, 1], [], []>, transpose_lhs_hint = false} : vector<10000x128xf32>, vector<128x128xf32>, vector<10000x128xf32> -> vector<10000x128xf32>
    %add3A = arith.addf %dot_general3A_18, %dot_general3A_23 : vector<10000x128xf32>
    %get3A_24 = arith.constant 0 : index
    %get3A_25 = arith.constant 0 : index
    %get3A_26 = vector.load %arg5[%get3A_24, %get3A_25] : memref<1x128xf32, #tpu.memory_space<vmem>>, vector<1x128xf32>
    %add3A_27 = vector.broadcast %get3A_26 : vector<1x128xf32> to vector<10000x128xf32>
    %add3A_28 = arith.addf %add3A, %add3A_27 : vector<10000x128xf32>
    %reduce_sum3A = arith.constant dense<0.000000e+00> : vector<128xf32>
    %reduce_sum3A_29 = vector.multi_reduction <add>, %add3A_28, %reduce_sum3A [0] : vector<10000x128xf32> to vector<128xf32>
    %broadcast_in_dim3A = vector.shape_cast %reduce_sum3A_29 : vector<128xf32> to vector<1x128xf32>
    %div3A = arith.constant 1.000000e+04 : f32
    %div3A_30 = vector.broadcast %div3A : f32 to vector<1x128xf32>
    %div3A_31 = arith.divf %broadcast_in_dim3A, %div3A_30 : vector<1x128xf32>
    %sub3A = vector.broadcast %div3A_31 : vector<1x128xf32> to vector<10000x128xf32>
    %sub3A_32 = arith.subf %add3A_28, %sub3A : vector<10000x128xf32>
    %integer_pow3A = arith.mulf %sub3A_32, %sub3A_32 : vector<10000x128xf32>
    %reduce_sum3A_33 = arith.constant dense<0.000000e+00> : vector<128xf32>
    %reduce_sum3A_34 = vector.multi_reduction <add>, %integer_pow3A, %reduce_sum3A_33 [0] : vector<10000x128xf32> to vector<128xf32>
    %broadcast_in_dim3A_35 = vector.shape_cast %reduce_sum3A_34 : vector<128xf32> to vector<1x128xf32>
    %div3A_36 = arith.constant 1.000000e+04 : f32
    %div3A_37 = vector.broadcast %div3A_36 : f32 to vector<1x128xf32>
    %div3A_38 = arith.divf %broadcast_in_dim3A_35, %div3A_37 : vector<1x128xf32>
    %sub3A_39 = vector.broadcast %div3A_31 : vector<1x128xf32> to vector<10000x128xf32>
    %sub3A_40 = arith.subf %add3A_28, %sub3A_39 : vector<10000x128xf32>
    %add3A_41 = arith.constant 9.99999974E-6 : f32
    %add3A_42 = vector.broadcast %add3A_41 : f32 to vector<1x128xf32>
    %add3A_43 = arith.addf %div3A_38, %add3A_42 : vector<1x128xf32>
    %rsqrt3A = math.rsqrt %add3A_43 : vector<1x128xf32>
    %mul3A_44 = vector.broadcast %rsqrt3A : vector<1x128xf32> to vector<10000x128xf32>
    %mul3A_45 = arith.mulf %sub3A_40, %mul3A_44 : vector<10000x128xf32>
    %get3A_46 = arith.constant 0 : index
    %get3A_47 = arith.constant 0 : index
    %get3A_48 = vector.load %arg6[%get3A_46, %get3A_47] : memref<1x128xf32, #tpu.memory_space<vmem>>, vector<1x128xf32>
    %mul3A_49 = vector.broadcast %get3A_48 : vector<1x128xf32> to vector<10000x128xf32>
    %mul3A_50 = arith.mulf %mul3A_45, %mul3A_49 : vector<10000x128xf32>
    %get3A_51 = arith.constant 0 : index
    %get3A_52 = arith.constant 0 : index
    %get3A_53 = vector.load %arg7[%get3A_51, %get3A_52] : memref<1x128xf32, #tpu.memory_space<vmem>>, vector<1x128xf32>
    %add3A_54 = vector.broadcast %get3A_53 : vector<1x128xf32> to vector<10000x128xf32>
    %add3A_55 = arith.addf %mul3A_50, %add3A_54 : vector<10000x128xf32>
    %max3A = arith.constant 0.000000e+00 : f32
    %max3A_56 = vector.broadcast %max3A : f32 to vector<10000x128xf32>
    %max3A_57 = arith.maximumf %add3A_55, %max3A_56 : vector<10000x128xf32>
    %swap3A = arith.constant 0 : index
    %swap3A_58 = arith.constant 0 : index
    %swap3A_59 = vector.load %arg8[%swap3A, %swap3A_58] : memref<10000x128xf32, #tpu.memory_space<vmem>>, vector<10000x128xf32>
    tpu.vector_store %arg8[%swap3A, %swap3A_58], %max3A_57 {strides = array<i32>} : memref<10000x128xf32, #tpu.memory_space<vmem>>, vector<10000x128xf32>,
    return
  }
}

module attributes {stable_mosaic.version = 14 : i64} {
  func.func @_dense2_body(%arg0: memref<10000x128xf32, #tpu.memory_space<vmem>>, %arg1: memref<2x5120x128xf32, #tpu.memory_space<vmem>>, %arg2: memref<10000x128xf32, #tpu.memory_space<vmem>>, %arg3: memref<128x128xf32, #tpu.memory_space<vmem>>, %arg4: memref<128x128xf32, #tpu.memory_space<vmem>>, %arg5: memref<1x128xf32, #tpu.memory_space<vmem>>, %arg6: memref<128x128xf32, #tpu.memory_space<vmem>>, %arg7: memref<1x128xf32, #tpu.memory_space<vmem>>, %arg8: memref<128x128xf32, #tpu.memory_space<vmem>>, %arg9: memref<1x128xf32, #tpu.memory_space<vmem>>, %arg10: memref<128x1xf32, #tpu.memory_space<vmem>>, %arg11: memref<1x1xf32, #tpu.memory_space<vmem>>, %arg12: memref<10000x1xf32, #tpu.memory_space<vmem>>) attributes {dimension_semantics = [], scalar_prefetch = 0 : i64, scratch_operands = 0 : i64, tpu.core_type = #tpu.core_type<tc>} {
    %get3A = arith.constant 0 : index
    %get3A_0 = arith.constant 0 : index
    %get3A_1 = arith.constant 0 : index
    %get3A_2 = vector.load %arg1[%get3A, %get3A_0, %get3A_1] : memref<2x5120x128xf32, #tpu.memory_space<vmem>>, vector<1x5056x128xf32>
    %get3A_3 = vector.shape_cast %get3A_2 : vector<1x5056x128xf32> to vector<5056x128xf32>
    %get3A_4 = arith.constant 1 : index
    %get3A_5 = arith.constant 0 : index
    %get3A_6 = arith.constant 0 : index
    %get3A_7 = vector.load %arg1[%get3A_4, %get3A_5, %get3A_6] : memref<2x5120x128xf32, #tpu.memory_space<vmem>>, vector<1x4944x128xf32>
    %get3A_8 = vector.shape_cast %get3A_7 : vector<1x4944x128xf32> to vector<4944x128xf32>
    %concatenate3A = tpu.concatenate %get3A_3, %get3A_8 in 0 : vector<5056x128xf32>, vector<4944x128xf32> -> vector<10000x128xf32>
    %get3A_9 = arith.constant 0 : index
    %get3A_10 = arith.constant 0 : index
    %get3A_11 = vector.load %arg2[%get3A_9, %get3A_10] : memref<10000x128xf32, #tpu.memory_space<vmem>>, vector<10000x128xf32>
    %mul3A = arith.mulf %concatenate3A, %get3A_11 : vector<10000x128xf32>
    %get3A_12 = arith.constant 0 : index
    %get3A_13 = arith.constant 0 : index
    %get3A_14 = vector.load %arg0[%get3A_12, %get3A_13] : memref<10000x128xf32, #tpu.memory_space<vmem>>, vector<10000x128xf32>
    %get3A_15 = arith.constant 0 : index
    %get3A_16 = arith.constant 0 : index
    %get3A_17 = vector.load %arg3[%get3A_15, %get3A_16] : memref<128x128xf32, #tpu.memory_space<vmem>>, vector<128x128xf32>
    %dot_general3A = arith.constant dense<0.000000e+00> : vector<10000x128xf32>
    %dot_general3A_18 = tpu.matmul %get3A_14, %get3A_17, %dot_general3A {dimension_numbers = #tpu.dot_dimension_numbers<[1], [0], [0], [1], [0, 0, 1, 1], [], []>, transpose_lhs_hint = false} : vector<10000x128xf32>, vector<128x128xf32>, vector<10000x128xf32> -> vector<10000x128xf32>
    %get3A_19 = arith.constant 0 : index
    %get3A_20 = arith.constant 0 : index
    %get3A_21 = vector.load %arg4[%get3A_19, %get3A_20] : memref<128x128xf32, #tpu.memory_space<vmem>>, vector<128x128xf32>
    %dot_general3A_22 = arith.constant dense<0.000000e+00> : vector<10000x128xf32>
    %dot_general3A_23 = tpu.matmul %mul3A, %get3A_21, %dot_general3A_22 {dimension_numbers = #tpu.dot_dimension_numbers<[1], [0], [0], [1], [0, 0, 1, 1], [], []>, transpose_lhs_hint = false} : vector<10000x128xf32>, vector<128x128xf32>, vector<10000x128xf32> -> vector<10000x128xf32>
    %add3A = arith.addf %dot_general3A_18, %dot_general3A_23 : vector<10000x128xf32>
    %get3A_24 = arith.constant 0 : index
    %get3A_25 = arith.constant 0 : index
    %get3A_26 = vector.load %arg5[%get3A_24, %get3A_25] : memref<1x128xf32, #tpu.memory_space<vmem>>, vector<1x128xf32>
    %add3A_27 = vector.broadcast %get3A_26 : vector<1x128xf32> to vector<10000x128xf32>
    %add3A_28 = arith.addf %add3A, %add3A_27 : vector<10000x128xf32>
    %get3A_29 = arith.constant 0 : index
    %get3A_30 = arith.constant 0 : index
    %get3A_31 = vector.load %arg6[%get3A_29, %get3A_30] : memref<128x128xf32, #tpu.memory_space<vmem>>, vector<128x128xf32>
    %dot_general3A_32 = arith.constant dense<0.000000e+00> : vector<10000x128xf32>
    %dot_general3A_33 = tpu.matmul %add3A_28, %get3A_31, %dot_general3A_32 {dimension_numbers = #tpu.dot_dimension_numbers<[1], [0], [0], [1], [0, 0, 1, 1], [], []>, transpose_lhs_hint = false} : vector<10000x128xf32>, vector<128x128xf32>, vector<10000x128xf32> -> vector<10000x128xf32>
    %get3A_34 = arith.constant 0 : index
    %get3A_35 = arith.constant 0 : index
    %get3A_36 = vector.load %arg7[%get3A_34, %get3A_35] : memref<1x128xf32, #tpu.memory_space<vmem>>, vector<1x128xf32>
    %add3A_37 = vector.broadcast %get3A_36 : vector<1x128xf32> to vector<10000x128xf32>
    %add3A_38 = arith.addf %dot_general3A_33, %add3A_37 : vector<10000x128xf32>
    %max3A = arith.constant 0.000000e+00 : f32
    %max3A_39 = vector.broadcast %max3A : f32 to vector<10000x128xf32>
    %max3A_40 = arith.maximumf %add3A_38, %max3A_39 : vector<10000x128xf32>
    %get3A_41 = arith.constant 0 : index
    %get3A_42 = arith.constant 0 : index
    %get3A_43 = vector.load %arg8[%get3A_41, %get3A_42] : memref<128x128xf32, #tpu.memory_space<vmem>>, vector<128x128xf32>
    %dot_general3A_44 = arith.constant dense<0.000000e+00> : vector<10000x128xf32>
    %dot_general3A_45 = tpu.matmul %max3A_40, %get3A_43, %dot_general3A_44 {dimension_numbers = #tpu.dot_dimension_numbers<[1], [0], [0], [1], [0, 0, 1, 1], [], []>, transpose_lhs_hint = false} : vector<10000x128xf32>, vector<128x128xf32>, vector<10000x128xf32> -> vector<10000x128xf32>
    %get3A_46 = arith.constant 0 : index
    %get3A_47 = arith.constant 0 : index
    %get3A_48 = vector.load %arg9[%get3A_46, %get3A_47] : memref<1x128xf32, #tpu.memory_space<vmem>>, vector<1x128xf32>
    %add3A_49 = vector.broadcast %get3A_48 : vector<1x128xf32> to vector<10000x128xf32>
    %add3A_50 = arith.addf %dot_general3A_45, %add3A_49 : vector<10000x128xf32>
    %max3A_51 = arith.constant 0.000000e+00 : f32
    %max3A_52 = vector.broadcast %max3A_51 : f32 to vector<10000x128xf32>
    %max3A_53 = arith.maximumf %add3A_50, %max3A_52 : vector<10000x128xf32>
    %get3A_54 = arith.constant 0 : index
    %get3A_55 = arith.constant 0 : index
    %get3A_56 = vector.load %arg10[%get3A_54, %get3A_55] : memref<128x1xf32, #tpu.memory_space<vmem>>, vector<128x1xf32>
    %dot_general3A_57 = arith.constant dense<0.000000e+00> : vector<10000x1xf32>
    %dot_general3A_58 = tpu.matmul %max3A_53, %get3A_56, %dot_general3A_57 {dimension_numbers = #tpu.dot_dimension_numbers<[1], [0], [0], [1], [0, 0, 1, 1], [], []>, transpose_lhs_hint = false} : vector<10000x128xf32>, vector<128x1xf32>, vector<10000x1xf32> -> vector<10000x1xf32>
    %get3A_59 = arith.constant 0 : index
    %get3A_60 = arith.constant 0 : index
    %get3A_61 = vector.load %arg11[%get3A_59, %get3A_60] : memref<1x1xf32, #tpu.memory_space<vmem>>, vector<1x1xf32>
    %add3A_62 = vector.broadcast %get3A_61 : vector<1x1xf32> to vector<10000x1xf32>
    %add3A_63 = arith.addf %dot_general3A_58, %add3A_62 : vector<10000x1xf32>
    %swap3A = arith.constant 0 : index
    %swap3A_64 = arith.constant 0 : index
    %swap3A_65 = vector.load %arg12[%swap3A, %swap3A_64] : memref<10000x1xf32, #tpu.memory_space<vmem>>, vector<10000x1xf32>
    tpu.vector_store %arg12[%swap3A, %swap3A_64], %add3A_63 {strides = array<i32>} : memref<10000x1xf32, #tpu.memory_space<vmem>>, vector<10000x1xf32>,
    return
  }
}

</mosaic_0001>

<sc_bundles>
// kernel: kernel.11.cloned.1.call-start
scs
__scs_entry_jumppad:
0x0: {  	(pc) =	sbr.rel $0x88, $3  }
0x1: {  	(tag) =	ssettag $0x0;
	lr =	simm.s32 $0x1  }
0x2: {  	[smem:$0x3F8E] =	sst lr;
	_ =	strace $0xD0000000  }
0x3: {  	_ = 	snop  }
0x4: {  	_ = 	snop  }
0x5: {  	_ = 	snop  }
0x6: {  	_ = 	snop  }
0x7: {  	_ = 	snop  }
__scs_overlays_trampoline_lowered:
0x8: {  	[smem:$0x3F9D] =	sst s0  }
0x9: {  	[smem:$0x3F9E] =	sst s1  }
0xa: {  	[smem:$0x3F9F] =	sst s2  }
0xb: {  	[smem:$0x3FA0] =	sst s3  }
0xc: {  	[smem:$0x3FA1] =	sst s4  }
0xd: {  	[smem:$0x3FA2] =	sst s5  }
0xe: {  	[smem:$0x3FA3] =	sst s6  }
0xf: {  	[smem:$0x3FA4] =	sst s7  }
0x10: {  	[smem:$0x3FA5] =	sst s8  }
0x11: {  	[smem:$0x3FA6] =	sst s9;
	s0 =	simm.s32 @!p0 $0x0  }
0x12: {  	s1 =	sld [smem:$0x3F8C];
	s0 =	simm.s32 @p0 $0x1  }
0x13: {  	[smem:$0x3FA7] =	sst s0;
	s0 =	simm.s32 @!p1 $0x0  }
0x14: {  	s2 =	sld [smem:$0x3F8B];
	s0 =	simm.s32 @p1 $0x1  }
0x15: {  	[smem:$0x3FA8] =	sst s0;
	s0 =	simm.s32 @!p2 $0x0  }
0x16: {  	s3 =	sld [smem:$0x3FDB];
	s0 =	simm.s32 @p2 $0x1  }
0x17: {  	s4 =	simm.s32 $0x1BF5;
	[smem:$0x3FAA] =	sst s0  }
0x18: {  	s0 =	sld [smem:$0x3F8D];
	_ =	swait.ge [sflag:s4], $0x0  }
0x19: {  	s7 =	sld [smem:$0x3F8E]  }
0x1a: {  	s8 =	sadd.s32 $0xFFFFE003, lr  }
0x1b: {  	s9 =	sadd.s32 $0xFFFFFEF7, lr;
	s5 =	simm.s32 $0xFFFFFFFF;
	p2 =	slt.u32 s8, $0xFFFFF086  }
0x1c: {  	p1 =	slt.u32 s9, $0xF7A;
	s5 =	simm.s32 @!p2 $0x0  }
0x1d: {  	s5 =	simm.s32 @p1 $0x1;
	p0 =	seq.s32 s7, s2  }
0x1e: {  	s7 =	smul.u32 @!p0 $0xF7A, s2;
	p2 =	seq.s32 @!p0 s5, $0x0  }
0x1f: {  	s9 =	smul.u32 $0xF7A, s1;
	s8 =	simm.s32 @!p0 $0x1BF5;
	p2 =	por !p2, p0  }
0x20: {  	[sflag:s8] =	ssyncset.s32 @!p0 $0xFFFFF086;
	s6 =	sadd.s32 @!p0 s3, s7;
	s7 =	simm.s32 @!p0 $0x108  }
0x21: {  	s3 =	sadd.s32 s3, s9;
	s6 =	sadd.s32 @!p0 $0x88, s6;
	s7 =	simm.s32 @p2 $0x1082  }
0x22: {  	[simem:s7], [sflag:s8] =	dma.local @!p0 [hbm:s6], $0xF7A  }
0x23: {  	s9 =	sor.u32 $0xD0000000, s2;
	s6 =	simm.s32 $0x108;
	_ =	swait.ge @!p0 [sflag:s8], $0x0  }
0x24: {  	s3 =	sadd.s32 $0x88, s3;
	s6 =	simm.s32 @!p1 $0x1082;
	[sflag:s4] =	ssyncset.s32 $0xFFFFF086  }
0x25: {  	[simem:s6], [sflag:s4] =	dma.local [hbm:s3], $0xF7A  }
0x26: {  	[smem:$0x3F8E] =	sst s1;
	(tag) =	ssettag s2;
	_ =	strace s9  }
0x27: {  	s1 =	sld [smem:$0x3F9E]  }
0x28: {  	s2 =	sld [smem:$0x3F9F]  }
0x29: {  	s4 =	sld [smem:$0x3FA1]  }
0x2a: {  	p0 =	seq.s32 s5, $0x0;
	s5 =	sld [smem:$0x3FA2]  }
0x2b: {  	s6 =	sld [smem:$0x3FA3]  }
0x2c: {  	s7 =	sld [smem:$0x3FA4]  }
0x2d: {  	s3 =	simm.s32 $0x108;
	s8 =	sld [smem:$0x3FA5]  }
0x2e: {  	s3 =	simm.s32 @!p0 $0x1082;
	s9 =	sld [smem:$0x3FA6]  }
0x2f: {  	lr =	sadd.s32 s0, s3;
	s0 =	sld [smem:$0x3F9D]  }
0x30: {  	s3 =	sld [smem:$0x3FA0]  }
0x31: {  	[smem:$0x3FA9] =	sst s10  }
0x32: {  	s10 =	sld [smem:$0x3FA7];
	_ =	sdelay $0x3  }
0x33: {  	p0 =	seq.s32 s10, $0x1;
	s10 =	sld [smem:$0x3FA9];
	_ =	sdelay $0x3  }
0x34: {  	[smem:$0x3FA9] =	sst s10  }
0x35: {  	s10 =	sld [smem:$0x3FA8];
	_ =	sdelay $0x3  }
0x36: {  	p1 =	seq.s32 s10, $0x1;
	s10 =	sld [smem:$0x3FA9];
	_ =	sdelay $0x3  }
0x37: {  	[smem:$0x3FA9] =	sst s10  }
0x38: {  	s10 =	sld [smem:$0x3FAA]  }
0x39: {  	_ = 	snop;
	(pc) =	sbr.ind lr, $3  }
0x3a: {  	_ = 	snop  }
0x3b: {  	_ = 	snop  }
0x3c: {  	p2 =	seq.s32 s10, $0x1;
	s10 =	sld [smem:$0x3FA9]  }
0x3d: {  	_ =	shalt  }
0x3e: {  	_ =	shalt  }
0x3f: {  	_ =	shalt  }
0x40: {  	_ =	shalt  }
0x41: {  	_ =	shalt  }
0x42: {  	_ =	shalt  }
0x43: {  	_ =	shalt  }
0x44: {  	_ =	shalt  }
0x45: {  	_ =	shalt  }
0x46: {  	_ =	shalt  }
0x47: {  	_ =	shalt  }
0x48: {  	_ =	shalt  }
0x49: {  	_ =	shalt  }
0x4a: {  	_ =	shalt  }
0x4b: {  	_ =	shalt  }
0x4c: {  	_ =	shalt  }
0x4d: {  	_ =	shalt  }
0x4e: {  	_ =	shalt  }
0x4f: {  	_ =	shalt  }
0x50: {  	_ =	shalt  }
0x51: {  	_ =	shalt  }
0x52: {  	_ =	shalt  }
0x53: {  	_ =	shalt  }
0x54: {  	_ =	shalt  }
0x55: {  	_ =	shalt  }
0x56: {  	_ =	shalt  }
0x57: {  	_ =	shalt  }
0x58: {  	_ =	shalt  }
0x59: {  	_ =	shalt  }
0x5a: {  	_ =	shalt  }
0x5b: {  	_ =	shalt  }
0x5c: {  	_ =	shalt  }
0x5d: {  	_ =	shalt  }
0x5e: {  	_ =	shalt  }
0x5f: {  	_ =	shalt  }
0x60: {  	_ =	shalt  }
0x61: {  	_ =	shalt  }
0x62: {  	_ =	shalt  }
0x63: {  	_ =	shalt  }
0x64: {  	_ =	shalt  }
0x65: {  	_ =	shalt  }
0x66: {  	_ =	shalt  }
0x67: {  	_ =	shalt  }
0x68: {  	_ =	shalt  }
0x69: {  	_ =	shalt  }
0x6a: {  	_ =	shalt  }
0x6b: {  	_ =	shalt  }
0x6c: {  	_ =	shalt  }
0x6d: {  	_ =	shalt  }
0x6e: {  	_ =	shalt  }
0x6f: {  	_ =	shalt  }
0x70: {  	_ =	shalt  }
0x71: {  	_ =	shalt  }
0x72: {  	_ =	shalt  }
0x73: {  	_ =	shalt  }
0x74: {  	_ =	shalt  }
0x75: {  	_ =	shalt  }
0x76: {  	_ =	shalt  }
0x77: {  	_ =	shalt  }
0x78: {  	_ =	shalt  }
0x79: {  	_ =	shalt  }
0x7a: {  	_ =	shalt  }
0x7b: {  	_ =	shalt  }
0x7c: {  	_ =	shalt  }
0x7d: {  	_ =	shalt  }
0x7e: {  	_ =	shalt  }
0x7f: {  	_ =	shalt  }
0x80: {  	_ =	shalt  }
0x81: {  	_ =	shalt  }
0x82: {  	_ =	shalt  }
0x83: {  	_ =	shalt  }
0x84: {  	_ =	shalt  }
0x85: {  	_ =	shalt  }
0x86: {  	_ =	shalt  }
0x87: {  	_ =	shalt  }
.Lfunc_end0:
.L_simem_size_0:
called_computation.1_lowered:
.L_overlay_start_0:
0x88: {  	s2 =	sld [smem:$0x3FD9]  }
0x89: {  	s3 =	sld [smem:$0x3FFE];
	_ =	sdelay $0x1  }
0x8a: {  	s1 =	srdreg.scid  }
0x8b: {  	s0 =	sand.u32 $0x1, s1  }
0x8c: {  	s16 =	sshll.u32 s0, $0xA;
	s2 =	sadd.s32 s3, s2  }
0x8d: {  	s2 =	sadd.s32 s2, s16  }
0x8e: {  	[smem:$0x3FB5] =	sst s2  }
0x8f: {  	_ = 	snop  }
0x90: {  	(tm) =	ssettm $0x1  }
0x91: {  	s17 =	sld [smem:$0x3FFB];
	_ =	sdelay $0x3  }
0x92: {  	_ =	strace s17  }
0x93: {  	s2 =	sld [smem:$0x3FFC];
	_ =	sdelay $0x3  }
0x94: {  	_ =	strace s2  }
0x95: {  	s2 =	sld [smem:$0x3FFD];
	_ =	sdelay $0x3  }
0x96: {  	_ =	strace s2  }
0x97: {  	_ =	strace $0x8FFFFFFF  }
0x98: {  	s18 =	sld [smem:$0x3FDB];
	_ =	sdelay $0x1  }
0x99: {  	s19 =	simm.s32 $_scs_section_size  }
0x9a: {  	s4 =	simm.s32 $_size__tile_overlayer_lowered;
	s5 =	simm.s32 $_tile_overlayer_lowered  }
0x9b: {  	s22 =	simm.s32 $0x1BFF;
	s21 =	sshll.u32 s5, $0x1;
	s2 =	sadd.s32 s19, s18  }
0x9c: {  	s6 =	simm.s32 $0x0;
	s20 =	sshll.u32 s4, $0x1;
	s4 =	sadd.s32 s21, s2  }
0x9d: {  	[timem:s6], [sflag:s22] =	dma.local [hbm:s4], s20  }
0x9e: {  	_ =	swait.ge [sflag:s22], s20  }
0x9f: {  	s3 =	ssub.s32 $0x0, s20;
	[sflag:s22] =	ssyncset.done $0x0  }
0xa0: {  	[sflag:s22] =	ssyncadd.s32 s3;
	_ =	sdelay $0x1  }
0xa1: {  	s23 =	simm.s32 $0x1B8B  }
0xa2: {  	_ =	swait.ge [sflag:s23], $0x1  }
0xa3: {  	[sflag:s23] =	ssyncset.done $0x0  }
0xa4: {  	s25 =	simm.s32 $0x1B8E;
	s24 =	sld [smem:$0x3FFE];
	[sflag:s23] =	ssyncadd.s32 $0xFFFFFFFF  }
0xa5: {  	s26 =	simm.s32 $execute0_lowered;
	[smem:$0x3FD2] =	sst s25  }
0xa6: {  	s4 =	sshll.u32 s26, $0x1;
	_ =	strace $0x80000049;
	[dreg:$0x1] =	wrdreg $0xFFFFFFFF  }
0xa7: {  	s28 =	simm.s32 $_size_execute0_lowered;
	s2 =	sadd.s32 s2, s4;
	[dreg:$0x0] =	wrdreg $0x0  }
0xa8: {  	s4 =	sshll.u32 s28, $0x1;
	[dreg:$0x2] =	wrdreg s2  }
0xa9: {  	[dreg:$0x3] =	wrdreg s4  }
0xaa: {  	[dreg:$0x4] =	wrdreg $0xC0  }
0xab: {  	_ =	task [dreg:s6], $0x5FFFF  }
0xac: {  	[dreg:$0x1] =	wrdreg $0xFFFFFFFF  }
0xad: {  	[dreg:$0x0] =	wrdreg $0x60  }
0xae: {  	[dreg:$0x2] =	wrdreg s24  }
0xaf: {  	[dreg:$0x3] =	wrdreg $0x120000  }
0xb0: {  	[dreg:$0x4] =	wrdreg $0x9  }
0xb1: {  	_ =	task.clear_ibuf [dreg:s6], $0x5FFFF;
	_ =	strace $0x90000049  }
0xb2: {  	s29 =	simm.s32 $0x9;
	_ =	strace $0x8000004B  }
0xb3: {  	_ =	swait.ge [sflag:s29], $0x1  }
0xb4: {  	[sflag:s29] =	ssyncadd.s32 $0xFFFFFFFF  }
0xb5: {  	_ =	strace $0x9000004B  }
0xb6: {  	_ =	sfence  }
0xb7: {  	s30 =	sld [smem:$0x0];
	_ =	sdelay $0x2  }
0xb8: {  	s31 =	sshll.u32 s1, $0xD;
	s1 =	sshrl.u32 s1, $0x2  }
0xb9: {  	s3 =	sand.u32 $0x4000, s31;
	s1 =	sadd.s32 s1, s30  }
0xba: {  	s0 =	sor.u32 s3, s0;
	s1 =	sshll.u32 s1, $0x11  }
0xbb: {  	s0 =	sor.u32 s1, s0  }
0xbc: {  	s0 =	sadd.s32 $0x8F2B, s0  }
0xbd: {  	[sflag:s0] =	ssyncadd.remote.s32 $0x1  }
0xbe: {  	_ =	sfence.sel $0xFFFF  }
0xbf: {  	[dreg:$0x0] =	wrdreg $0xFFFFFFFF;
	(pc) =	sbr.abs _section_cstart, $3  }
0xc0: {  	[dreg:$0x1] =	wrdreg $0xFFFFFFFF  }
0xc1: {  	_ =	task.clear_ibuf [dreg:s6], $0x2FFFF;
	_ =	strace $0x9FFFFFFF  }
0xc2: {  	(tm) =	ssettm $0x7FFFFFFF  }
0xc3: {  	_ =	shalt  }
tec
execute0_lowered:
.L_overlay_start_1:
0x0: {  	(tag) =	ssettag $0x1  }
0x1: {  	s5 =	rddreg [dreg:$0x0];
	s0 =	stileid.u32  }
0x2: {  	s1 =	srdreg.scid;
	s2 =	rddreg [dreg:$0x1]  }
0x3: {  	s3 =	simm.s32 $0x0;
	s13 =	simm.s32 $0x4;
	s14 =	simm.s32 $0x5000  }
0x4: {  	s15 =	simm.s32 $0x80;
	s17 =	simm.s32 $0x3;
	s6 =	smul.u32 $0xA00, s0  }
0x5: {  	s7 =	sand.u32 $0x1, s1;
	s1 =	rddreg [dreg:$0x2];
	s9 =	smul.u32 $0xA000, s0  }
0x6: {  	s18 =	simm.s32 $0x0;
	[smem:$0x7FF] =	sst s3;
	s10 =	smul.u32 $0x28000, s0  }
0x7: {  	s4 =	sadd.s32 $0x18800, s5;
	s8 =	smul.u32 $0xA0000, s7;
	_ =	strace $0x8000004A  }
0x8: {  	s28 =	ssub.s32 $0x2, s7;
	s16 =	smul.u32 $0xFFFFEC40, s7;
	s11 =	sadd.s32 s6, s5  }
0x9: {  	s29 =	sshrl.u32 s10, $0x2;
	s31 =	sshrl.u32 s28, $0x1;
	s26 =	sadd.s32 s9, s8  }
0xa: {  	s12 =	ssub.s32 s28, s31;
	s8 =	sadd.s32 $0x4800, s11;
	s9 =	sadd.s32 $0xE800, s11  }
0xb: {  	v0 =	vmov s16;
	s16 =	simm.s32 $0xE000;
	s6 =	sshrl.u32 s26, $0x3;
	s11 =	smax.u32 s12, $0x1  }
0xc: {  	s12 =	simm.s32 $0xA000;
	s30 =	sadd.s32 s6, s5;
	s5 =	sadd.s32 s29, s2  }
0xd: {  	v1 =	vimm.f32 $0.0e+00;
	s6 =	sadd.s32 $0x4000, s5;
	s7 =	sadd.s32 $0x8000, s5;
	s10 =	sadd.s32 $0x3FA00, s30  }
.LBB2_1:
0xe: {  	s19 =	sand.u32 $0xFE00, s3  }
0xf: {  	s20 =	sand.u32 $0x70, s3;
	s21 =	sshrl.u32 s19, $0x2  }
0x10: {  	s19 =	simm.s32 $0x40;
	s21 =	sor.u32 s20, s21;
	s20 =	simm.s32 $0x0  }
.LBB2_2:
0x11: {  	p0 =	sne.s32 s19, $0xFFC0  }
0x12: {  	[tilespmem:s21+$0xA000] =	vst v1;
	s20 =	sadd.s32 $0x10, s20;
	s21 =	smov.u32 s19;
	s19 =	sadd.s32 $0x40, s19  }
.Ltmp0:
0x13: {  	(pc) =	sbr.rel @p0 .LBB2_2-.Ltmp0, $4  }
0x14: {  	_ = 	snop  }
0x15: {  	s21 =	sand.u32 $0xFE00, s21  }
0x16: {  	s22 =	sand.u32 $0x70, s20;
	s21 =	sshrl.u32 s21, $0x2  }
0x17: {  	s21 =	sor.u32 s22, s21  }
0x18: {  	[tilespmem:s21+$0xA000] =	vst v1  }
0x19: {  	[spmem:s5] =	stream.linear.scatter [tilespmem:s12], [sflag:$0x4], $0x4000, $0x38;
	[tilespmem:$0x1C000] =	vst v63  }
0x1a: {  	_ =	swait.ge [sflag:s13], $0x4000  }
0x1b: {  	[sflag:s13] =	ssyncset.done $0x0  }
0x1c: {  	[sflag:s13] =	ssyncadd.s32 $0xFFFFC000  }
0x1d: {  	[spmem:s6] =	stream.linear.scatter [tilespmem:s12], [sflag:$0x4], $0x4000, $0x38;
	[tilespmem:$0x1C000] =	vst v63  }
0x1e: {  	_ =	swait.ge [sflag:s13], $0x4000  }
0x1f: {  	[sflag:s13] =	ssyncset.done $0x0  }
0x20: {  	[sflag:s13] =	ssyncadd.s32 $0xFFFFC000  }
0x21: {  	[spmem:s7] =	stream.linear.scatter [tilespmem:s12], [sflag:$0x4], $0x2000, $0x38;
	[tilespmem:$0x1C000] =	vst v63  }
0x22: {  	_ =	swait.ge [sflag:s13], $0x2000  }
0x23: {  	[sflag:s13] =	ssyncset.done $0x0  }
0x24: {  	s19 =	simm.s32 $0x0;
	[sflag:s13] =	ssyncadd.s32 $0xFFFFE000  }
0x25: {  	[tilespmem:s19], [sflag:$0x4] =	stream.linear.gather [hbm4b:s8+s19], $0x4F00, $0x38;
	[tilespmem:$0x1C000] =	vst v63  }
0x26: {  	_ =	swait.ge [sflag:s13], $0x4F00  }
0x27: {  	[sflag:s13] =	ssyncset.done $0x0  }
0x28: {  	[sflag:s13] =	ssyncadd.s32 $0xFFFFB100  }
0x29: {  	[tilespmem:s14], [sflag:$0x4] =	stream.linear.gather [hbm4b:s9+s19], $0x4F00, $0x38;
	[tilespmem:$0x1C000] =	vst v63  }
0x2a: {  	s20 =	sand.u32 $0x1FE00, s19;
	_ =	swait.ge [sflag:s13], $0x4F00  }
0x2b: {  	s20 =	sshrl.u32 s20, $0x2;
	s19 =	sand.u32 $0x70, s19;
	[sflag:s13] =	ssyncset.done $0x0  }
0x2c: {  	s19 =	sor.u32 s19, s20;
	[sflag:s13] =	ssyncadd.s32 $0xFFFFB100  }
0x2d: {  	v2 =	vld [tilespmem:s19+$0x5000];
	_ =	sdelay $0x3  }
0x2e: {  	s31 =	simm.s32 $0x40  }
0x2f: {  	s21 =	simm.s32 $0x10;
	s22 =	sand.u32 $0x1FE00, s31;
	s20 =	simm.s32 $0x80;
	v2 =	vadd.s32 v0, v2  }
.LBB2_4:
0x30: {  	p0 =	sne.s32 s20, $0x13BC0;
	s23 =	sand.u32 $0x70, s21;
	s22 =	sshrl.u32 s22, $0x2;
	v2 =	vmin.u32 v2, $0x13C0  }
0x31: {  	[tilespmem:s19+$0x5000] =	vst v2;
	s19 =	sor.u32 s23, s22  }
0x32: {  	v2 =	vld [tilespmem:s19+$0x5000]  }
.Ltmp1:
0x33: {  	(pc) =	sbr.rel @p0 .LBB2_4-.Ltmp1, $2  }
0x34: {  	_ =	sdelay $0x2  }
0x35: {  	s21 =	sadd.s32 $0x10, s21;
	s22 =	sand.u32 $0x1FE00, s20;
	s20 =	sadd.s32 $0x40, s20;
	v2 =	vadd.s32 v0, v2  }
0x36: {  	s20 =	sand.u32 $0x70, s21;
	s26 =	sshrl.u32 s22, $0x2;
	v2 =	vmin.u32 v2, $0x13C0  }
0x37: {  	s20 =	sor.u32 s20, s26;
	[tilespmem:s19+$0x5000] =	vst v2  }
0x38: {  	v2 =	vld [tilespmem:s20+$0x5000];
	_ =	sdelay $0x4  }
0x39: {  	v2 =	vadd.s32 v0, v2  }
0x3a: {  	v2 =	vmin.u32 v2, $0x13C0  }
0x3b: {  	s30 =	simm.s32 $0x0;
	[tilespmem:s20+$0x5000] =	vst v2  }
0x3c: {  	s31 =	sand.u32 $0x1, s30;
	[bflag:$0x0] =	sbarrier.arrive $0xFFFF  }
0x3d: {  	[tilespmem:s12], [sflag:$0x1] =	stream.indirect.gather [hbm4b:s4+s15], $0x80, s30, s15, $0xb8;
	[tilespmem:$0x1C000] =	vst v63  }
0x3e: {  	s21 =	sadd.s32 $0x1, s31  }
0x3f: {  	[tilespmem:s16], [sflag:$0x2] =	stream.indirect.gather [hbm4b:s4+s15], $0x80, s15, s15, $0xb8;
	[tilespmem:$0x1C000] =	vst v63  }
0x40: {  	s24 =	simm.s32 $0x5000;
	p1 =	por $0x0, $0x0;
	_ =	swait.ge [sflag:s21], $0x4000  }
0x41: {  	s19 =	simm.s32 $0x1;
	s22 =	sshll.u32 s31, $0xE;
	[sflag:s21] =	ssyncset.done $0x0  }
0x42: {  	s26 =	simm.s32 $0x2;
	s28 =	sor.u32 $0xA000, s22;
	[sflag:s21] =	ssyncadd.s32 $0xFFFFC000  }
0x43: {  	[spmem:s2] =	stream.indirect.scatter.add.f32 [tilespmem:s28], [sflag:$0x3], $0x80, s24, s15, $0xb8;
	[tilespmem:$0x1C000] =	vst v63  }
0x44: {  	s29 =	simm.s32 @!p1 $0x80;
	s23 =	sand.u32 $0x1, s19;
	_ =	swait.ge [sflag:s17], $0x4000  }
0x45: {  	s25 =	sshll.u32 s23, $0xE;
	s22 =	simm.s32 $0x180;
	[sflag:s17] =	ssyncset.done $0x0  }
0x46: {  	s20 =	simm.s32 $0x100;
	s24 =	simm.s32 $0x5080;
	[sflag:s17] =	ssyncadd.s32 $0xFFFFC000  }
.LBB2_6:
0x47: {  	[tilespmem:s28], [sflag:s21] =	stream.indirect.gather @!p1 [hbm4b:s4+s29], $0x80, s20, s29, $0xb8;
	[tilespmem:$0x1C000] =	vst v63  }
0x48: {  	s29 =	smov.u32 s19;
	s19 =	smov.u32 s26;
	s20 =	smov.u32 s22  }
0x49: {  	s26 =	sadd.s32 $0x1, s26;
	s21 =	sadd.s32 $0x1, s23;
	s23 =	sand.u32 $0x1, s19  }
0x4a: {  	p0 =	sne.s32 s26, $0x9E;
	s30 =	sshll.u32 s23, $0xE;
	_ =	swait.ge [sflag:s21], $0x4000  }
0x4b: {  	[sflag:s21] =	ssyncset.done $0x0  }
.Ltmp2:
0x4c: {  	s28 =	sor.u32 $0xA000, s25;
	[sflag:s21] =	ssyncadd.s32 $0xFFFFC000;
	(pc) =	sbr.rel @p0 .LBB2_6-.Ltmp2, $4  }
0x4d: {  	[spmem:s2] =	stream.indirect.scatter.add.f32 [tilespmem:s28], [sflag:$0x3], $0x80, s24, s15, $0xb8;
	[tilespmem:$0x1C000] =	vst v63  }
0x4e: {  	s25 =	smov.u32 s30;
	_ =	swait.ge [sflag:s17], $0x4000  }
0x4f: {  	p1 =	sgt.u32 s29, $0x9B;
	s24 =	sadd.s32 $0x80, s24;
	[sflag:s17] =	ssyncset.done $0x0  }
0x50: {  	s22 =	sadd.s32 $0x80, s22;
	s29 =	simm.s32 @!p1 $0x80;
	[sflag:s17] =	ssyncadd.s32 $0xFFFFC000  }
0x51: {  	[tilespmem:s28], [sflag:s21] =	stream.indirect.gather @!p1 [hbm4b:s4+s29], $0x80, s20, s29, $0xb8;
	[tilespmem:$0x1C000] =	vst v63  }
0x52: {  	s20 =	sadd.s32 $0x1, s23  }
0x53: {  	_ =	swait.ge [sflag:s20], $0x4000  }
0x54: {  	[sflag:s20] =	ssyncset.done $0x0  }
0x55: {  	s21 =	sor.u32 $0xA000, s25;
	[sflag:s20] =	ssyncadd.s32 $0xFFFFC000  }
0x56: {  	[spmem:s2] =	stream.indirect.scatter.add.f32 [tilespmem:s21], [sflag:$0x3], $0x80, s24, s15, $0xb8;
	[tilespmem:$0x1C000] =	vst v63  }
0x57: {  	_ =	swait.ge [sflag:s17], $0x4000  }
0x58: {  	p0 =	sgt.u32 s19, $0x9B;
	[sflag:s17] =	ssyncset.done $0x0  }
0x59: {  	s18 =	sadd.s32 $0x1, s18;
	s19 =	simm.s32 @!p0 $0x80;
	[sflag:s17] =	ssyncadd.s32 $0xFFFFC000  }
0x5a: {  	[tilespmem:s21], [sflag:s20] =	stream.indirect.gather @!p0 [hbm4b:s4+s19], $0x80, s22, s19, $0xb8;
	[tilespmem:$0x1C000] =	vst v63  }
0x5b: {  	s30 =	sshll.u32 s0, $0x6;
	s31 =	sshrl.u32 s5, $0x3;
	p0 =	sne.s32 s18, s11  }
.Ltmp3:
0x5c: {  	s19 =	sor.u32 $0x1C04, s30;
	[bflag:$0x0] =	sbarrier.arrive $0xFFFF;
	(pc) =	sbr.rel @p0 .LBB2_1-.Ltmp3, $4  }
0x5d: {  	[hbm:s10], [sflag:s19] =	dma.local [spmem:s31], $0x1400  }
0x5e: {  	_ =	swait.ge [sflag:s13], $0x1400  }
0x5f: {  	[sflag:s13] =	ssyncset.done $0x0  }
0x60: {  	[sflag:s13] =	ssyncadd.s32 $0xFFFFEC00  }
0x61: {  	_ =	sfence.sel $0x180000  }
0x62: {  	[bflag:$0x0] =	sbarrier.arrive $0xFFFF  }
0x63: {  	p0 =	sne.s32 s0, $0x0;
	_ =	strace $0x9000004A  }
0x64: {  	s0 =	sadd.s32 @!p0 $0x100000, s1;
	[bflag:$0x2] =	sbarrier.arrive $0xFFFF  }
0x65: {  	[sflag:s0] =	ssyncadd.tile.s32 @!p0 $0x1;
	_ =	shalt  }
.Lfunc_end2:
_tile_overlayer_lowered:
.L_overlay_start_2:
0x66: {  	(tag) =	ssettag $0x2  }
0x67: {  	s0 =	rddreg [dreg:$0x0];
	s2 =	stileid.u32  }
0x68: {  	s1 =	rddreg [dreg:$0x1];
	p0 =	sne.s32 s2, $0x0  }
0x69: {  	s3 =	rddreg [dreg:$0x2];
	[bflag:$0x3] =	sbarrier.arrive $0xFFFF;
	s2 =	simm.s32 @!p0 $0x1C04  }
0x6a: {  	[timem:s3], [sflag:s2] =	dma.local @!p0 [hbm:s0], s1  }
0x6b: {  	s0 =	simm.s32 @!p0 $0x4  }
0x6c: {  	_ =	swait.ge @!p0 [sflag:s0], s1  }
0x6d: {  	s1 =	ssub.s32 @!p0 $0x0, s1;
	[sflag:s0] =	ssyncset.done @!p0 $0x0  }
0x6e: {  	[sflag:s0] =	ssyncadd.s32 @!p0 s1  }
0x6f: {  	[bflag:$0x3] =	sbarrier.arrive $0xFFFF  }
0x70: {  	_ =	shalt  }

// kernel: kernel.14.cloned.1.call-start
scs
__scs_entry_jumppad:
0x0: {  	(pc) =	sbr.rel $0x88, $3  }
0x1: {  	(tag) =	ssettag $0x0;
	lr =	simm.s32 $0x1  }
0x2: {  	[smem:$0x3F8E] =	sst lr;
	_ =	strace $0xD0000000  }
0x3: {  	_ = 	snop  }
0x4: {  	_ = 	snop  }
0x5: {  	_ = 	snop  }
0x6: {  	_ = 	snop  }
0x7: {  	_ = 	snop  }
__scs_overlays_trampoline_lowered:
0x8: {  	[smem:$0x3F9D] =	sst s0  }
0x9: {  	[smem:$0x3F9E] =	sst s1  }
0xa: {  	[smem:$0x3F9F] =	sst s2  }
0xb: {  	[smem:$0x3FA0] =	sst s3  }
0xc: {  	[smem:$0x3FA1] =	sst s4  }
0xd: {  	[smem:$0x3FA2] =	sst s5  }
0xe: {  	[smem:$0x3FA3] =	sst s6  }
0xf: {  	[smem:$0x3FA4] =	sst s7  }
0x10: {  	[smem:$0x3FA5] =	sst s8  }
0x11: {  	[smem:$0x3FA6] =	sst s9;
	s0 =	simm.s32 @!p0 $0x0  }
0x12: {  	s1 =	sld [smem:$0x3F8C];
	s0 =	simm.s32 @p0 $0x1  }
0x13: {  	[smem:$0x3FA7] =	sst s0;
	s0 =	simm.s32 @!p1 $0x0  }
0x14: {  	s2 =	sld [smem:$0x3F8B];
	s0 =	simm.s32 @p1 $0x1  }
0x15: {  	[smem:$0x3FA8] =	sst s0;
	s0 =	simm.s32 @!p2 $0x0  }
0x16: {  	s3 =	sld [smem:$0x3FDB];
	s0 =	simm.s32 @p2 $0x1  }
0x17: {  	s4 =	simm.s32 $0x1BF5;
	[smem:$0x3FAA] =	sst s0  }
0x18: {  	s0 =	sld [smem:$0x3F8D];
	_ =	swait.ge [sflag:s4], $0x0  }
0x19: {  	s7 =	sld [smem:$0x3F8E]  }
0x1a: {  	s8 =	sadd.s32 $0xFFFFE003, lr  }
0x1b: {  	s9 =	sadd.s32 $0xFFFFFEF7, lr;
	s5 =	simm.s32 $0xFFFFFFFF;
	p2 =	slt.u32 s8, $0xFFFFF086  }
0x1c: {  	p1 =	slt.u32 s9, $0xF7A;
	s5 =	simm.s32 @!p2 $0x0  }
0x1d: {  	s5 =	simm.s32 @p1 $0x1;
	p0 =	seq.s32 s7, s2  }
0x1e: {  	s7 =	smul.u32 @!p0 $0xF7A, s2;
	p2 =	seq.s32 @!p0 s5, $0x0  }
0x1f: {  	s9 =	smul.u32 $0xF7A, s1;
	s8 =	simm.s32 @!p0 $0x1BF5;
	p2 =	por !p2, p0  }
0x20: {  	[sflag:s8] =	ssyncset.s32 @!p0 $0xFFFFF086;
	s6 =	sadd.s32 @!p0 s3, s7;
	s7 =	simm.s32 @!p0 $0x108  }
0x21: {  	s3 =	sadd.s32 s3, s9;
	s6 =	sadd.s32 @!p0 $0x88, s6;
	s7 =	simm.s32 @p2 $0x1082  }
0x22: {  	[simem:s7], [sflag:s8] =	dma.local @!p0 [hbm:s6], $0xF7A  }
0x23: {  	s9 =	sor.u32 $0xD0000000, s2;
	s6 =	simm.s32 $0x108;
	_ =	swait.ge @!p0 [sflag:s8], $0x0  }
0x24: {  	s3 =	sadd.s32 $0x88, s3;
	s6 =	simm.s32 @!p1 $0x1082;
	[sflag:s4] =	ssyncset.s32 $0xFFFFF086  }
0x25: {  	[simem:s6], [sflag:s4] =	dma.local [hbm:s3], $0xF7A  }
0x26: {  	[smem:$0x3F8E] =	sst s1;
	(tag) =	ssettag s2;
	_ =	strace s9  }
0x27: {  	s1 =	sld [smem:$0x3F9E]  }
0x28: {  	s2 =	sld [smem:$0x3F9F]  }
0x29: {  	s4 =	sld [smem:$0x3FA1]  }
0x2a: {  	p0 =	seq.s32 s5, $0x0;
	s5 =	sld [smem:$0x3FA2]  }
0x2b: {  	s6 =	sld [smem:$0x3FA3]  }
0x2c: {  	s7 =	sld [smem:$0x3FA4]  }
0x2d: {  	s3 =	simm.s32 $0x108;
	s8 =	sld [smem:$0x3FA5]  }
0x2e: {  	s3 =	simm.s32 @!p0 $0x1082;
	s9 =	sld [smem:$0x3FA6]  }
0x2f: {  	lr =	sadd.s32 s0, s3;
	s0 =	sld [smem:$0x3F9D]  }
0x30: {  	s3 =	sld [smem:$0x3FA0]  }
0x31: {  	[smem:$0x3FA9] =	sst s10  }
0x32: {  	s10 =	sld [smem:$0x3FA7];
	_ =	sdelay $0x3  }
0x33: {  	p0 =	seq.s32 s10, $0x1;
	s10 =	sld [smem:$0x3FA9];
	_ =	sdelay $0x3  }
0x34: {  	[smem:$0x3FA9] =	sst s10  }
0x35: {  	s10 =	sld [smem:$0x3FA8];
	_ =	sdelay $0x3  }
0x36: {  	p1 =	seq.s32 s10, $0x1;
	s10 =	sld [smem:$0x3FA9];
	_ =	sdelay $0x3  }
0x37: {  	[smem:$0x3FA9] =	sst s10  }
0x38: {  	s10 =	sld [smem:$0x3FAA]  }
0x39: {  	_ = 	snop;
	(pc) =	sbr.ind lr, $3  }
0x3a: {  	_ = 	snop  }
0x3b: {  	_ = 	snop  }
0x3c: {  	p2 =	seq.s32 s10, $0x1;
	s10 =	sld [smem:$0x3FA9]  }
0x3d: {  	_ =	shalt  }
0x3e: {  	_ =	shalt  }
0x3f: {  	_ =	shalt  }
0x40: {  	_ =	shalt  }
0x41: {  	_ =	shalt  }
0x42: {  	_ =	shalt  }
0x43: {  	_ =	shalt  }
0x44: {  	_ =	shalt  }
0x45: {  	_ =	shalt  }
0x46: {  	_ =	shalt  }
0x47: {  	_ =	shalt  }
0x48: {  	_ =	shalt  }
0x49: {  	_ =	shalt  }
0x4a: {  	_ =	shalt  }
0x4b: {  	_ =	shalt  }
0x4c: {  	_ =	shalt  }
0x4d: {  	_ =	shalt  }
0x4e: {  	_ =	shalt  }
0x4f: {  	_ =	shalt  }
0x50: {  	_ =	shalt  }
0x51: {  	_ =	shalt  }
0x52: {  	_ =	shalt  }
0x53: {  	_ =	shalt  }
0x54: {  	_ =	shalt  }
0x55: {  	_ =	shalt  }
0x56: {  	_ =	shalt  }
0x57: {  	_ =	shalt  }
0x58: {  	_ =	shalt  }
0x59: {  	_ =	shalt  }
0x5a: {  	_ =	shalt  }
0x5b: {  	_ =	shalt  }
0x5c: {  	_ =	shalt  }
0x5d: {  	_ =	shalt  }
0x5e: {  	_ =	shalt  }
0x5f: {  	_ =	shalt  }
0x60: {  	_ =	shalt  }
0x61: {  	_ =	shalt  }
0x62: {  	_ =	shalt  }
0x63: {  	_ =	shalt  }
0x64: {  	_ =	shalt  }
0x65: {  	_ =	shalt  }
0x66: {  	_ =	shalt  }
0x67: {  	_ =	shalt  }
0x68: {  	_ =	shalt  }
0x69: {  	_ =	shalt  }
0x6a: {  	_ =	shalt  }
0x6b: {  	_ =	shalt  }
0x6c: {  	_ =	shalt  }
0x6d: {  	_ =	shalt  }
0x6e: {  	_ =	shalt  }
0x6f: {  	_ =	shalt  }
0x70: {  	_ =	shalt  }
0x71: {  	_ =	shalt  }
0x72: {  	_ =	shalt  }
0x73: {  	_ =	shalt  }
0x74: {  	_ =	shalt  }
0x75: {  	_ =	shalt  }
0x76: {  	_ =	shalt  }
0x77: {  	_ =	shalt  }
0x78: {  	_ =	shalt  }
0x79: {  	_ =	shalt  }
0x7a: {  	_ =	shalt  }
0x7b: {  	_ =	shalt  }
0x7c: {  	_ =	shalt  }
0x7d: {  	_ =	shalt  }
0x7e: {  	_ =	shalt  }
0x7f: {  	_ =	shalt  }
0x80: {  	_ =	shalt  }
0x81: {  	_ =	shalt  }
0x82: {  	_ =	shalt  }
0x83: {  	_ =	shalt  }
0x84: {  	_ =	shalt  }
0x85: {  	_ =	shalt  }
0x86: {  	_ =	shalt  }
0x87: {  	_ =	shalt  }
.Lfunc_end0:
.L_simem_size_0:
called_computation.2_lowered:
.L_overlay_start_0:
0x88: {  	s2 =	sld [smem:$0x3FD9]  }
0x89: {  	s3 =	sld [smem:$0x3FFE];
	_ =	sdelay $0x1  }
0x8a: {  	s1 =	srdreg.scid  }
0x8b: {  	s0 =	sand.u32 $0x1, s1  }
0x8c: {  	s16 =	sshll.u32 s0, $0xA;
	s2 =	sadd.s32 s3, s2  }
0x8d: {  	s2 =	sadd.s32 s2, s16  }
0x8e: {  	[smem:$0x3FB5] =	sst s2  }
0x8f: {  	_ = 	snop  }
0x90: {  	(tm) =	ssettm $0x1  }
0x91: {  	s17 =	sld [smem:$0x3FFB];
	_ =	sdelay $0x3  }
0x92: {  	_ =	strace s17  }
0x93: {  	s2 =	sld [smem:$0x3FFC];
	_ =	sdelay $0x3  }
0x94: {  	_ =	strace s2  }
0x95: {  	s2 =	sld [smem:$0x3FFD];
	_ =	sdelay $0x3  }
0x96: {  	_ =	strace s2  }
0x97: {  	_ =	strace $0x8FFFFFFF  }
0x98: {  	s18 =	sld [smem:$0x3FDB];
	_ =	sdelay $0x1  }
0x99: {  	s19 =	simm.s32 $_scs_section_size  }
0x9a: {  	s4 =	simm.s32 $_size__tile_overlayer_lowered;
	s5 =	simm.s32 $_tile_overlayer_lowered  }
0x9b: {  	s22 =	simm.s32 $0x1BFF;
	s21 =	sshll.u32 s5, $0x1;
	s2 =	sadd.s32 s19, s18  }
0x9c: {  	s6 =	simm.s32 $0x0;
	s20 =	sshll.u32 s4, $0x1;
	s4 =	sadd.s32 s21, s2  }
0x9d: {  	[timem:s6], [sflag:s22] =	dma.local [hbm:s4], s20  }
0x9e: {  	_ =	swait.ge [sflag:s22], s20  }
0x9f: {  	s3 =	ssub.s32 $0x0, s20;
	[sflag:s22] =	ssyncset.done $0x0  }
0xa0: {  	[sflag:s22] =	ssyncadd.s32 s3;
	_ =	sdelay $0x1  }
0xa1: {  	s23 =	simm.s32 $0x1B8B  }
0xa2: {  	_ =	swait.ge [sflag:s23], $0x1  }
0xa3: {  	[sflag:s23] =	ssyncset.done $0x0  }
0xa4: {  	s25 =	simm.s32 $0x1B8E;
	s24 =	sld [smem:$0x3FFE];
	[sflag:s23] =	ssyncadd.s32 $0xFFFFFFFF  }
0xa5: {  	s26 =	simm.s32 $execute0_lowered;
	[smem:$0x3FD2] =	sst s25  }
0xa6: {  	s4 =	sshll.u32 s26, $0x1;
	_ =	strace $0x8000004C;
	[dreg:$0x1] =	wrdreg $0xFFFFFFFF  }
0xa7: {  	s28 =	simm.s32 $_size_execute0_lowered;
	s2 =	sadd.s32 s2, s4;
	[dreg:$0x0] =	wrdreg $0x0  }
0xa8: {  	s4 =	sshll.u32 s28, $0x1;
	[dreg:$0x2] =	wrdreg s2  }
0xa9: {  	[dreg:$0x3] =	wrdreg s4  }
0xaa: {  	[dreg:$0x4] =	wrdreg $0xC0  }
0xab: {  	_ =	task [dreg:s6], $0x5FFFF  }
0xac: {  	[dreg:$0x1] =	wrdreg $0xFFFFFFFF  }
0xad: {  	[dreg:$0x0] =	wrdreg $0x60  }
0xae: {  	[dreg:$0x2] =	wrdreg s24  }
0xaf: {  	[dreg:$0x3] =	wrdreg $0x120000  }
0xb0: {  	[dreg:$0x4] =	wrdreg $0x9  }
0xb1: {  	_ =	task.clear_ibuf [dreg:s6], $0x5FFFF;
	_ =	strace $0x9000004C  }
0xb2: {  	s29 =	simm.s32 $0x9;
	_ =	strace $0x8000004E  }
0xb3: {  	_ =	swait.ge [sflag:s29], $0x1  }
0xb4: {  	[sflag:s29] =	ssyncadd.s32 $0xFFFFFFFF  }
0xb5: {  	_ =	strace $0x9000004E  }
0xb6: {  	_ =	sfence  }
0xb7: {  	s30 =	sld [smem:$0x0];
	_ =	sdelay $0x2  }
0xb8: {  	s31 =	sshll.u32 s1, $0xD;
	s1 =	sshrl.u32 s1, $0x2  }
0xb9: {  	s3 =	sand.u32 $0x4000, s31;
	s1 =	sadd.s32 s1, s30  }
0xba: {  	s0 =	sor.u32 s3, s0;
	s1 =	sshll.u32 s1, $0x11  }
0xbb: {  	s0 =	sor.u32 s1, s0  }
0xbc: {  	s0 =	sadd.s32 $0x8F2B, s0  }
0xbd: {  	[sflag:s0] =	ssyncadd.remote.s32 $0x1  }
0xbe: {  	_ =	sfence.sel $0xFFFF  }
0xbf: {  	[dreg:$0x0] =	wrdreg $0xFFFFFFFF;
	(pc) =	sbr.abs _section_cstart, $3  }
0xc0: {  	[dreg:$0x1] =	wrdreg $0xFFFFFFFF  }
0xc1: {  	_ =	task.clear_ibuf [dreg:s6], $0x2FFFF;
	_ =	strace $0x9FFFFFFF  }
0xc2: {  	(tm) =	ssettm $0x7FFFFFFF  }
0xc3: {  	_ =	shalt  }
tec
execute0_lowered:
.L_overlay_start_1:
0x0: {  	(tag) =	ssettag $0x1  }
0x1: {  	s5 =	rddreg [dreg:$0x0];
	s0 =	stileid.u32  }
0x2: {  	s1 =	srdreg.scid;
	s2 =	rddreg [dreg:$0x1]  }
0x3: {  	s3 =	simm.s32 $0x0;
	s13 =	simm.s32 $0x4;
	s14 =	simm.s32 $0x5000  }
0x4: {  	s15 =	simm.s32 $0x80;
	s17 =	simm.s32 $0x3;
	s6 =	smul.u32 $0xA00, s0  }
0x5: {  	s7 =	sand.u32 $0x1, s1;
	s1 =	rddreg [dreg:$0x2];
	s9 =	smul.u32 $0xA000, s0  }
0x6: {  	s18 =	simm.s32 $0x0;
	[smem:$0x7FF] =	sst s3;
	s10 =	smul.u32 $0x28000, s0  }
0x7: {  	s4 =	sadd.s32 $0x18800, s5;
	s8 =	smul.u32 $0xA0000, s7;
	_ =	strace $0x8000004D  }
0x8: {  	s28 =	ssub.s32 $0x2, s7;
	s16 =	smul.u32 $0xFFFFEC40, s7;
	s11 =	sadd.s32 s6, s5  }
0x9: {  	s29 =	sshrl.u32 s10, $0x2;
	s31 =	sshrl.u32 s28, $0x1;
	s26 =	sadd.s32 s9, s8  }
0xa: {  	s12 =	ssub.s32 s28, s31;
	s8 =	sadd.s32 $0x4800, s11;
	s9 =	sadd.s32 $0xE800, s11  }
0xb: {  	v0 =	vmov s16;
	s16 =	simm.s32 $0xE000;
	s6 =	sshrl.u32 s26, $0x3;
	s11 =	smax.u32 s12, $0x1  }
0xc: {  	s12 =	simm.s32 $0xA000;
	s30 =	sadd.s32 s6, s5;
	s5 =	sadd.s32 s29, s2  }
0xd: {  	v1 =	vimm.f32 $0.0e+00;
	s6 =	sadd.s32 $0x4000, s5;
	s7 =	sadd.s32 $0x8000, s5;
	s10 =	sadd.s32 $0x3FA00, s30  }
.LBB2_1:
0xe: {  	s19 =	sand.u32 $0xFE00, s3  }
0xf: {  	s20 =	sand.u32 $0x70, s3;
	s21 =	sshrl.u32 s19, $0x2  }
0x10: {  	s19 =	simm.s32 $0x40;
	s21 =	sor.u32 s20, s21;
	s20 =	simm.s32 $0x0  }
.LBB2_2:
0x11: {  	p0 =	sne.s32 s19, $0xFFC0  }
0x12: {  	[tilespmem:s21+$0xA000] =	vst v1;
	s20 =	sadd.s32 $0x10, s20;
	s21 =	smov.u32 s19;
	s19 =	sadd.s32 $0x40, s19  }
.Ltmp0:
0x13: {  	(pc) =	sbr.rel @p0 .LBB2_2-.Ltmp0, $4  }
0x14: {  	_ = 	snop  }
0x15: {  	s21 =	sand.u32 $0xFE00, s21  }
0x16: {  	s22 =	sand.u32 $0x70, s20;
	s21 =	sshrl.u32 s21, $0x2  }
0x17: {  	s21 =	sor.u32 s22, s21  }
0x18: {  	[tilespmem:s21+$0xA000] =	vst v1  }
0x19: {  	[spmem:s5] =	stream.linear.scatter [tilespmem:s12], [sflag:$0x4], $0x4000, $0x38;
	[tilespmem:$0x1C000] =	vst v63  }
0x1a: {  	_ =	swait.ge [sflag:s13], $0x4000  }
0x1b: {  	[sflag:s13] =	ssyncset.done $0x0  }
0x1c: {  	[sflag:s13] =	ssyncadd.s32 $0xFFFFC000  }
0x1d: {  	[spmem:s6] =	stream.linear.scatter [tilespmem:s12], [sflag:$0x4], $0x4000, $0x38;
	[tilespmem:$0x1C000] =	vst v63  }
0x1e: {  	_ =	swait.ge [sflag:s13], $0x4000  }
0x1f: {  	[sflag:s13] =	ssyncset.done $0x0  }
0x20: {  	[sflag:s13] =	ssyncadd.s32 $0xFFFFC000  }
0x21: {  	[spmem:s7] =	stream.linear.scatter [tilespmem:s12], [sflag:$0x4], $0x2000, $0x38;
	[tilespmem:$0x1C000] =	vst v63  }
0x22: {  	_ =	swait.ge [sflag:s13], $0x2000  }
0x23: {  	[sflag:s13] =	ssyncset.done $0x0  }
0x24: {  	s19 =	simm.s32 $0x0;
	[sflag:s13] =	ssyncadd.s32 $0xFFFFE000  }
0x25: {  	[tilespmem:s19], [sflag:$0x4] =	stream.linear.gather [hbm4b:s8+s19], $0x4F00, $0x38;
	[tilespmem:$0x1C000] =	vst v63  }
0x26: {  	_ =	swait.ge [sflag:s13], $0x4F00  }
0x27: {  	[sflag:s13] =	ssyncset.done $0x0  }
0x28: {  	[sflag:s13] =	ssyncadd.s32 $0xFFFFB100  }
0x29: {  	[tilespmem:s14], [sflag:$0x4] =	stream.linear.gather [hbm4b:s9+s19], $0x4F00, $0x38;
	[tilespmem:$0x1C000] =	vst v63  }
0x2a: {  	s20 =	sand.u32 $0x1FE00, s19;
	_ =	swait.ge [sflag:s13], $0x4F00  }
0x2b: {  	s20 =	sshrl.u32 s20, $0x2;
	s19 =	sand.u32 $0x70, s19;
	[sflag:s13] =	ssyncset.done $0x0  }
0x2c: {  	s19 =	sor.u32 s19, s20;
	[sflag:s13] =	ssyncadd.s32 $0xFFFFB100  }
0x2d: {  	v2 =	vld [tilespmem:s19+$0x5000];
	_ =	sdelay $0x3  }
0x2e: {  	s31 =	simm.s32 $0x40  }
0x2f: {  	s21 =	simm.s32 $0x10;
	s22 =	sand.u32 $0x1FE00, s31;
	s20 =	simm.s32 $0x80;
	v2 =	vadd.s32 v0, v2  }
.LBB2_4:
0x30: {  	p0 =	sne.s32 s20, $0x13BC0;
	s23 =	sand.u32 $0x70, s21;
	s22 =	sshrl.u32 s22, $0x2;
	v2 =	vmin.u32 v2, $0x13C0  }
0x31: {  	[tilespmem:s19+$0x5000] =	vst v2;
	s19 =	sor.u32 s23, s22  }
0x32: {  	v2 =	vld [tilespmem:s19+$0x5000]  }
.Ltmp1:
0x33: {  	(pc) =	sbr.rel @p0 .LBB2_4-.Ltmp1, $2  }
0x34: {  	_ =	sdelay $0x2  }
0x35: {  	s21 =	sadd.s32 $0x10, s21;
	s22 =	sand.u32 $0x1FE00, s20;
	s20 =	sadd.s32 $0x40, s20;
	v2 =	vadd.s32 v0, v2  }
0x36: {  	s20 =	sand.u32 $0x70, s21;
	s26 =	sshrl.u32 s22, $0x2;
	v2 =	vmin.u32 v2, $0x13C0  }
0x37: {  	s20 =	sor.u32 s20, s26;
	[tilespmem:s19+$0x5000] =	vst v2  }
0x38: {  	v2 =	vld [tilespmem:s20+$0x5000];
	_ =	sdelay $0x4  }
0x39: {  	v2 =	vadd.s32 v0, v2  }
0x3a: {  	v2 =	vmin.u32 v2, $0x13C0  }
0x3b: {  	s30 =	simm.s32 $0x0;
	[tilespmem:s20+$0x5000] =	vst v2  }
0x3c: {  	s31 =	sand.u32 $0x1, s30;
	[bflag:$0x0] =	sbarrier.arrive $0xFFFF  }
0x3d: {  	[tilespmem:s12], [sflag:$0x1] =	stream.indirect.gather [hbm4b:s4+s15], $0x80, s30, s15, $0xb8;
	[tilespmem:$0x1C000] =	vst v63  }
0x3e: {  	s21 =	sadd.s32 $0x1, s31  }
0x3f: {  	[tilespmem:s16], [sflag:$0x2] =	stream.indirect.gather [hbm4b:s4+s15], $0x80, s15, s15, $0xb8;
	[tilespmem:$0x1C000] =	vst v63  }
0x40: {  	s24 =	simm.s32 $0x5000;
	p1 =	por $0x0, $0x0;
	_ =	swait.ge [sflag:s21], $0x4000  }
0x41: {  	s19 =	simm.s32 $0x1;
	s22 =	sshll.u32 s31, $0xE;
	[sflag:s21] =	ssyncset.done $0x0  }
0x42: {  	s26 =	simm.s32 $0x2;
	s28 =	sor.u32 $0xA000, s22;
	[sflag:s21] =	ssyncadd.s32 $0xFFFFC000  }
0x43: {  	[spmem:s2] =	stream.indirect.scatter.add.f32 [tilespmem:s28], [sflag:$0x3], $0x80, s24, s15, $0xb8;
	[tilespmem:$0x1C000] =	vst v63  }
0x44: {  	s29 =	simm.s32 @!p1 $0x80;
	s23 =	sand.u32 $0x1, s19;
	_ =	swait.ge [sflag:s17], $0x4000  }
0x45: {  	s25 =	sshll.u32 s23, $0xE;
	s22 =	simm.s32 $0x180;
	[sflag:s17] =	ssyncset.done $0x0  }
0x46: {  	s20 =	simm.s32 $0x100;
	s24 =	simm.s32 $0x5080;
	[sflag:s17] =	ssyncadd.s32 $0xFFFFC000  }
.LBB2_6:
0x47: {  	[tilespmem:s28], [sflag:s21] =	stream.indirect.gather @!p1 [hbm4b:s4+s29], $0x80, s20, s29, $0xb8;
	[tilespmem:$0x1C000] =	vst v63  }
0x48: {  	s29 =	smov.u32 s19;
	s19 =	smov.u32 s26;
	s20 =	smov.u32 s22  }
0x49: {  	s26 =	sadd.s32 $0x1, s26;
	s21 =	sadd.s32 $0x1, s23;
	s23 =	sand.u32 $0x1, s19  }
0x4a: {  	p0 =	sne.s32 s26, $0x9E;
	s30 =	sshll.u32 s23, $0xE;
	_ =	swait.ge [sflag:s21], $0x4000  }
0x4b: {  	[sflag:s21] =	ssyncset.done $0x0  }
.Ltmp2:
0x4c: {  	s28 =	sor.u32 $0xA000, s25;
	[sflag:s21] =	ssyncadd.s32 $0xFFFFC000;
	(pc) =	sbr.rel @p0 .LBB2_6-.Ltmp2, $4  }
0x4d: {  	[spmem:s2] =	stream.indirect.scatter.add.f32 [tilespmem:s28], [sflag:$0x3], $0x80, s24, s15, $0xb8;
	[tilespmem:$0x1C000] =	vst v63  }
0x4e: {  	s25 =	smov.u32 s30;
	_ =	swait.ge [sflag:s17], $0x4000  }
0x4f: {  	p1 =	sgt.u32 s29, $0x9B;
	s24 =	sadd.s32 $0x80, s24;
	[sflag:s17] =	ssyncset.done $0x0  }
0x50: {  	s22 =	sadd.s32 $0x80, s22;
	s29 =	simm.s32 @!p1 $0x80;
	[sflag:s17] =	ssyncadd.s32 $0xFFFFC000  }
0x51: {  	[tilespmem:s28], [sflag:s21] =	stream.indirect.gather @!p1 [hbm4b:s4+s29], $0x80, s20, s29, $0xb8;
	[tilespmem:$0x1C000] =	vst v63  }
0x52: {  	s20 =	sadd.s32 $0x1, s23  }
0x53: {  	_ =	swait.ge [sflag:s20], $0x4000  }
0x54: {  	[sflag:s20] =	ssyncset.done $0x0  }
0x55: {  	s21 =	sor.u32 $0xA000, s25;
	[sflag:s20] =	ssyncadd.s32 $0xFFFFC000  }
0x56: {  	[spmem:s2] =	stream.indirect.scatter.add.f32 [tilespmem:s21], [sflag:$0x3], $0x80, s24, s15, $0xb8;
	[tilespmem:$0x1C000] =	vst v63  }
0x57: {  	_ =	swait.ge [sflag:s17], $0x4000  }
0x58: {  	p0 =	sgt.u32 s19, $0x9B;
	[sflag:s17] =	ssyncset.done $0x0  }
0x59: {  	s18 =	sadd.s32 $0x1, s18;
	s19 =	simm.s32 @!p0 $0x80;
	[sflag:s17] =	ssyncadd.s32 $0xFFFFC000  }
0x5a: {  	[tilespmem:s21], [sflag:s20] =	stream.indirect.gather @!p0 [hbm4b:s4+s19], $0x80, s22, s19, $0xb8;
	[tilespmem:$0x1C000] =	vst v63  }
0x5b: {  	s30 =	sshll.u32 s0, $0x6;
	s31 =	sshrl.u32 s5, $0x3;
	p0 =	sne.s32 s18, s11  }
.Ltmp3:
0x5c: {  	s19 =	sor.u32 $0x1C04, s30;
	[bflag:$0x0] =	sbarrier.arrive $0xFFFF;
	(pc) =	sbr.rel @p0 .LBB2_1-.Ltmp3, $4  }
0x5d: {  	[hbm:s10], [sflag:s19] =	dma.local [spmem:s31], $0x1400  }
0x5e: {  	_ =	swait.ge [sflag:s13], $0x1400  }
0x5f: {  	[sflag:s13] =	ssyncset.done $0x0  }
0x60: {  	[sflag:s13] =	ssyncadd.s32 $0xFFFFEC00  }
0x61: {  	_ =	sfence.sel $0x180000  }
0x62: {  	[bflag:$0x0] =	sbarrier.arrive $0xFFFF  }
0x63: {  	p0 =	sne.s32 s0, $0x0;
	_ =	strace $0x9000004D  }
0x64: {  	s0 =	sadd.s32 @!p0 $0x100000, s1;
	[bflag:$0x2] =	sbarrier.arrive $0xFFFF  }
0x65: {  	[sflag:s0] =	ssyncadd.tile.s32 @!p0 $0x1;
	_ =	shalt  }
.Lfunc_end2:
_tile_overlayer_lowered:
.L_overlay_start_2:
0x66: {  	(tag) =	ssettag $0x2  }
0x67: {  	s0 =	rddreg [dreg:$0x0];
	s2 =	stileid.u32  }
0x68: {  	s1 =	rddreg [dreg:$0x1];
	p0 =	sne.s32 s2, $0x0  }
0x69: {  	s3 =	rddreg [dreg:$0x2];
	[bflag:$0x3] =	sbarrier.arrive $0xFFFF;
	s2 =	simm.s32 @!p0 $0x1C04  }
0x6a: {  	[timem:s3], [sflag:s2] =	dma.local @!p0 [hbm:s0], s1  }
0x6b: {  	s0 =	simm.s32 @!p0 $0x4  }
0x6c: {  	_ =	swait.ge @!p0 [sflag:s0], s1  }
0x6d: {  	s1 =	ssub.s32 @!p0 $0x0, s1;
	[sflag:s0] =	ssyncset.done @!p0 $0x0  }
0x6e: {  	[sflag:s0] =	ssyncadd.s32 @!p0 s1  }
0x6f: {  	[bflag:$0x3] =	sbarrier.arrive $0xFFFF  }
0x70: {  	_ =	shalt  }

// kernel: kernel.8.cloned.1.call-start
scs
__scs_entry_jumppad:
0x0: {  	(pc) =	sbr.rel $0x88, $3  }
0x1: {  	(tag) =	ssettag $0x0;
	lr =	simm.s32 $0x1  }
0x2: {  	[smem:$0x3F8E] =	sst lr;
	_ =	strace $0xD0000000  }
0x3: {  	_ = 	snop  }
0x4: {  	_ = 	snop  }
0x5: {  	_ = 	snop  }
0x6: {  	_ = 	snop  }
0x7: {  	_ = 	snop  }
__scs_overlays_trampoline_lowered:
0x8: {  	[smem:$0x3F9D] =	sst s0  }
0x9: {  	[smem:$0x3F9E] =	sst s1  }
0xa: {  	[smem:$0x3F9F] =	sst s2  }
0xb: {  	[smem:$0x3FA0] =	sst s3  }
0xc: {  	[smem:$0x3FA1] =	sst s4  }
0xd: {  	[smem:$0x3FA2] =	sst s5  }
0xe: {  	[smem:$0x3FA3] =	sst s6  }
0xf: {  	[smem:$0x3FA4] =	sst s7  }
0x10: {  	[smem:$0x3FA5] =	sst s8  }
0x11: {  	[smem:$0x3FA6] =	sst s9;
	s0 =	simm.s32 @!p0 $0x0  }
0x12: {  	s1 =	sld [smem:$0x3F8C];
	s0 =	simm.s32 @p0 $0x1  }
0x13: {  	[smem:$0x3FA7] =	sst s0;
	s0 =	simm.s32 @!p1 $0x0  }
0x14: {  	s2 =	sld [smem:$0x3F8B];
	s0 =	simm.s32 @p1 $0x1  }
0x15: {  	[smem:$0x3FA8] =	sst s0;
	s0 =	simm.s32 @!p2 $0x0  }
0x16: {  	s3 =	sld [smem:$0x3FDB];
	s0 =	simm.s32 @p2 $0x1  }
0x17: {  	s4 =	simm.s32 $0x1BF5;
	[smem:$0x3FAA] =	sst s0  }
0x18: {  	s0 =	sld [smem:$0x3F8D];
	_ =	swait.ge [sflag:s4], $0x0  }
0x19: {  	s7 =	sld [smem:$0x3F8E]  }
0x1a: {  	s8 =	sadd.s32 $0xFFFFE003, lr  }
0x1b: {  	s9 =	sadd.s32 $0xFFFFFEF7, lr;
	s5 =	simm.s32 $0xFFFFFFFF;
	p2 =	slt.u32 s8, $0xFFFFF086  }
0x1c: {  	p1 =	slt.u32 s9, $0xF7A;
	s5 =	simm.s32 @!p2 $0x0  }
0x1d: {  	s5 =	simm.s32 @p1 $0x1;
	p0 =	seq.s32 s7, s2  }
0x1e: {  	s7 =	smul.u32 @!p0 $0xF7A, s2;
	p2 =	seq.s32 @!p0 s5, $0x0  }
0x1f: {  	s9 =	smul.u32 $0xF7A, s1;
	s8 =	simm.s32 @!p0 $0x1BF5;
	p2 =	por !p2, p0  }
0x20: {  	[sflag:s8] =	ssyncset.s32 @!p0 $0xFFFFF086;
	s6 =	sadd.s32 @!p0 s3, s7;
	s7 =	simm.s32 @!p0 $0x108  }
0x21: {  	s3 =	sadd.s32 s3, s9;
	s6 =	sadd.s32 @!p0 $0x88, s6;
	s7 =	simm.s32 @p2 $0x1082  }
0x22: {  	[simem:s7], [sflag:s8] =	dma.local @!p0 [hbm:s6], $0xF7A  }
0x23: {  	s9 =	sor.u32 $0xD0000000, s2;
	s6 =	simm.s32 $0x108;
	_ =	swait.ge @!p0 [sflag:s8], $0x0  }
0x24: {  	s3 =	sadd.s32 $0x88, s3;
	s6 =	simm.s32 @!p1 $0x1082;
	[sflag:s4] =	ssyncset.s32 $0xFFFFF086  }
0x25: {  	[simem:s6], [sflag:s4] =	dma.local [hbm:s3], $0xF7A  }
0x26: {  	[smem:$0x3F8E] =	sst s1;
	(tag) =	ssettag s2;
	_ =	strace s9  }
0x27: {  	s1 =	sld [smem:$0x3F9E]  }
0x28: {  	s2 =	sld [smem:$0x3F9F]  }
0x29: {  	s4 =	sld [smem:$0x3FA1]  }
0x2a: {  	p0 =	seq.s32 s5, $0x0;
	s5 =	sld [smem:$0x3FA2]  }
0x2b: {  	s6 =	sld [smem:$0x3FA3]  }
0x2c: {  	s7 =	sld [smem:$0x3FA4]  }
0x2d: {  	s3 =	simm.s32 $0x108;
	s8 =	sld [smem:$0x3FA5]  }
0x2e: {  	s3 =	simm.s32 @!p0 $0x1082;
	s9 =	sld [smem:$0x3FA6]  }
0x2f: {  	lr =	sadd.s32 s0, s3;
	s0 =	sld [smem:$0x3F9D]  }
0x30: {  	s3 =	sld [smem:$0x3FA0]  }
0x31: {  	[smem:$0x3FA9] =	sst s10  }
0x32: {  	s10 =	sld [smem:$0x3FA7];
	_ =	sdelay $0x3  }
0x33: {  	p0 =	seq.s32 s10, $0x1;
	s10 =	sld [smem:$0x3FA9];
	_ =	sdelay $0x3  }
0x34: {  	[smem:$0x3FA9] =	sst s10  }
0x35: {  	s10 =	sld [smem:$0x3FA8];
	_ =	sdelay $0x3  }
0x36: {  	p1 =	seq.s32 s10, $0x1;
	s10 =	sld [smem:$0x3FA9];
	_ =	sdelay $0x3  }
0x37: {  	[smem:$0x3FA9] =	sst s10  }
0x38: {  	s10 =	sld [smem:$0x3FAA]  }
0x39: {  	_ = 	snop;
	(pc) =	sbr.ind lr, $3  }
0x3a: {  	_ = 	snop  }
0x3b: {  	_ = 	snop  }
0x3c: {  	p2 =	seq.s32 s10, $0x1;
	s10 =	sld [smem:$0x3FA9]  }
0x3d: {  	_ =	shalt  }
0x3e: {  	_ =	shalt  }
0x3f: {  	_ =	shalt  }
0x40: {  	_ =	shalt  }
0x41: {  	_ =	shalt  }
0x42: {  	_ =	shalt  }
0x43: {  	_ =	shalt  }
0x44: {  	_ =	shalt  }
0x45: {  	_ =	shalt  }
0x46: {  	_ =	shalt  }
0x47: {  	_ =	shalt  }
0x48: {  	_ =	shalt  }
0x49: {  	_ =	shalt  }
0x4a: {  	_ =	shalt  }
0x4b: {  	_ =	shalt  }
0x4c: {  	_ =	shalt  }
0x4d: {  	_ =	shalt  }
0x4e: {  	_ =	shalt  }
0x4f: {  	_ =	shalt  }
0x50: {  	_ =	shalt  }
0x51: {  	_ =	shalt  }
0x52: {  	_ =	shalt  }
0x53: {  	_ =	shalt  }
0x54: {  	_ =	shalt  }
0x55: {  	_ =	shalt  }
0x56: {  	_ =	shalt  }
0x57: {  	_ =	shalt  }
0x58: {  	_ =	shalt  }
0x59: {  	_ =	shalt  }
0x5a: {  	_ =	shalt  }
0x5b: {  	_ =	shalt  }
0x5c: {  	_ =	shalt  }
0x5d: {  	_ =	shalt  }
0x5e: {  	_ =	shalt  }
0x5f: {  	_ =	shalt  }
0x60: {  	_ =	shalt  }
0x61: {  	_ =	shalt  }
0x62: {  	_ =	shalt  }
0x63: {  	_ =	shalt  }
0x64: {  	_ =	shalt  }
0x65: {  	_ =	shalt  }
0x66: {  	_ =	shalt  }
0x67: {  	_ =	shalt  }
0x68: {  	_ =	shalt  }
0x69: {  	_ =	shalt  }
0x6a: {  	_ =	shalt  }
0x6b: {  	_ =	shalt  }
0x6c: {  	_ =	shalt  }
0x6d: {  	_ =	shalt  }
0x6e: {  	_ =	shalt  }
0x6f: {  	_ =	shalt  }
0x70: {  	_ =	shalt  }
0x71: {  	_ =	shalt  }
0x72: {  	_ =	shalt  }
0x73: {  	_ =	shalt  }
0x74: {  	_ =	shalt  }
0x75: {  	_ =	shalt  }
0x76: {  	_ =	shalt  }
0x77: {  	_ =	shalt  }
0x78: {  	_ =	shalt  }
0x79: {  	_ =	shalt  }
0x7a: {  	_ =	shalt  }
0x7b: {  	_ =	shalt  }
0x7c: {  	_ =	shalt  }
0x7d: {  	_ =	shalt  }
0x7e: {  	_ =	shalt  }
0x7f: {  	_ =	shalt  }
0x80: {  	_ =	shalt  }
0x81: {  	_ =	shalt  }
0x82: {  	_ =	shalt  }
0x83: {  	_ =	shalt  }
0x84: {  	_ =	shalt  }
0x85: {  	_ =	shalt  }
0x86: {  	_ =	shalt  }
0x87: {  	_ =	shalt  }
.Lfunc_end0:
.L_simem_size_0:
called_computation_lowered:
.L_overlay_start_0:
0x88: {  	s2 =	sld [smem:$0x3FD9]  }
0x89: {  	s3 =	sld [smem:$0x3FFE];
	_ =	sdelay $0x1  }
0x8a: {  	s1 =	srdreg.scid  }
0x8b: {  	s0 =	sand.u32 $0x1, s1  }
0x8c: {  	s17 =	sshll.u32 s0, $0xA;
	s2 =	sadd.s32 s3, s2  }
0x8d: {  	s2 =	sadd.s32 s2, s17  }
0x8e: {  	[smem:$0x3FB5] =	sst s2  }
0x8f: {  	_ = 	snop  }
0x90: {  	s2 =	sld [smem:$0x3FC9];
	(tm) =	ssettm $0x1  }
0x91: {  	s18 =	sld [smem:$0x3FFB];
	_ =	sdelay $0x3  }
0x92: {  	_ =	strace s18  }
0x93: {  	s3 =	sld [smem:$0x3FFC];
	_ =	sdelay $0x3  }
0x94: {  	_ =	strace s3  }
0x95: {  	s3 =	sld [smem:$0x3FFD];
	_ =	sdelay $0x3  }
0x96: {  	_ =	strace s3  }
0x97: {  	_ =	strace $0x8FFFFFFF  }
0x98: {  	s19 =	sld [smem:$0x3FDB];
	_ =	sdelay $0x1  }
0x99: {  	s4 =	simm.s32 $_scs_section_size  }
0x9a: {  	s5 =	simm.s32 $_size__tile_overlayer_lowered;
	s6 =	simm.s32 $_tile_overlayer_lowered  }
0x9b: {  	s22 =	simm.s32 $0x1BFF;
	s21 =	sshll.u32 s6, $0x1;
	s3 =	sadd.s32 s4, s19  }
0x9c: {  	s7 =	simm.s32 $0x0;
	s20 =	sshll.u32 s5, $0x1;
	s5 =	sadd.s32 s21, s3  }
0x9d: {  	[timem:s7], [sflag:s22] =	dma.local [hbm:s5], s20  }
0x9e: {  	_ =	swait.ge [sflag:s22], s20  }
0x9f: {  	s4 =	ssub.s32 $0x0, s20;
	[sflag:s22] =	ssyncset.done $0x0  }
0xa0: {  	[sflag:s22] =	ssyncadd.s32 s4;
	_ =	sdelay $0x1  }
0xa1: {  	s23 =	simm.s32 $0x1B8B  }
0xa2: {  	_ =	swait.ge [sflag:s23], $0x1  }
0xa3: {  	[sflag:s23] =	ssyncset.done $0x0  }
0xa4: {  	s25 =	simm.s32 $0x1B8E;
	s24 =	sld [smem:$0x3FFE];
	[sflag:s23] =	ssyncadd.s32 $0xFFFFFFFF  }
0xa5: {  	s26 =	simm.s32 $execute0_lowered;
	[smem:$0x3FD2] =	sst s25  }
0xa6: {  	s5 =	sshll.u32 s26, $0x1;
	_ =	strace $0x80000046;
	[dreg:$0x1] =	wrdreg $0xFFFFFFFF  }
0xa7: {  	s28 =	simm.s32 $_size_execute0_lowered;
	s3 =	sadd.s32 s3, s5;
	[dreg:$0x0] =	wrdreg $0x0  }
0xa8: {  	s5 =	sshll.u32 s28, $0x1;
	[dreg:$0x2] =	wrdreg s3  }
0xa9: {  	[dreg:$0x3] =	wrdreg s5  }
0xaa: {  	[dreg:$0x4] =	wrdreg $0xC0  }
0xab: {  	_ =	task [dreg:s7], $0x5FFFF  }
0xac: {  	[dreg:$0x1] =	wrdreg $0xFFFFFFFF  }
0xad: {  	[dreg:$0x0] =	wrdreg $0x60  }
0xae: {  	[dreg:$0x2] =	wrdreg s2  }
0xaf: {  	[dreg:$0x3] =	wrdreg s24  }
0xb0: {  	[dreg:$0x4] =	wrdreg $0x120000  }
0xb1: {  	[dreg:$0x5] =	wrdreg $0x9  }
0xb2: {  	_ =	task.clear_ibuf [dreg:s7], $0x6FFFF;
	_ =	strace $0x90000046  }
0xb3: {  	s29 =	simm.s32 $0x9;
	_ =	strace $0x80000048  }
0xb4: {  	_ =	swait.ge [sflag:s29], $0x1  }
0xb5: {  	[sflag:s29] =	ssyncadd.s32 $0xFFFFFFFF  }
0xb6: {  	_ =	strace $0x90000048  }
0xb7: {  	_ =	sfence  }
0xb8: {  	s30 =	sld [smem:$0x0];
	_ =	sdelay $0x2  }
0xb9: {  	s31 =	sshll.u32 s1, $0xD;
	s1 =	sshrl.u32 s1, $0x2  }
0xba: {  	s3 =	sand.u32 $0x4000, s31;
	s1 =	sadd.s32 s1, s30  }
0xbb: {  	s0 =	sor.u32 s3, s0;
	s1 =	sshll.u32 s1, $0x11  }
0xbc: {  	s0 =	sor.u32 s1, s0  }
0xbd: {  	s0 =	sadd.s32 $0x8F2B, s0  }
0xbe: {  	[sflag:s0] =	ssyncadd.remote.s32 $0x1  }
0xbf: {  	_ =	sfence.sel $0xFFFF  }
0xc0: {  	[dreg:$0x0] =	wrdreg $0xFFFFFFFF;
	(pc) =	sbr.abs _section_cstart, $3  }
0xc1: {  	[dreg:$0x1] =	wrdreg $0xFFFFFFFF  }
0xc2: {  	_ =	task.clear_ibuf [dreg:s7], $0x2FFFF;
	_ =	strace $0x9FFFFFFF  }
0xc3: {  	(tm) =	ssettm $0x7FFFFFFF  }
tec
execute0_lowered:
.L_overlay_start_1:
0x0: {  	(tag) =	ssettag $0x1  }
0x1: {  	s1 =	rddreg [dreg:$0x0]  }
0x2: {  	s0 =	stileid.u32;
	s5 =	rddreg [dreg:$0x1]  }
0x3: {  	s2 =	srdreg.scid;
	s3 =	rddreg [dreg:$0x2];
	s4 =	simm.s32 $0x0  }
0x4: {  	s14 =	simm.s32 $0x4;
	s15 =	simm.s32 $0x5000;
	s6 =	smul.u32 $0xA00, s0  }
0x5: {  	s16 =	simm.s32 $0x80;
	s17 =	simm.s32 $0xE000;
	s9 =	smul.u32 $0xA000, s0  }
0x6: {  	s19 =	simm.s32 $0x3;
	s7 =	sand.u32 $0x1, s2;
	s25 =	smul.u32 $0x28000, s0  }
0x7: {  	s20 =	simm.s32 $0x400;
	s2 =	rddreg [dreg:$0x3];
	s8 =	smul.u32 $0xA0000, s7  }
0x8: {  	s11 =	sshrl.u32 s0, $0x3;
	[smem:$0x7FF] =	sst s4;
	s10 =	smul.u32 $0x14000, s7  }
0x9: {  	s23 =	sshll.u32 s0, $0x7;
	s11 =	smul.u32 $0xA000, s11;
	_ =	strace $0x80000047  }
0xa: {  	s28 =	ssub.s32 $0x2, s7;
	s18 =	smul.u32 $0xFFFFEC40, s7;
	s12 =	sadd.s32 s6, s5  }
0xb: {  	s6 =	sand.u32 $0x380, s23;
	s30 =	sshrl.u32 s28, $0x1;
	s31 =	sshrl.u32 s25, $0x2  }
0xc: {  	s8 =	sadd.s32 s9, s8;
	s24 =	sadd.s32 s10, s11;
	s13 =	ssub.s32 s28, s30  }
0xd: {  	s9 =	sadd.s32 $0xE800, s12;
	s8 =	sshrl.u32 s8, $0x3;
	s6 =	sor.u32 s6, s24  }
0xe: {  	v0 =	vmov s18;
	s18 =	simm.s32 $0x1C000;
	s26 =	sadd.s32 s8, s5;
	s6 =	sshrl.u32 s6, $0x3  }
0xf: {  	s8 =	sadd.s32 $0x4800, s12;
	s12 =	smax.u32 s13, $0x1;
	s13 =	simm.s32 $0xA000  }
0x10: {  	s29 =	sadd.s32 s6, s5;
	s5 =	sadd.s32 s31, s3;
	s11 =	sadd.s32 $0x18800, s26  }
0x11: {  	v1 =	vimm.f32 $0.0e+00;
	v2 =	vimm.f32 $1.000000000e+00;
	s6 =	sadd.s32 $0x4000, s5;
	s7 =	sadd.s32 $0x8000, s5;
	s10 =	sadd.s32 $0x40800, s29  }
.LBB2_1:
0x12: {  	s21 =	simm.s32 $0x0;
	s22 =	simm.s32 $0x0  }
.LBB2_2:
0x13: {  	p0 =	sne.s32 s22, $0xFFC0  }
.Ltmp0:
0x14: {  	_ = 	snop;
	(pc) =	sbr.rel @p0 .LBB2_2-.Ltmp0, $4  }
0x15: {  	s23 =	sand.u32 $0xFE00, s22  }
0x16: {  	s24 =	sand.u32 $0x70, s21;
	s23 =	sshrl.u32 s23, $0x2  }
0x17: {  	s23 =	sor.u32 s24, s23  }
0x18: {  	s21 =	sadd.s32 $0x10, s21;
	s22 =	sadd.s32 $0x40, s22;
	[tilespmem:s23+$0xA000] =	vst v1  }
0x19: {  	s21 =	simm.s32 $0x40;
	s22 =	simm.s32 $0x0  }
.LBB2_4:
0x1a: {  	p0 =	sne.s32 s21, $0x4FC0;
	[tilespmem:s22+$0x1C000] =	vst v1;
	s22 =	smov.u32 s21;
	s21 =	sadd.s32 $0x40, s21  }
.Ltmp1:
0x1b: {  	(pc) =	sbr.rel @p0 .LBB2_4-.Ltmp1, $2  }
0x1c: {  	_ =	sdelay $0x2  }
0x1d: {  	s22 =	sshra.s32 s22, $0x2  }
0x1e: {  	[tilespmem:s22+$0x1C000] =	vst v1  }
0x1f: {  	[spmem:s5] =	stream.linear.scatter [tilespmem:s13], [sflag:$0x4], $0x4000, $0x38;
	[tilespmem:$0x1D400] =	vst v63  }
0x20: {  	_ =	swait.ge [sflag:s14], $0x4000  }
0x21: {  	[sflag:s14] =	ssyncset.done $0x0  }
0x22: {  	[sflag:s14] =	ssyncadd.s32 $0xFFFFC000  }
0x23: {  	[spmem:s6] =	stream.linear.scatter [tilespmem:s13], [sflag:$0x4], $0x4000, $0x38;
	[tilespmem:$0x1D400] =	vst v63  }
0x24: {  	_ =	swait.ge [sflag:s14], $0x4000  }
0x25: {  	[sflag:s14] =	ssyncset.done $0x0  }
0x26: {  	[sflag:s14] =	ssyncadd.s32 $0xFFFFC000  }
0x27: {  	[spmem:s7] =	stream.linear.scatter [tilespmem:s13], [sflag:$0x4], $0x2000, $0x38;
	[tilespmem:$0x1D400] =	vst v63  }
0x28: {  	_ =	swait.ge [sflag:s14], $0x2000  }
0x29: {  	[sflag:s14] =	ssyncset.done $0x0  }
0x2a: {  	s21 =	simm.s32 $0x0;
	[sflag:s14] =	ssyncadd.s32 $0xFFFFE000  }
0x2b: {  	[tilespmem:s21], [sflag:$0x4] =	stream.linear.gather [hbm4b:s8+s21], $0x4F00, $0x38;
	[tilespmem:$0x1D400] =	vst v63  }
0x2c: {  	_ =	swait.ge [sflag:s14], $0x4F00  }
0x2d: {  	[sflag:s14] =	ssyncset.done $0x0  }
0x2e: {  	[sflag:s14] =	ssyncadd.s32 $0xFFFFB100  }
0x2f: {  	[tilespmem:s15], [sflag:$0x4] =	stream.linear.gather [hbm4b:s9+s21], $0x4F00, $0x38;
	[tilespmem:$0x1D400] =	vst v63  }
0x30: {  	s30 =	sand.u32 $0x1FE00, s21;
	_ =	swait.ge [sflag:s14], $0x4F00  }
0x31: {  	s22 =	sshrl.u32 s30, $0x2;
	s21 =	sand.u32 $0x70, s21;
	[sflag:s14] =	ssyncset.done $0x0  }
0x32: {  	s21 =	sor.u32 s21, s22;
	[sflag:s14] =	ssyncadd.s32 $0xFFFFB100  }
0x33: {  	v3 =	vld [tilespmem:s21+$0x5000];
	_ =	sdelay $0x3  }
0x34: {  	s31 =	simm.s32 $0x40  }
0x35: {  	s23 =	simm.s32 $0x10;
	s24 =	sand.u32 $0x1FE00, s31;
	s22 =	simm.s32 $0x80;
	v3 =	vadd.s32 v0, v3  }
.LBB2_6:
0x36: {  	p0 =	sne.s32 s22, $0x13BC0;
	s25 =	sand.u32 $0x70, s23;
	s24 =	sshrl.u32 s24, $0x2;
	v3 =	vmin.u32 v3, $0x13C0  }
0x37: {  	[tilespmem:s21+$0x5000] =	vst v3;
	s21 =	sor.u32 s25, s24  }
0x38: {  	v3 =	vld [tilespmem:s21+$0x5000]  }
.Ltmp2:
0x39: {  	(pc) =	sbr.rel @p0 .LBB2_6-.Ltmp2, $2  }
0x3a: {  	_ =	sdelay $0x2  }
0x3b: {  	s23 =	sadd.s32 $0x10, s23;
	s24 =	sand.u32 $0x1FE00, s22;
	s22 =	sadd.s32 $0x40, s22;
	v3 =	vadd.s32 v0, v3  }
0x3c: {  	s22 =	sand.u32 $0x70, s23;
	s31 =	sshrl.u32 s24, $0x2;
	v3 =	vmin.u32 v3, $0x13C0  }
0x3d: {  	s22 =	sor.u32 s22, s31;
	[tilespmem:s21+$0x5000] =	vst v3  }
0x3e: {  	v3 =	vld [tilespmem:s22+$0x5000];
	_ =	sdelay $0x4  }
0x3f: {  	v3 =	vadd.s32 v0, v3  }
0x40: {  	v3 =	vmin.u32 v3, $0x13C0  }
0x41: {  	[tilespmem:s22+$0x5000] =	vst v3  }
0x42: {  	s21 =	simm.s32 $0x0;
	[bflag:$0x0] =	sbarrier.arrive $0xFFFF  }
0x43: {  	[tilespmem:s13], [sflag:$0x1] =	stream.indirect.gather [hbm4b:s1+s16], $0x80, s21, s16, $0xb8;
	[tilespmem:$0x1D400] =	vst v63  }
0x44: {  	s23 =	simm.s32 $0x5000;
	s22 =	simm.s32 $0x100  }
0x45: {  	[tilespmem:s17], [sflag:$0x2] =	stream.indirect.gather [hbm4b:s1+s16], $0x80, s16, s16, $0xb8;
	[tilespmem:$0x1D400] =	vst v63  }
.LBB2_8:
0x46: {  	s24 =	sand.u32 $0x1, s21  }
0x47: {  	s25 =	sadd.s32 $0x1, s24  }
0x48: {  	_ =	swait.ge [sflag:s25], $0x4000  }
0x49: {  	s24 =	sshll.u32 s24, $0xE;
	[sflag:s25] =	ssyncset.done $0x0  }
0x4a: {  	s24 =	sor.u32 $0xA000, s24;
	[sflag:s25] =	ssyncadd.s32 $0xFFFFC000  }
0x4b: {  	[spmem:s3] =	stream.indirect.scatter.add.f32 [tilespmem:s24], [sflag:$0x3], $0x80, s23, s16, $0xb8;
	[tilespmem:$0x1D400] =	vst v63  }
0x4c: {  	v3 =	vld [tilespmem:s23+$0x0];
	_ =	sdelay $0x7  }
0x4d: {  	[tilespmem:v3+s18+$0x0] =	vst.idx.add.f32.msk $0xffff, v2  }
0x4e: {  	v3 =	vld [tilespmem:s23+$0x10];
	_ =	sdelay $0x7  }
0x4f: {  	[tilespmem:v3+s18+$0x0] =	vst.idx.add.f32.msk $0xffff, v2  }
0x50: {  	v3 =	vld [tilespmem:s23+$0x20];
	_ =	sdelay $0x7  }
0x51: {  	[tilespmem:v3+s18+$0x0] =	vst.idx.add.f32.msk $0xffff, v2  }
0x52: {  	v3 =	vld [tilespmem:s23+$0x30];
	_ =	sdelay $0x7  }
0x53: {  	[tilespmem:v3+s18+$0x0] =	vst.idx.add.f32.msk $0xffff, v2  }
0x54: {  	v3 =	vld [tilespmem:s23+$0x40];
	_ =	sdelay $0x7  }
0x55: {  	[tilespmem:v3+s18+$0x0] =	vst.idx.add.f32.msk $0xffff, v2  }
0x56: {  	v3 =	vld [tilespmem:s23+$0x50];
	_ =	sdelay $0x7  }
0x57: {  	[tilespmem:v3+s18+$0x0] =	vst.idx.add.f32.msk $0xffff, v2  }
0x58: {  	v3 =	vld [tilespmem:s23+$0x60];
	_ =	sdelay $0x7  }
0x59: {  	[tilespmem:v3+s18+$0x0] =	vst.idx.add.f32.msk $0xffff, v2  }
0x5a: {  	v3 =	vld [tilespmem:s23+$0x70];
	_ =	sdelay $0x7  }
0x5b: {  	[tilespmem:v3+s18+$0x0] =	vst.idx.add.f32.msk $0xffff, v2  }
0x5c: {  	_ =	swait.ge [sflag:s19], $0x4000  }
0x5d: {  	p0 =	sgt.u32 s21, $0x9B;
	[sflag:s19] =	ssyncset.done $0x0  }
0x5e: {  	s21 =	sadd.s32 $0x1, s21;
	s26 =	simm.s32 @!p0 $0x80;
	[sflag:s19] =	ssyncadd.s32 $0xFFFFC000  }
0x5f: {  	[tilespmem:s24], [sflag:s25] =	stream.indirect.gather @!p0 [hbm4b:s1+s26], $0x80, s22, s26, $0xb8;
	[tilespmem:$0x1D400] =	vst v63  }
0x60: {  	p0 =	sne.s32 s21, $0x9E  }
.Ltmp3:
0x61: {  	_ = 	snop;
	(pc) =	sbr.rel @p0 .LBB2_8-.Ltmp3, $2  }
0x62: {  	_ =	sdelay $0x2  }
0x63: {  	s23 =	sadd.s32 $0x80, s23;
	s22 =	sadd.s32 $0x80, s22  }
0x64: {  	[hbm4b:s10+s16] =	stream.strided.scatter [tilespmem:s18], [sflag:$0x4], $0x1400, s20, s16, $0x38;
	[tilespmem:$0x1D400] =	vst v63  }
0x65: {  	_ =	swait.ge [sflag:s14], $0x1400  }
0x66: {  	s21 =	sshll.u32 s0, $0x6;
	s4 =	sadd.s32 $0x1, s4;
	[sflag:s14] =	ssyncset.done $0x0  }
0x67: {  	s22 =	sshrl.u32 s5, $0x3;
	p0 =	sne.s32 s4, s12;
	[sflag:s14] =	ssyncadd.s32 $0xFFFFEC00  }
.Ltmp4:
0x68: {  	s21 =	sor.u32 $0x1C04, s21;
	[bflag:$0x0] =	sbarrier.arrive $0xFFFF;
	(pc) =	sbr.rel @p0 .LBB2_1-.Ltmp4, $4  }
0x69: {  	[hbm:s11], [sflag:s21] =	dma.local [spmem:s22], $0x1400  }
0x6a: {  	_ =	swait.ge [sflag:s14], $0x1400  }
0x6b: {  	[sflag:s14] =	ssyncset.done $0x0  }
0x6c: {  	[sflag:s14] =	ssyncadd.s32 $0xFFFFEC00  }
0x6d: {  	_ =	sfence.sel $0x180000  }
0x6e: {  	[bflag:$0x0] =	sbarrier.arrive $0xFFFF  }
0x6f: {  	p0 =	sne.s32 s0, $0x0;
	_ =	strace $0x90000047  }
0x70: {  	s0 =	sadd.s32 @!p0 $0x100000, s2;
	[bflag:$0x2] =	sbarrier.arrive $0xFFFF  }
0x71: {  	[sflag:s0] =	ssyncadd.tile.s32 @!p0 $0x1;
	_ =	shalt  }
.Lfunc_end2:
_tile_overlayer_lowered:
.L_overlay_start_2:
0x72: {  	(tag) =	ssettag $0x2  }
0x73: {  	s0 =	rddreg [dreg:$0x0];
	s2 =	stileid.u32  }
0x74: {  	s1 =	rddreg [dreg:$0x1];
	p0 =	sne.s32 s2, $0x0  }
0x75: {  	s3 =	rddreg [dreg:$0x2];
	[bflag:$0x3] =	sbarrier.arrive $0xFFFF;
	s2 =	simm.s32 @!p0 $0x1C04  }
0x76: {  	[timem:s3], [sflag:s2] =	dma.local @!p0 [hbm:s0], s1  }
0x77: {  	s0 =	simm.s32 @!p0 $0x4  }
0x78: {  	_ =	swait.ge @!p0 [sflag:s0], s1  }
0x79: {  	s1 =	ssub.s32 @!p0 $0x0, s1;
	[sflag:s0] =	ssyncset.done @!p0 $0x0  }
0x7a: {  	[sflag:s0] =	ssyncadd.s32 @!p0 s1  }
0x7b: {  	[bflag:$0x3] =	sbarrier.arrive $0xFFFF  }
0x7c: {  	_ =	shalt  }

</sc_bundles>
